<compile_context>
chip_gen: v7x
topology: tpu7x:2x2x1
jax: 0.10.2.dev20260603
libtpu: 0.0.44.dev20260713+nightly
codegen_flags: <defaults>
</compile_context>

<pallas_src>
import jax
import jax.numpy as jnp
from jax import lax
from jax.experimental import pallas as pl
from jax.experimental.pallas import tpu as pltpu
from jax.experimental.pallas import tpu_sc as plsc

N = 10000
E = 160000
D = 128
DO = 127

NT = 32
CPT = 320
WPC = 313
BMW = 100160
CHUNK = 2000
NCH = E // CHUNK
PCAP = 4032
OCAP = 4096
FLUSH = 512
ROWCAP = 321536
CNTP = 384
ACCR = 336

_i32 = jnp.int32


def _iota16():
  return lax.iota(_i32, 16)


def _splat(x):
  return jnp.zeros((16,), _i32) + x


def _append_ring(ref, ocur, vals, mask):
  rank = plsc.cumsum(jnp.ones((16,), _i32), mask=mask)
  pos = (ocur + rank - 1) & (OCAP - 1)
  plsc.store_scatter(ref, [pos], vals, mask=mask)
  return ocur + plsc.all_reduce_population_count(mask)


def _k1_body(col_hbm, src_hbm, dst_hbm, zbm_hbm, pairs_hbm, lens_hbm, cnt_hbm,
             col_v, bm, pend, ostage, cnt_v, sbuf, dbuf, sbuf2, dbuf2, lenv,
             sem_as, sem_ad, sem_bs, sem_bd):
  core = lax.axis_index("c")
  sub = lax.axis_index("s")
  wid = sub * 2 + core
  lo = wid * CPT
  hi = jnp.minimum(lo + CPT, N)
  iot = _iota16()

  pltpu.sync_copy(col_hbm, col_v)

  pltpu.sync_copy(zbm_hbm, bm)

  def _zero_cnt(i, _):
    cnt_v[pl.ds(i * 16, 16)] = jnp.zeros((16,), _i32)
    return 0
  lax.fori_loop(0, CNTP // 16, _zero_cnt, 0)

  def _self(i, ocur):
    k = i * 16 + iot
    m = k < (hi - lo)
    kc = jnp.where(m, k, 0)
    c = lo + kc
    word = kc * WPC + (c >> 5)
    bit = jnp.left_shift(_i32(1), c & 31)
    plsc.store_scatter(bm, [word], bit, mask=m)
    vn = plsc.load_gather(col_v, [c], mask=m)
    keep = m & (vn == 0.0)
    plsc.addupdate_scatter(cnt_v, [kc], jnp.ones((16,), _i32), mask=keep)
    return _append_ring(ostage, ocur, (c << 14) | c, mask=keep)
  ocur = lax.fori_loop(0, (CPT + 15) // 16, _self, jnp.zeros((16,), _i32))

  def _consume(pcur, ocur):
    def body(i, oc):
      base = i * 16
      lv = (base + iot) < pcur
      p = pend[pl.ds(base, 16)]
      c = jnp.where(lv, p >> 14, lo)
      n = jnp.where(lv, p & 16383, 0)
      k = c - lo
      word = k * WPC + (n >> 5)
      bit = jnp.left_shift(_i32(1), n & 31)
      rc, _ = plsc.scan_count(p, mask=lv)
      first = lv & (rc == 1)
      w = plsc.load_gather(bm, [word], mask=lv)
      fresh = first & ((w & bit) == 0)
      def wave_cond(a):
        return jnp.max(a) > 0
      def wave_body(a):
        ab = a > 0
        rcw, _ = plsc.scan_count(word, mask=ab)
        lead = ab & (rcw == 1)
        plsc.addupdate_scatter(bm, [word], bit, mask=lead)
        return jnp.where(lead, 0, a)
      lax.while_loop(wave_cond, wave_body, jnp.where(fresh, 1, 0))
      vn = plsc.load_gather(col_v, [n], mask=lv)
      keep = fresh & (vn == 0.0)
      rc2, last2 = plsc.scan_count(k, mask=keep)
      plsc.addupdate_scatter(cnt_v, [k], rc2, mask=keep & last2)
      return _append_ring(ostage, oc, p, mask=keep)
    return lax.fori_loop(0, (pcur + 15) // 16, body, ocur)

  def _process(sbuf, dbuf, carry):
    ocur, flushed = carry

    nc = hi - lo
    @plsc.parallel_loop(0, CHUNK // 16, unroll=4,
                        carry=jnp.zeros((16,), _i32))
    def scan(j, pcur):
      s = sbuf[pl.ds(j * 16, 16)]
      d = dbuf[pl.ds(j * 16, 16)]
      for c, n in ((s, d), (d, s)):
        m = (c - lo).astype(jnp.uint32) < nc.astype(jnp.uint32)
        pk = (c << 14) | n
        rank = plsc.cumsum(jnp.ones((16,), _i32), mask=m)
        plsc.store_scatter(pend, [pcur + rank - 1], pk, mask=m)
        pcur = pcur + plsc.all_reduce_population_count(m)
      return pcur
    ocur = _consume(jnp.max(scan), ocur)

    def fl_cond(st):
      oc, fl = st
      return (oc - fl) >= FLUSH
    def fl_body(st):
      oc, fl = st
      pltpu.sync_copy(ostage.at[pl.ds(pl.multiple_of(fl & (OCAP - 1), 512), FLUSH)],
                      pairs_hbm.at[pl.ds(pl.multiple_of(wid * ROWCAP + fl, 512), FLUSH)])
      return oc, fl + FLUSH
    ocur_s, flushed = lax.while_loop(fl_cond, fl_body, (jnp.max(ocur), flushed))
    return ocur, flushed

  def _start(ch, sb, db, ss, sd):
    off = pl.multiple_of(ch * CHUNK, 8)
    pltpu.async_copy(src_hbm.at[pl.ds(off, CHUNK)], sb, ss)
    pltpu.async_copy(dst_hbm.at[pl.ds(off, CHUNK)], db, sd)

  def _waitc(ch, sb, db, ss, sd):
    off = pl.multiple_of(ch * CHUNK, 8)
    pltpu.make_async_copy(src_hbm.at[pl.ds(off, CHUNK)], sb, ss).wait()
    pltpu.make_async_copy(dst_hbm.at[pl.ds(off, CHUNK)], db, sd).wait()

  _start(0, sbuf, dbuf, sem_as, sem_ad)

  def _ring(i, carry):
    cha = 2 * i
    _waitc(cha, sbuf, dbuf, sem_as, sem_ad)
    _start(cha + 1, sbuf2, dbuf2, sem_bs, sem_bd)
    carry = _process(sbuf, dbuf, carry)
    _waitc(cha + 1, sbuf2, dbuf2, sem_bs, sem_bd)
    _start(jnp.minimum(cha + 2, NCH - 2), sbuf, dbuf, sem_as, sem_ad)
    carry = _process(sbuf2, dbuf2, carry)
    return carry

  ocur, flushed = lax.fori_loop(0, NCH // 2, _ring, (ocur, _i32(0)))
  _waitc(NCH - 2, sbuf, dbuf, sem_as, sem_ad)

  pltpu.sync_copy(ostage.at[pl.ds(pl.multiple_of(flushed & (OCAP - 1), 512), FLUSH)],
                  pairs_hbm.at[pl.ds(pl.multiple_of(wid * ROWCAP + flushed, 512), FLUSH)])

  for j in range(8):
    lenv[pl.ds(j * 16, 16)] = ocur
  pltpu.sync_copy(lenv, lens_hbm.at[pl.ds(pl.multiple_of(wid * 128, 128), 128)])
  pltpu.sync_copy(cnt_v, cnt_hbm.at[pl.ds(pl.multiple_of(wid * CNTP, 128), CNTP)])


def _k2_body(x_hbm, zeros_hbm, pairs_hbm, lens_hbm, cnt_hbm, out_hbm,
             stage, pendb, accall, outall, cntv, lenv, acc_sh):
  core = lax.axis_index("c")
  sub = lax.axis_index("s")
  wid = sub * 2 + core
  lo = wid * CPT
  hi = jnp.minimum(lo + CPT, N)
  cw = hi - lo
  iot = _iota16()
  arow = sub * ACCR

  pltpu.sync_copy(zeros_hbm, acc_sh.at[pl.ds(pl.multiple_of(arow, 16), ACCR)])

  pltpu.sync_copy(lens_hbm.at[pl.ds(pl.multiple_of(wid * 128, 128), 128)], lenv)
  ln = jnp.max(lenv[pl.ds(0, 16)])
  pltpu.sync_copy(cnt_hbm.at[pl.ds(pl.multiple_of(wid * CNTP, 128), CNTP)], cntv)

  def ch_cond(ch):
    return ch * 2048 < ln
  def ch_body(ch):
    pltpu.sync_copy(pairs_hbm.at[pl.ds(pl.multiple_of(wid * ROWCAP + ch * 2048, 512), 2048)], pendb)
    def batch(b, _):
      g0 = ch * 2048 + b * 16
      gm = (g0 + iot) < ln
      p = pendb[pl.ds(b * 16, 16)]
      n = jnp.where(gm, p & 16383, 0)
      k = jnp.where(gm, (p >> 14) - lo, CPT)
      pltpu.sync_copy(x_hbm.at[n], stage)
      pltpu.sync_copy(stage, acc_sh.at[arow + k], add=True)
      return 0
    lax.fori_loop(0, 128, batch, 0)
    return ch + 1
  lax.while_loop(ch_cond, ch_body, _i32(0))

  pltpu.sync_copy(acc_sh.at[pl.ds(pl.multiple_of(arow, 16), CPT)], accall)

  @plsc.parallel_loop(0, CPT, unroll=2)
  def _row(r):
    cs = plsc.load_gather(cntv, [_splat(r)])
    cf = cs.astype(jnp.float32)
    for j in range(D // 16):
      v = accall[r, pl.ds(j * 16, 16)]
      col = j * 16 + iot
      plsc.store_scatter(outall, [_splat(r), col], v / cf,
                         mask=col < DO)

  for t in range(CPT // 80):
    row0 = jnp.minimum(t * 80, cw - 80)
    pltpu.sync_copy(outall.at[pl.ds(pl.multiple_of(row0, 8), 80)],
                    out_hbm.at[pl.ds(pl.multiple_of(lo + row0, 8), 80)])


def _mesh():
  return plsc.VectorSubcoreMesh(core_axis_name="c", subcore_axis_name="s")


_CP = pltpu.CompilerParams(use_tc_tiling_on_sc=False,
                           needs_layout_passes=False)


@jax.jit
def kernel(x, edge_index):
  col = x[:, D - 1]
  k1 = pl.kernel(
      _k1_body,
      out_type=(
          jax.ShapeDtypeStruct((NT * ROWCAP,), _i32),
          jax.ShapeDtypeStruct((NT * 128,), _i32),
          jax.ShapeDtypeStruct((NT * CNTP,), _i32),
      ),
      mesh=_mesh(),
      compiler_params=_CP,
      scratch_types=[
          pltpu.VMEM((N,), jnp.float32),
          pltpu.VMEM((BMW,), _i32),
          pltpu.VMEM((PCAP,), _i32),
          pltpu.VMEM((OCAP,), _i32),
          pltpu.VMEM((CNTP,), _i32),
          pltpu.VMEM((CHUNK,), _i32),
          pltpu.VMEM((CHUNK,), _i32),
          pltpu.VMEM((CHUNK,), _i32),
          pltpu.VMEM((CHUNK,), _i32),
          pltpu.VMEM((128,), _i32),
          pltpu.SemaphoreType.DMA,
          pltpu.SemaphoreType.DMA,
          pltpu.SemaphoreType.DMA,
          pltpu.SemaphoreType.DMA,
      ],
  )
  zbm = jnp.zeros((BMW,), _i32)
  pairs, lens, cnt = k1(col, edge_index[0], edge_index[1], zbm)

  k2 = pl.kernel(
      _k2_body,
      out_type=jax.ShapeDtypeStruct((N, DO), jnp.float32),
      mesh=_mesh(),
      compiler_params=_CP,
      scratch_types=[
          pltpu.VMEM((16, D), jnp.float32),
          pltpu.VMEM((2048,), _i32),
          pltpu.VMEM((CPT, D), jnp.float32),
          pltpu.VMEM((CPT, DO), jnp.float32),
          pltpu.VMEM((CNTP,), _i32),
          pltpu.VMEM((128,), _i32),
          pltpu.VMEM_SHARED((16 * ACCR, D), jnp.float32),
      ],
  )
  zeros = jnp.zeros((ACCR, D), jnp.float32)
  return k2(x, zeros, pairs, lens, cnt)

# --- scband reference (transcript-rebuilt; emitter-appended) ---
"""Pipeline reference for scband-hhop-imputation-31885837206096 (READ-ONLY COPY).

The authoritative reference and input builder live on the scoring server;
editing this copy changes nothing except your own understanding.
"""

import jax, jax.numpy as jnp
import numpy as np

N = 10000
E = 160000
D = 128
D_OUT = 127


def setup_inputs(seed: int = 0) -> dict:
    key = jax.random.key(seed)
    k1, k2 = jax.random.split(key)
    x = jax.random.normal(k1, (N, D), dtype=jnp.float32)
    edge_index = jax.random.randint(k2, (2, E), 0, N, dtype=jnp.int32)
    return {"x": x, "edge_index": edge_index}


def reference(x, edge_index):
    # Faithful vectorization of HHopImputation with h_hop=1.
    # Per node i: unique({i} U predecessors(i) U successors(i)), keep only
    # neighbors whose mask column x[:, -1] == 0, then mean of x[nbrs, :D_OUT].
    # Set-semantics (unique) are reproduced with a boolean adjacency built via
    # scatter-overwrite (.at[].set), which deduplicates repeated edges.
    n = x.shape[0]
    src = edge_index[0]
    dst = edge_index[1]
    adj = jnp.zeros((n, n), dtype=x.dtype)
    # successors: row = node, col = its out-neighbor; predecessors: transpose
    adj = adj.at[src, dst].set(1.0)
    adj = adj.at[dst, src].set(1.0)
    diag = jnp.arange(n)
    adj = adj.at[diag, diag].set(1.0)  # node itself is in the neighbor set
    valid = (x[:, -1] == 0).astype(x.dtype)  # mask filter: keep observed nodes
    w = adj * valid[None, :]
    cnt = jnp.sum(w, axis=1, keepdims=True)
    imp_values = (w @ x[:, :D_OUT]) / cnt  # mean over valid unique neighbors
    return imp_values

if __name__ == "__main__":
    import jax
    _d = setup_inputs()
    print(jax.jit(kernel)(*tuple(_d.values())))

</pallas_src>

<mosaic_0001>
#map = affine_map<(d0, d1) -> (0)>
module attributes {stable_mosaic.version = 14 : i64} {
  func.func @_k1_body(%arg0: i32, %arg1: i32, %arg2: memref<10000xf32, #tpu.memory_space<hbm>>, %arg3: memref<160000xi32, #tpu.memory_space<hbm>>, %arg4: memref<160000xi32, #tpu.memory_space<hbm>>, %arg5: memref<100160xi32, #tpu.memory_space<hbm>>, %arg6: memref<10289152xi32, #tpu.memory_space<hbm>>, %arg7: memref<4096xi32, #tpu.memory_space<hbm>>, %arg8: memref<12288xi32, #tpu.memory_space<hbm>>, %arg9: memref<10000xf32, #tpu.memory_space<vmem>>, %arg10: memref<100160xi32, #tpu.memory_space<vmem>>, %arg11: memref<4032xi32, #tpu.memory_space<vmem>>, %arg12: memref<4096xi32, #tpu.memory_space<vmem>>, %arg13: memref<384xi32, #tpu.memory_space<vmem>>, %arg14: memref<2000xi32, #tpu.memory_space<vmem>>, %arg15: memref<2000xi32, #tpu.memory_space<vmem>>, %arg16: memref<2000xi32, #tpu.memory_space<vmem>>, %arg17: memref<2000xi32, #tpu.memory_space<vmem>>, %arg18: memref<128xi32, #tpu.memory_space<vmem>>, %arg19: memref<!tpu.dma_semaphore, #tpu.memory_space<semaphore_mem>>, %arg20: memref<!tpu.dma_semaphore, #tpu.memory_space<semaphore_mem>>, %arg21: memref<!tpu.dma_semaphore, #tpu.memory_space<semaphore_mem>>, %arg22: memref<!tpu.dma_semaphore, #tpu.memory_space<semaphore_mem>>) attributes {dimension_semantics = [#tpu.dimension_semantics<core_parallel>, #tpu.dimension_semantics<subcore_parallel>], iteration_bounds = array<i64: 2, 16>, scalar_prefetch = 0 : i64, scratch_operands = 14 : i64, tpu.core_type = #tpu.core_type<sc_vector_subcore>, window_params = [{transform_indices = #map}, {transform_indices = #map}, {transform_indices = #map}, {transform_indices = #map}, {transform_indices = #map}, {transform_indices = #map}, {transform_indices = #map}]} {
    %mul3A = arith.constant 2 : i32
    %mul3A_0 = arith.muli %arg1, %mul3A : i32
    %add3A = arith.addi %mul3A_0, %arg0 : i32
    %mul3A_1 = arith.constant 320 : i32
    %mul3A_2 = arith.muli %add3A, %mul3A_1 : i32
    %add3A_3 = arith.constant 320 : i32
    %add3A_4 = arith.addi %mul3A_2, %add3A_3 : i32
    %min3A = arith.constant 10000 : i32
    %min3A_5 = arith.minsi %add3A_4, %min3A : i32
    %iota3A = tpu.iota {dimensions = array<i32: 0>} : vector<16xi32>
    "tpu.region"() ({
      %run_scoped3A = tpu.sem_alloc : memref<!tpu.dma_semaphore, #tpu.memory_space<semaphore_mem>>
      tpu.enqueue_dma source(%arg2 : memref<10000xf32, #tpu.memory_space<hbm>>) target(%arg9 : memref<10000xf32, #tpu.memory_space<vmem>>) target_semaphore(%run_scoped3A : memref<!tpu.dma_semaphore, #tpu.memory_space<semaphore_mem>>)
      tpu.wait_dma2 semaphore(%run_scoped3A : memref<!tpu.dma_semaphore, #tpu.memory_space<semaphore_mem>>) src(%arg2 : memref<10000xf32, #tpu.memory_space<hbm>>) dst(%arg9 : memref<10000xf32, #tpu.memory_space<vmem>>)
      tpu.yield
    }) : () -> ()
    "tpu.region"() ({
      %run_scoped3A = tpu.sem_alloc : memref<!tpu.dma_semaphore, #tpu.memory_space<semaphore_mem>>
      tpu.enqueue_dma source(%arg5 : memref<100160xi32, #tpu.memory_space<hbm>>) target(%arg10 : memref<100160xi32, #tpu.memory_space<vmem>>) target_semaphore(%run_scoped3A : memref<!tpu.dma_semaphore, #tpu.memory_space<semaphore_mem>>)
      tpu.wait_dma2 semaphore(%run_scoped3A : memref<!tpu.dma_semaphore, #tpu.memory_space<semaphore_mem>>) src(%arg5 : memref<100160xi32, #tpu.memory_space<hbm>>) dst(%arg10 : memref<100160xi32, #tpu.memory_space<vmem>>)
      tpu.yield
    }) : () -> ()
    %scan3A = arith.constant 0 : i32
    %scan3A_6 = arith.constant 0 : i32
    %scan3A_7 = arith.constant 24 : i32
    %scan3A_8 = arith.addi %scan3A_6, %scan3A_7 : i32
    %scan3A_9 = arith.constant 1 : i32
    %scan3A_10 = scf.for %scan3A_62 = %scan3A_6 to %scan3A_8 step %scan3A_9 iter_args(%scan3A_63 = %scan3A) -> (i32)  : i32 {
      %broadcast_in_dim3A_64 = arith.constant 0 : i32
      %broadcast_in_dim3A_65 = vector.broadcast %broadcast_in_dim3A_64 : i32 to vector<16xi32>
      %mul3A_66 = arith.constant 16 : i32
      %mul3A_67 = arith.muli %scan3A_62, %mul3A_66 : i32
      %swap3A_68 = arith.index_cast %mul3A_67 : i32 to index
      %swap3A_69 = tpu.vector_load %arg13[%swap3A_68] {strides = array<i32>} : memref<384xi32, #tpu.memory_space<vmem>>, vector<16xi32>,
      tpu.vector_store %arg13[%swap3A_68], %broadcast_in_dim3A_65 {strides = array<i32>} : memref<384xi32, #tpu.memory_space<vmem>>, vector<16xi32>,
      %scan3A_70 = arith.constant 0 : i32
      scf.yield %scan3A_70 : i32
    }
    %scan3A_11 = arith.constant 24 : i32
    %broadcast_in_dim3A = arith.constant 0 : i32
    %broadcast_in_dim3A_12 = vector.broadcast %broadcast_in_dim3A : i32 to vector<16xi32>
    %scan3A_13 = arith.constant 0 : i32
    %scan3A_14 = arith.constant 20 : i32
    %scan3A_15 = arith.addi %scan3A_13, %scan3A_14 : i32
    %scan3A_16 = arith.constant 1 : i32
    %scan3A_17 = scf.for %scan3A_62 = %scan3A_13 to %scan3A_15 step %scan3A_16 iter_args(%scan3A_63 = %broadcast_in_dim3A_12) -> (vector<16xi32>)  : i32 {
      %mul3A_64 = arith.constant 16 : i32
      %mul3A_65 = arith.muli %scan3A_62, %mul3A_64 : i32
      %add3A_66 = vector.broadcast %mul3A_65 : i32 to vector<16xi32>
      %add3A_67 = arith.addi %add3A_66, %iota3A : vector<16xi32>
      %sub3A = arith.subi %min3A_5, %mul3A_2 : i32
      %lt3A = vector.broadcast %sub3A : i32 to vector<16xi32>
      %lt3A_68 = arith.cmpi slt, %add3A_67, %lt3A : vector<16xi32>
      %jit3A = arith.constant 0 : i32
      %broadcast_in_dim3A_69 = vector.broadcast %jit3A : i32 to vector<16xi32>
      %select_n3A = arith.select %lt3A_68, %add3A_67, %broadcast_in_dim3A_69 : vector<16xi1>, vector<16xi32>
      %add3A_70 = vector.broadcast %mul3A_2 : i32 to vector<16xi32>
      %add3A_71 = arith.addi %add3A_70, %select_n3A : vector<16xi32>
      %mul3A_72 = arith.constant 313 : i32
      %mul3A_73 = vector.broadcast %mul3A_72 : i32 to vector<16xi32>
      %mul3A_74 = arith.muli %select_n3A, %mul3A_73 : vector<16xi32>
      %shift_right_arithmetic3A = arith.constant 5 : i32
      %shift_right_arithmetic3A_75 = vector.broadcast %shift_right_arithmetic3A : i32 to vector<16xi32>
      %shift_right_arithmetic3A_76 = arith.shrsi %add3A_71, %shift_right_arithmetic3A_75 : vector<16xi32>
      %add3A_77 = arith.addi %mul3A_74, %shift_right_arithmetic3A_76 : vector<16xi32>
      %and3A_78 = arith.constant 31 : i32
      %and3A_79 = vector.broadcast %and3A_78 : i32 to vector<16xi32>
      %and3A_80 = arith.andi %add3A_71, %and3A_79 : vector<16xi32>
      %shift_left3A = arith.constant 1 : i32
      %shift_left3A_81 = vector.broadcast %shift_left3A : i32 to vector<16xi32>
      %shift_left3A_82 = arith.shli %shift_left3A_81, %and3A_80 : vector<16xi32>
      tpu.vector_store_idx %arg10[%add3A_77], %shift_left3A_82 masked %lt3A_68 : memref<100160xi32, #tpu.memory_space<vmem>>[vector<16xi32>], vector<16xi32>, vector<16xi1>
      %gather3A = tpu.vector_load_idx %arg9[%add3A_71] masked %lt3A_68 : memref<10000xf32, #tpu.memory_space<vmem>>[vector<16xi32>], vector<16xf32>, vector<16xi1>
      %eq3A = arith.constant 0.000000e+00 : f32
      %eq3A_83 = vector.broadcast %eq3A : f32 to vector<16xf32>
      %eq3A_84 = arith.cmpf oeq, %gather3A, %eq3A_83 : vector<16xf32>
      %and3A_85 = arith.andi %lt3A_68, %eq3A_84 : vector<16xi1>
      %broadcast_in_dim3A_86 = arith.constant 1 : i32
      %broadcast_in_dim3A_87 = vector.broadcast %broadcast_in_dim3A_86 : i32 to vector<16xi32>
      tpu.vector_store_idx %arg13[%select_n3A], %broadcast_in_dim3A_87 masked %and3A_85 {add = true} : memref<384xi32, #tpu.memory_space<vmem>>[vector<16xi32>], vector<16xi32>, vector<16xi1>
      %shift_left3A_88 = arith.constant 14 : i32
      %shift_left3A_89 = vector.broadcast %shift_left3A_88 : i32 to vector<16xi32>
      %shift_left3A_90 = arith.shli %add3A_71, %shift_left3A_89 : vector<16xi32>
      %or3A = arith.ori %shift_left3A_90, %add3A_71 : vector<16xi32>
      %broadcast_in_dim3A_91 = arith.constant 1 : i32
      %broadcast_in_dim3A_92 = vector.broadcast %broadcast_in_dim3A_91 : i32 to vector<16xi32>
      %masked_cumsum3A = tpu.scan <sum>, %broadcast_in_dim3A_92 masked %and3A_85 : vector<16xi32>, vector<16xi1> -> vector<16xi32>
      %add3A_93 = arith.addi %scan3A_63, %masked_cumsum3A : vector<16xi32>
      %sub3A_94 = arith.constant 1 : i32
      %sub3A_95 = vector.broadcast %sub3A_94 : i32 to vector<16xi32>
      %sub3A_96 = arith.subi %add3A_93, %sub3A_95 : vector<16xi32>
      %and3A_97 = arith.constant 4095 : i32
      %and3A_98 = vector.broadcast %and3A_97 : i32 to vector<16xi32>
      %and3A_99 = arith.andi %sub3A_96, %and3A_98 : vector<16xi32>
      tpu.vector_store_idx %arg12[%and3A_99], %or3A masked %and3A_85 : memref<4096xi32, #tpu.memory_space<vmem>>[vector<16xi32>], vector<16xi32>, vector<16xi1>
      %all_reduce_population_count3A = tpu.all_reduce %and3A_85 {dim = 0 : i64, kind = #tpu.reduction_kind<sum>} : vector<16xi1> -> vector<16xi32>
      %add3A_100 = arith.addi %scan3A_63, %all_reduce_population_count3A : vector<16xi32>
      scf.yield %add3A_100 : vector<16xi32>
    }
    %scan3A_18 = arith.constant 20 : i32
    %multiple_of3A = arith.constant 0 : i32
    %multiple_of3A_19 = tpu.assume_multiple %multiple_of3A, 8 : i32
    %dma_start3A = tpu.memref_slice %arg3[%multiple_of3A_19] : memref<160000xi32, #tpu.memory_space<hbm>> -> memref<2000xi32, #tpu.memory_space<hbm>>
    %dma_start3A_20 = tpu.memref_slice %arg3[%multiple_of3A_19] : memref<160000xi32, #tpu.memory_space<hbm>> -> memref<2000xi32, #tpu.memory_space<hbm>>
    tpu.enqueue_dma source(%dma_start3A_20 : memref<2000xi32, #tpu.memory_space<hbm>>) target(%arg14 : memref<2000xi32, #tpu.memory_space<vmem>>) target_semaphore(%arg19 : memref<!tpu.dma_semaphore, #tpu.memory_space<semaphore_mem>>)
    %dma_start3A_21 = tpu.memref_slice %arg4[%multiple_of3A_19] : memref<160000xi32, #tpu.memory_space<hbm>> -> memref<2000xi32, #tpu.memory_space<hbm>>
    %dma_start3A_22 = tpu.memref_slice %arg4[%multiple_of3A_19] : memref<160000xi32, #tpu.memory_space<hbm>> -> memref<2000xi32, #tpu.memory_space<hbm>>
    tpu.enqueue_dma source(%dma_start3A_22 : memref<2000xi32, #tpu.memory_space<hbm>>) target(%arg15 : memref<2000xi32, #tpu.memory_space<vmem>>) target_semaphore(%arg20 : memref<!tpu.dma_semaphore, #tpu.memory_space<semaphore_mem>>)
    %scan3A_23 = arith.constant 0 : i32
    %scan3A_24 = arith.constant 0 : i32
    %scan3A_25 = arith.constant 40 : i32
    %scan3A_26 = arith.addi %scan3A_24, %scan3A_25 : i32
    %scan3A_27 = arith.constant 1 : i32
    %scan3A_28:2 = scf.for %scan3A_62 = %scan3A_24 to %scan3A_26 step %scan3A_27 iter_args(%scan3A_63 = %scan3A_17, %scan3A_64 = %scan3A_23) -> (vector<16xi32>, i32)  : i32 {
      %mul3A_65 = arith.constant 2 : i32
      %mul3A_66 = arith.muli %mul3A_65, %scan3A_62 : i32
      %mul3A_67 = arith.constant 2000 : i32
      %mul3A_68 = arith.muli %mul3A_66, %mul3A_67 : i32
      %multiple_of3A_69 = tpu.assume_multiple %mul3A_68, 8 : i32
      %dma_wait3A_70 = tpu.memref_slice %arg3[%multiple_of3A_69] : memref<160000xi32, #tpu.memory_space<hbm>> -> memref<2000xi32, #tpu.memory_space<hbm>>
      %dma_wait3A_71 = tpu.memref_slice %arg3[%multiple_of3A_69] : memref<160000xi32, #tpu.memory_space<hbm>> -> memref<2000xi32, #tpu.memory_space<hbm>>
      tpu.wait_dma2 semaphore(%arg19 : memref<!tpu.dma_semaphore, #tpu.memory_space<semaphore_mem>>) src(%dma_wait3A_71 : memref<2000xi32, #tpu.memory_space<hbm>>) dst(%arg14 : memref<2000xi32, #tpu.memory_space<vmem>>)
      %dma_wait3A_72 = tpu.memref_slice %arg4[%multiple_of3A_69] : memref<160000xi32, #tpu.memory_space<hbm>> -> memref<2000xi32, #tpu.memory_space<hbm>>
      %dma_wait3A_73 = tpu.memref_slice %arg4[%multiple_of3A_69] : memref<160000xi32, #tpu.memory_space<hbm>> -> memref<2000xi32, #tpu.memory_space<hbm>>
      tpu.wait_dma2 semaphore(%arg20 : memref<!tpu.dma_semaphore, #tpu.memory_space<semaphore_mem>>) src(%dma_wait3A_73 : memref<2000xi32, #tpu.memory_space<hbm>>) dst(%arg15 : memref<2000xi32, #tpu.memory_space<vmem>>)
      %add3A_74 = arith.constant 1 : i32
      %add3A_75 = arith.addi %mul3A_66, %add3A_74 : i32
      %mul3A_76 = arith.constant 2000 : i32
      %mul3A_77 = arith.muli %add3A_75, %mul3A_76 : i32
      %multiple_of3A_78 = tpu.assume_multiple %mul3A_77, 8 : i32
      %dma_start3A_79 = tpu.memref_slice %arg3[%multiple_of3A_78] : memref<160000xi32, #tpu.memory_space<hbm>> -> memref<2000xi32, #tpu.memory_space<hbm>>
      %dma_start3A_80 = tpu.memref_slice %arg3[%multiple_of3A_78] : memref<160000xi32, #tpu.memory_space<hbm>> -> memref<2000xi32, #tpu.memory_space<hbm>>
      tpu.enqueue_dma source(%dma_start3A_80 : memref<2000xi32, #tpu.memory_space<hbm>>) target(%arg16 : memref<2000xi32, #tpu.memory_space<vmem>>) target_semaphore(%arg21 : memref<!tpu.dma_semaphore, #tpu.memory_space<semaphore_mem>>)
      %dma_start3A_81 = tpu.memref_slice %arg4[%multiple_of3A_78] : memref<160000xi32, #tpu.memory_space<hbm>> -> memref<2000xi32, #tpu.memory_space<hbm>>
      %dma_start3A_82 = tpu.memref_slice %arg4[%multiple_of3A_78] : memref<160000xi32, #tpu.memory_space<hbm>> -> memref<2000xi32, #tpu.memory_space<hbm>>
      tpu.enqueue_dma source(%dma_start3A_82 : memref<2000xi32, #tpu.memory_space<hbm>>) target(%arg17 : memref<2000xi32, #tpu.memory_space<vmem>>) target_semaphore(%arg22 : memref<!tpu.dma_semaphore, #tpu.memory_space<semaphore_mem>>)
      %sub3A = arith.subi %min3A_5, %mul3A_2 : i32
      %broadcast_in_dim3A_83 = arith.constant 0 : i32
      %broadcast_in_dim3A_84 = vector.broadcast %broadcast_in_dim3A_83 : i32 to vector<16xi32>
      %parallel_loop3A = arith.constant 0 : i32
      %parallel_loop3A_85 = arith.constant 125 : i32
      %parallel_loop3A_86 = arith.constant 1 : i32
      %parallel_loop3A_87 = scf.for %parallel_loop3A_215 = %parallel_loop3A to %parallel_loop3A_85 step %parallel_loop3A_86 iter_args(%parallel_loop3A_216 = %broadcast_in_dim3A_84) -> (vector<16xi32>)  : i32 {
        %parallel_loop3A_217 = arith.constant 16 : i32
        %parallel_loop3A_218 = arith.muli %parallel_loop3A_215, %parallel_loop3A_217 : i32
        %parallel_loop3A_219 = arith.index_cast %parallel_loop3A_218 : i32 to index
        %parallel_loop3A_220 = tpu.vector_load %arg14[%parallel_loop3A_219] {strides = array<i32>} : memref<2000xi32, #tpu.memory_space<vmem>>, vector<16xi32>,
        %parallel_loop3A_221 = arith.constant 16 : i32
        %parallel_loop3A_222 = arith.muli %parallel_loop3A_215, %parallel_loop3A_221 : i32
        %parallel_loop3A_223 = arith.index_cast %parallel_loop3A_222 : i32 to index
        %parallel_loop3A_224 = tpu.vector_load %arg15[%parallel_loop3A_223] {strides = array<i32>} : memref<2000xi32, #tpu.memory_space<vmem>>, vector<16xi32>,
        %parallel_loop3A_225 = vector.broadcast %mul3A_2 : i32 to vector<16xi32>
        %parallel_loop3A_226 = arith.subi %parallel_loop3A_220, %parallel_loop3A_225 : vector<16xi32>
        %parallel_loop3A_227 = vector.broadcast %sub3A : i32 to vector<16xi32>
        %parallel_loop3A_228 = arith.cmpi ult, %parallel_loop3A_226, %parallel_loop3A_227 : vector<16xi32>
        %parallel_loop3A_229 = arith.constant 14 : i32
        %parallel_loop3A_230 = vector.broadcast %parallel_loop3A_229 : i32 to vector<16xi32>
        %parallel_loop3A_231 = arith.shli %parallel_loop3A_220, %parallel_loop3A_230 : vector<16xi32>
        %parallel_loop3A_232 = arith.ori %parallel_loop3A_231, %parallel_loop3A_224 : vector<16xi32>
        %parallel_loop3A_233 = arith.constant 1 : i32
        %parallel_loop3A_234 = vector.broadcast %parallel_loop3A_233 : i32 to vector<16xi32>
        %parallel_loop3A_235 = tpu.scan <sum>, %parallel_loop3A_234 masked %parallel_loop3A_228 : vector<16xi32>, vector<16xi1> -> vector<16xi32>
        %parallel_loop3A_236 = arith.addi %parallel_loop3A_216, %parallel_loop3A_235 : vector<16xi32>
        %parallel_loop3A_237 = arith.constant 1 : i32
        %parallel_loop3A_238 = vector.broadcast %parallel_loop3A_237 : i32 to vector<16xi32>
        %parallel_loop3A_239 = arith.subi %parallel_loop3A_236, %parallel_loop3A_238 : vector<16xi32>
        tpu.vector_store_idx %arg11[%parallel_loop3A_239], %parallel_loop3A_232 masked %parallel_loop3A_228 : memref<4032xi32, #tpu.memory_space<vmem>>[vector<16xi32>], vector<16xi32>, vector<16xi1>
        %parallel_loop3A_240 = tpu.all_reduce %parallel_loop3A_228 {dim = 0 : i64, kind = #tpu.reduction_kind<sum>} : vector<16xi1> -> vector<16xi32>
        %parallel_loop3A_241 = arith.addi %parallel_loop3A_216, %parallel_loop3A_240 : vector<16xi32>
        %parallel_loop3A_242 = vector.broadcast %mul3A_2 : i32 to vector<16xi32>
        %parallel_loop3A_243 = arith.subi %parallel_loop3A_224, %parallel_loop3A_242 : vector<16xi32>
        %parallel_loop3A_244 = vector.broadcast %sub3A : i32 to vector<16xi32>
        %parallel_loop3A_245 = arith.cmpi ult, %parallel_loop3A_243, %parallel_loop3A_244 : vector<16xi32>
        %parallel_loop3A_246 = arith.constant 14 : i32
        %parallel_loop3A_247 = vector.broadcast %parallel_loop3A_246 : i32 to vector<16xi32>
        %parallel_loop3A_248 = arith.shli %parallel_loop3A_224, %parallel_loop3A_247 : vector<16xi32>
        %parallel_loop3A_249 = arith.ori %parallel_loop3A_248, %parallel_loop3A_220 : vector<16xi32>
        %parallel_loop3A_250 = arith.constant 1 : i32
        %parallel_loop3A_251 = vector.broadcast %parallel_loop3A_250 : i32 to vector<16xi32>
        %parallel_loop3A_252 = tpu.scan <sum>, %parallel_loop3A_251 masked %parallel_loop3A_245 : vector<16xi32>, vector<16xi1> -> vector<16xi32>
        %parallel_loop3A_253 = arith.addi %parallel_loop3A_241, %parallel_loop3A_252 : vector<16xi32>
        %parallel_loop3A_254 = arith.constant 1 : i32
        %parallel_loop3A_255 = vector.broadcast %parallel_loop3A_254 : i32 to vector<16xi32>
        %parallel_loop3A_256 = arith.subi %parallel_loop3A_253, %parallel_loop3A_255 : vector<16xi32>
        tpu.vector_store_idx %arg11[%parallel_loop3A_256], %parallel_loop3A_249 masked %parallel_loop3A_245 : memref<4032xi32, #tpu.memory_space<vmem>>[vector<16xi32>], vector<16xi32>, vector<16xi1>
        %parallel_loop3A_257 = tpu.all_reduce %parallel_loop3A_245 {dim = 0 : i64, kind = #tpu.reduction_kind<sum>} : vector<16xi1> -> vector<16xi32>
        %parallel_loop3A_258 = arith.addi %parallel_loop3A_241, %parallel_loop3A_257 : vector<16xi32>
        scf.yield %parallel_loop3A_258 : vector<16xi32>
      } {sc.loop_unroll_factor = 4 : i64, sc.parallel_access}
      %reduce_max3A = arith.constant true
      %reduce_max3A_88 = vector.broadcast %reduce_max3A : i1 to vector<16xi1>
      %reduce_max3A_89 = arith.constant -2147483648 : i32
      %reduce_max3A_90 = vector.broadcast %reduce_max3A_89 : i32 to vector<16xi32>
      %reduce_max3A_91 = arith.xori %parallel_loop3A_87, %reduce_max3A_90 : vector<16xi32>
      %reduce_max3A_92 = tpu.scan <max>, %reduce_max3A_91 masked %reduce_max3A_88 : vector<16xi32>, vector<16xi1> -> vector<16xi32>
      %reduce_max3A_93 = arith.xori %reduce_max3A_92, %reduce_max3A_90 : vector<16xi32>
      %reduce_max3A_94 = vector.extract %reduce_max3A_93[15] : i32 from vector<16xi32>
      %add3A_95 = arith.constant 15 : i32
      %add3A_96 = arith.addi %reduce_max3A_94, %add3A_95 : i32
      %jit3A = arith.constant 16 : i32
      %div3A = arith.divsi %add3A_96, %jit3A : i32
      %sign3A = arith.constant 0 : i32
      %sign3A_97 = arith.cmpi sgt, %add3A_96, %sign3A : i32
      %sign3A_98 = arith.extui %sign3A_97 : i1 to i32
      %sign3A_99 = arith.constant 0 : i32
      %sign3A_100 = arith.cmpi slt, %add3A_96, %sign3A_99 : i32
      %sign3A_101 = arith.extui %sign3A_100 : i1 to i32
      %sign3A_102 = arith.subi %sign3A_98, %sign3A_101 : i32
      %sign3A_103 = arith.constant 0 : i32
      %sign3A_104 = arith.cmpi sgt, %jit3A, %sign3A_103 : i32
      %sign3A_105 = arith.extui %sign3A_104 : i1 to i32
      %sign3A_106 = arith.constant 0 : i32
      %sign3A_107 = arith.cmpi slt, %jit3A, %sign3A_106 : i32
      %sign3A_108 = arith.extui %sign3A_107 : i1 to i32
      %sign3A_109 = arith.subi %sign3A_105, %sign3A_108 : i32
      %ne3A = arith.cmpi ne, %sign3A_102, %sign3A_109 : i32
      %rem3A = arith.remsi %add3A_96, %jit3A : i32
      %ne3A_110 = arith.constant 0 : i32
      %ne3A_111 = arith.cmpi ne, %rem3A, %ne3A_110 : i32
      %and3A_112 = arith.andi %ne3A, %ne3A_111 : i1
      %sub3A_113 = arith.constant 1 : i32
      %sub3A_114 = arith.subi %div3A, %sub3A_113 : i32
      %select_n3A = arith.select %and3A_112, %sub3A_114, %div3A : i32
      %while3A = arith.constant 0 : i32
      %while3A_115 = arith.subi %select_n3A, %while3A : i32
      %while3A_116 = arith.addi %while3A, %while3A_115 : i32
      %while3A_117 = arith.constant 1 : i32
      %while3A_118 = arith.divsi %while3A_115, %while3A_117 : i32
      %while3A_119 = arith.muli %while3A_118, %while3A_117 : i32
      %while3A_120 = arith.addi %while3A, %while3A_119 : i32
      %while3A_121 = arith.constant 1 : i32
      %while3A_122 = scf.for %while3A_215 = %while3A to %while3A_120 step %while3A_121 iter_args(%while3A_216 = %scan3A_63) -> (vector<16xi32>)  : i32 {
        %mul3A_217 = arith.constant 16 : i32
        %mul3A_218 = arith.muli %while3A_215, %mul3A_217 : i32
        %add3A_219 = vector.broadcast %mul3A_218 : i32 to vector<16xi32>
        %add3A_220 = arith.addi %add3A_219, %iota3A : vector<16xi32>
        %lt3A = vector.broadcast %reduce_max3A_94 : i32 to vector<16xi32>
        %lt3A_221 = arith.cmpi slt, %add3A_220, %lt3A : vector<16xi32>
        %get3A = arith.index_cast %mul3A_218 : i32 to index
        %get3A_222 = tpu.vector_load %arg11[%get3A] {strides = array<i32>} : memref<4032xi32, #tpu.memory_space<vmem>>, vector<16xi32>,
        %shift_right_arithmetic3A = arith.constant 14 : i32
        %shift_right_arithmetic3A_223 = vector.broadcast %shift_right_arithmetic3A : i32 to vector<16xi32>
        %shift_right_arithmetic3A_224 = arith.shrsi %get3A_222, %shift_right_arithmetic3A_223 : vector<16xi32>
        %broadcast_in_dim3A_225 = vector.broadcast %mul3A_2 : i32 to vector<16xi32>
        %select_n3A_226 = arith.select %lt3A_221, %shift_right_arithmetic3A_224, %broadcast_in_dim3A_225 : vector<16xi1>, vector<16xi32>
        %and3A_227 = arith.constant 16383 : i32
        %and3A_228 = vector.broadcast %and3A_227 : i32 to vector<16xi32>
        %and3A_229 = arith.andi %get3A_222, %and3A_228 : vector<16xi32>
        %jit3A_230 = arith.constant 0 : i32
        %broadcast_in_dim3A_231 = vector.broadcast %jit3A_230 : i32 to vector<16xi32>
        %select_n3A_232 = arith.select %lt3A_221, %and3A_229, %broadcast_in_dim3A_231 : vector<16xi1>, vector<16xi32>
        %sub3A_233 = vector.broadcast %mul3A_2 : i32 to vector<16xi32>
        %sub3A_234 = arith.subi %select_n3A_226, %sub3A_233 : vector<16xi32>
        %mul3A_235 = arith.constant 313 : i32
        %mul3A_236 = vector.broadcast %mul3A_235 : i32 to vector<16xi32>
        %mul3A_237 = arith.muli %sub3A_234, %mul3A_236 : vector<16xi32>
        %shift_right_arithmetic3A_238 = arith.constant 5 : i32
        %shift_right_arithmetic3A_239 = vector.broadcast %shift_right_arithmetic3A_238 : i32 to vector<16xi32>
        %shift_right_arithmetic3A_240 = arith.shrsi %select_n3A_232, %shift_right_arithmetic3A_239 : vector<16xi32>
        %add3A_241 = arith.addi %mul3A_237, %shift_right_arithmetic3A_240 : vector<16xi32>
        %and3A_242 = arith.constant 31 : i32
        %and3A_243 = vector.broadcast %and3A_242 : i32 to vector<16xi32>
        %and3A_244 = arith.andi %select_n3A_232, %and3A_243 : vector<16xi32>
        %shift_left3A = arith.constant 1 : i32
        %shift_left3A_245 = vector.broadcast %shift_left3A : i32 to vector<16xi32>
        %shift_left3A_246 = arith.shli %shift_left3A_245, %and3A_244 : vector<16xi32>
        %unique3A, %unique3A_247 = tpu.scan_count mask(%lt3A_221 : vector<16xi1>) value(%get3A_222 : vector<16xi32>) : vector<16xi1>, vector<16xi32>
        %eq3A = arith.constant 1 : i32
        %eq3A_248 = vector.broadcast %eq3A : i32 to vector<16xi32>
        %eq3A_249 = arith.cmpi eq, %unique3A_247, %eq3A_248 : vector<16xi32>
        %and3A_250 = arith.andi %lt3A_221, %eq3A_249 : vector<16xi1>
        %gather3A = tpu.vector_load_idx %arg10[%add3A_241] masked %lt3A_221 : memref<100160xi32, #tpu.memory_space<vmem>>[vector<16xi32>], vector<16xi32>, vector<16xi1>
        %and3A_251 = arith.andi %gather3A, %shift_left3A_246 : vector<16xi32>
        %eq3A_252 = arith.constant 0 : i32
        %eq3A_253 = vector.broadcast %eq3A_252 : i32 to vector<16xi32>
        %eq3A_254 = arith.cmpi eq, %and3A_251, %eq3A_253 : vector<16xi32>
        %and3A_255 = arith.andi %and3A_250, %eq3A_254 : vector<16xi1>
        %jit3A_256 = arith.constant 1 : i32
        %jit3A_257 = arith.constant 0 : i32
        %broadcast_in_dim3A_258 = vector.broadcast %jit3A_256 : i32 to vector<16xi32>
        %broadcast_in_dim3A_259 = vector.broadcast %jit3A_257 : i32 to vector<16xi32>
        %select_n3A_260 = arith.select %and3A_255, %broadcast_in_dim3A_258, %broadcast_in_dim3A_259 : vector<16xi1>, vector<16xi32>
        %while3A_261 = scf.while (%while3A_280 = %select_n3A_260) : (vector<16xi32>) -> vector<16xi32> {
          %reduce_max3A_281 = arith.constant true
          %reduce_max3A_282 = vector.broadcast %reduce_max3A_281 : i1 to vector<16xi1>
          %reduce_max3A_283 = arith.constant -2147483648 : i32
          %reduce_max3A_284 = vector.broadcast %reduce_max3A_283 : i32 to vector<16xi32>
          %reduce_max3A_285 = arith.xori %while3A_280, %reduce_max3A_284 : vector<16xi32>
          %reduce_max3A_286 = tpu.scan <max>, %reduce_max3A_285 masked %reduce_max3A_282 : vector<16xi32>, vector<16xi1> -> vector<16xi32>
          %reduce_max3A_287 = arith.xori %reduce_max3A_286, %reduce_max3A_284 : vector<16xi32>
          %reduce_max3A_288 = vector.extract %reduce_max3A_287[15] : i32 from vector<16xi32>
          %gt3A = arith.constant 0 : i32
          %gt3A_289 = arith.cmpi sgt, %reduce_max3A_288, %gt3A : i32
          scf.condition(%gt3A_289) %while3A_280 : vector<16xi32>
        } do {
        ^bb0(%while3A_280: vector<16xi32>):
          %gt3A = arith.constant 0 : i32
          %gt3A_281 = vector.broadcast %gt3A : i32 to vector<16xi32>
          %gt3A_282 = arith.cmpi sgt, %while3A_280, %gt3A_281 : vector<16xi32>
          %unique3A_283, %unique3A_284 = tpu.scan_count mask(%gt3A_282 : vector<16xi1>) value(%add3A_241 : vector<16xi32>) : vector<16xi1>, vector<16xi32>
          %eq3A_285 = arith.constant 1 : i32
          %eq3A_286 = vector.broadcast %eq3A_285 : i32 to vector<16xi32>
          %eq3A_287 = arith.cmpi eq, %unique3A_284, %eq3A_286 : vector<16xi32>
          %and3A_288 = arith.andi %gt3A_282, %eq3A_287 : vector<16xi1>
          tpu.vector_store_idx %arg10[%add3A_241], %shift_left3A_246 masked %and3A_288 {add = true} : memref<100160xi32, #tpu.memory_space<vmem>>[vector<16xi32>], vector<16xi32>, vector<16xi1>
          %jit3A_289 = arith.constant 0 : i32
          %broadcast_in_dim3A_290 = vector.broadcast %jit3A_289 : i32 to vector<16xi32>
          %select_n3A_291 = arith.select %and3A_288, %broadcast_in_dim3A_290, %while3A_280 : vector<16xi1>, vector<16xi32>
          scf.yield %select_n3A_291 : vector<16xi32>
        }
        %gather3A_262 = tpu.vector_load_idx %arg9[%select_n3A_232] masked %lt3A_221 : memref<10000xf32, #tpu.memory_space<vmem>>[vector<16xi32>], vector<16xf32>, vector<16xi1>
        %eq3A_263 = arith.constant 0.000000e+00 : f32
        %eq3A_264 = vector.broadcast %eq3A_263 : f32 to vector<16xf32>
        %eq3A_265 = arith.cmpf oeq, %gather3A_262, %eq3A_264 : vector<16xf32>
        %and3A_266 = arith.andi %and3A_255, %eq3A_265 : vector<16xi1>
        %unique3A_267, %unique3A_268 = tpu.scan_count mask(%and3A_266 : vector<16xi1>) value(%sub3A_234 : vector<16xi32>) : vector<16xi1>, vector<16xi32>
        %and3A_269 = arith.andi %and3A_266, %unique3A_267 : vector<16xi1>
        tpu.vector_store_idx %arg13[%sub3A_234], %unique3A_268 masked %and3A_269 {add = true} : memref<384xi32, #tpu.memory_space<vmem>>[vector<16xi32>], vector<16xi32>, vector<16xi1>
        %broadcast_in_dim3A_270 = arith.constant 1 : i32
        %broadcast_in_dim3A_271 = vector.broadcast %broadcast_in_dim3A_270 : i32 to vector<16xi32>
        %masked_cumsum3A = tpu.scan <sum>, %broadcast_in_dim3A_271 masked %and3A_266 : vector<16xi32>, vector<16xi1> -> vector<16xi32>
        %add3A_272 = arith.addi %while3A_216, %masked_cumsum3A : vector<16xi32>
        %sub3A_273 = arith.constant 1 : i32
        %sub3A_274 = vector.broadcast %sub3A_273 : i32 to vector<16xi32>
        %sub3A_275 = arith.subi %add3A_272, %sub3A_274 : vector<16xi32>
        %and3A_276 = arith.constant 4095 : i32
        %and3A_277 = vector.broadcast %and3A_276 : i32 to vector<16xi32>
        %and3A_278 = arith.andi %sub3A_275, %and3A_277 : vector<16xi32>
        tpu.vector_store_idx %arg12[%and3A_278], %get3A_222 masked %and3A_266 : memref<4096xi32, #tpu.memory_space<vmem>>[vector<16xi32>], vector<16xi32>, vector<16xi1>
        %all_reduce_population_count3A = tpu.all_reduce %and3A_266 {dim = 0 : i64, kind = #tpu.reduction_kind<sum>} : vector<16xi1> -> vector<16xi32>
        %add3A_279 = arith.addi %while3A_216, %all_reduce_population_count3A : vector<16xi32>
        scf.yield %add3A_279 : vector<16xi32>
      }
      %while3A_123 = arith.constant 1 : i32
      %while3A_124 = scf.for %while3A_215 = %while3A_120 to %while3A_116 step %while3A_123 iter_args(%while3A_216 = %while3A_122) -> (vector<16xi32>)  : i32 {
        %mul3A_217 = arith.constant 16 : i32
        %mul3A_218 = arith.muli %while3A_215, %mul3A_217 : i32
        %add3A_219 = vector.broadcast %mul3A_218 : i32 to vector<16xi32>
        %add3A_220 = arith.addi %add3A_219, %iota3A : vector<16xi32>
        %lt3A = vector.broadcast %reduce_max3A_94 : i32 to vector<16xi32>
        %lt3A_221 = arith.cmpi slt, %add3A_220, %lt3A : vector<16xi32>
        %get3A = arith.index_cast %mul3A_218 : i32 to index
        %get3A_222 = tpu.vector_load %arg11[%get3A] {strides = array<i32>} : memref<4032xi32, #tpu.memory_space<vmem>>, vector<16xi32>,
        %shift_right_arithmetic3A = arith.constant 14 : i32
        %shift_right_arithmetic3A_223 = vector.broadcast %shift_right_arithmetic3A : i32 to vector<16xi32>
        %shift_right_arithmetic3A_224 = arith.shrsi %get3A_222, %shift_right_arithmetic3A_223 : vector<16xi32>
        %broadcast_in_dim3A_225 = vector.broadcast %mul3A_2 : i32 to vector<16xi32>
        %select_n3A_226 = arith.select %lt3A_221, %shift_right_arithmetic3A_224, %broadcast_in_dim3A_225 : vector<16xi1>, vector<16xi32>
        %and3A_227 = arith.constant 16383 : i32
        %and3A_228 = vector.broadcast %and3A_227 : i32 to vector<16xi32>
        %and3A_229 = arith.andi %get3A_222, %and3A_228 : vector<16xi32>
        %jit3A_230 = arith.constant 0 : i32
        %broadcast_in_dim3A_231 = vector.broadcast %jit3A_230 : i32 to vector<16xi32>
        %select_n3A_232 = arith.select %lt3A_221, %and3A_229, %broadcast_in_dim3A_231 : vector<16xi1>, vector<16xi32>
        %sub3A_233 = vector.broadcast %mul3A_2 : i32 to vector<16xi32>
        %sub3A_234 = arith.subi %select_n3A_226, %sub3A_233 : vector<16xi32>
        %mul3A_235 = arith.constant 313 : i32
        %mul3A_236 = vector.broadcast %mul3A_235 : i32 to vector<16xi32>
        %mul3A_237 = arith.muli %sub3A_234, %mul3A_236 : vector<16xi32>
        %shift_right_arithmetic3A_238 = arith.constant 5 : i32
        %shift_right_arithmetic3A_239 = vector.broadcast %shift_right_arithmetic3A_238 : i32 to vector<16xi32>
        %shift_right_arithmetic3A_240 = arith.shrsi %select_n3A_232, %shift_right_arithmetic3A_239 : vector<16xi32>
        %add3A_241 = arith.addi %mul3A_237, %shift_right_arithmetic3A_240 : vector<16xi32>
        %and3A_242 = arith.constant 31 : i32
        %and3A_243 = vector.broadcast %and3A_242 : i32 to vector<16xi32>
        %and3A_244 = arith.andi %select_n3A_232, %and3A_243 : vector<16xi32>
        %shift_left3A = arith.constant 1 : i32
        %shift_left3A_245 = vector.broadcast %shift_left3A : i32 to vector<16xi32>
        %shift_left3A_246 = arith.shli %shift_left3A_245, %and3A_244 : vector<16xi32>
        %unique3A, %unique3A_247 = tpu.scan_count mask(%lt3A_221 : vector<16xi1>) value(%get3A_222 : vector<16xi32>) : vector<16xi1>, vector<16xi32>
        %eq3A = arith.constant 1 : i32
        %eq3A_248 = vector.broadcast %eq3A : i32 to vector<16xi32>
        %eq3A_249 = arith.cmpi eq, %unique3A_247, %eq3A_248 : vector<16xi32>
        %and3A_250 = arith.andi %lt3A_221, %eq3A_249 : vector<16xi1>
        %gather3A = tpu.vector_load_idx %arg10[%add3A_241] masked %lt3A_221 : memref<100160xi32, #tpu.memory_space<vmem>>[vector<16xi32>], vector<16xi32>, vector<16xi1>
        %and3A_251 = arith.andi %gather3A, %shift_left3A_246 : vector<16xi32>
        %eq3A_252 = arith.constant 0 : i32
        %eq3A_253 = vector.broadcast %eq3A_252 : i32 to vector<16xi32>
        %eq3A_254 = arith.cmpi eq, %and3A_251, %eq3A_253 : vector<16xi32>
        %and3A_255 = arith.andi %and3A_250, %eq3A_254 : vector<16xi1>
        %jit3A_256 = arith.constant 1 : i32
        %jit3A_257 = arith.constant 0 : i32
        %broadcast_in_dim3A_258 = vector.broadcast %jit3A_256 : i32 to vector<16xi32>
        %broadcast_in_dim3A_259 = vector.broadcast %jit3A_257 : i32 to vector<16xi32>
        %select_n3A_260 = arith.select %and3A_255, %broadcast_in_dim3A_258, %broadcast_in_dim3A_259 : vector<16xi1>, vector<16xi32>
        %while3A_261 = scf.while (%while3A_280 = %select_n3A_260) : (vector<16xi32>) -> vector<16xi32> {
          %reduce_max3A_281 = arith.constant true
          %reduce_max3A_282 = vector.broadcast %reduce_max3A_281 : i1 to vector<16xi1>
          %reduce_max3A_283 = arith.constant -2147483648 : i32
          %reduce_max3A_284 = vector.broadcast %reduce_max3A_283 : i32 to vector<16xi32>
          %reduce_max3A_285 = arith.xori %while3A_280, %reduce_max3A_284 : vector<16xi32>
          %reduce_max3A_286 = tpu.scan <max>, %reduce_max3A_285 masked %reduce_max3A_282 : vector<16xi32>, vector<16xi1> -> vector<16xi32>
          %reduce_max3A_287 = arith.xori %reduce_max3A_286, %reduce_max3A_284 : vector<16xi32>
          %reduce_max3A_288 = vector.extract %reduce_max3A_287[15] : i32 from vector<16xi32>
          %gt3A = arith.constant 0 : i32
          %gt3A_289 = arith.cmpi sgt, %reduce_max3A_288, %gt3A : i32
          scf.condition(%gt3A_289) %while3A_280 : vector<16xi32>
        } do {
        ^bb0(%while3A_280: vector<16xi32>):
          %gt3A = arith.constant 0 : i32
          %gt3A_281 = vector.broadcast %gt3A : i32 to vector<16xi32>
          %gt3A_282 = arith.cmpi sgt, %while3A_280, %gt3A_281 : vector<16xi32>
          %unique3A_283, %unique3A_284 = tpu.scan_count mask(%gt3A_282 : vector<16xi1>) value(%add3A_241 : vector<16xi32>) : vector<16xi1>, vector<16xi32>
          %eq3A_285 = arith.constant 1 : i32
          %eq3A_286 = vector.broadcast %eq3A_285 : i32 to vector<16xi32>
          %eq3A_287 = arith.cmpi eq, %unique3A_284, %eq3A_286 : vector<16xi32>
          %and3A_288 = arith.andi %gt3A_282, %eq3A_287 : vector<16xi1>
          tpu.vector_store_idx %arg10[%add3A_241], %shift_left3A_246 masked %and3A_288 {add = true} : memref<100160xi32, #tpu.memory_space<vmem>>[vector<16xi32>], vector<16xi32>, vector<16xi1>
          %jit3A_289 = arith.constant 0 : i32
          %broadcast_in_dim3A_290 = vector.broadcast %jit3A_289 : i32 to vector<16xi32>
          %select_n3A_291 = arith.select %and3A_288, %broadcast_in_dim3A_290, %while3A_280 : vector<16xi1>, vector<16xi32>
          scf.yield %select_n3A_291 : vector<16xi32>
        }
        %gather3A_262 = tpu.vector_load_idx %arg9[%select_n3A_232] masked %lt3A_221 : memref<10000xf32, #tpu.memory_space<vmem>>[vector<16xi32>], vector<16xf32>, vector<16xi1>
        %eq3A_263 = arith.constant 0.000000e+00 : f32
        %eq3A_264 = vector.broadcast %eq3A_263 : f32 to vector<16xf32>
        %eq3A_265 = arith.cmpf oeq, %gather3A_262, %eq3A_264 : vector<16xf32>
        %and3A_266 = arith.andi %and3A_255, %eq3A_265 : vector<16xi1>
        %unique3A_267, %unique3A_268 = tpu.scan_count mask(%and3A_266 : vector<16xi1>) value(%sub3A_234 : vector<16xi32>) : vector<16xi1>, vector<16xi32>
        %and3A_269 = arith.andi %and3A_266, %unique3A_267 : vector<16xi1>
        tpu.vector_store_idx %arg13[%sub3A_234], %unique3A_268 masked %and3A_269 {add = true} : memref<384xi32, #tpu.memory_space<vmem>>[vector<16xi32>], vector<16xi32>, vector<16xi1>
        %broadcast_in_dim3A_270 = arith.constant 1 : i32
        %broadcast_in_dim3A_271 = vector.broadcast %broadcast_in_dim3A_270 : i32 to vector<16xi32>
        %masked_cumsum3A = tpu.scan <sum>, %broadcast_in_dim3A_271 masked %and3A_266 : vector<16xi32>, vector<16xi1> -> vector<16xi32>
        %add3A_272 = arith.addi %while3A_216, %masked_cumsum3A : vector<16xi32>
        %sub3A_273 = arith.constant 1 : i32
        %sub3A_274 = vector.broadcast %sub3A_273 : i32 to vector<16xi32>
        %sub3A_275 = arith.subi %add3A_272, %sub3A_274 : vector<16xi32>
        %and3A_276 = arith.constant 4095 : i32
        %and3A_277 = vector.broadcast %and3A_276 : i32 to vector<16xi32>
        %and3A_278 = arith.andi %sub3A_275, %and3A_277 : vector<16xi32>
        tpu.vector_store_idx %arg12[%and3A_278], %get3A_222 masked %and3A_266 : memref<4096xi32, #tpu.memory_space<vmem>>[vector<16xi32>], vector<16xi32>, vector<16xi1>
        %all_reduce_population_count3A = tpu.all_reduce %and3A_266 {dim = 0 : i64, kind = #tpu.reduction_kind<sum>} : vector<16xi1> -> vector<16xi32>
        %add3A_279 = arith.addi %while3A_216, %all_reduce_population_count3A : vector<16xi32>
        scf.yield %add3A_279 : vector<16xi32>
      }
      %reduce_max3A_125 = arith.constant true
      %reduce_max3A_126 = vector.broadcast %reduce_max3A_125 : i1 to vector<16xi1>
      %reduce_max3A_127 = arith.constant -2147483648 : i32
      %reduce_max3A_128 = vector.broadcast %reduce_max3A_127 : i32 to vector<16xi32>
      %reduce_max3A_129 = arith.xori %while3A_124, %reduce_max3A_128 : vector<16xi32>
      %reduce_max3A_130 = tpu.scan <max>, %reduce_max3A_129 masked %reduce_max3A_126 : vector<16xi32>, vector<16xi1> -> vector<16xi32>
      %reduce_max3A_131 = arith.xori %reduce_max3A_130, %reduce_max3A_128 : vector<16xi32>
      %reduce_max3A_132 = vector.extract %reduce_max3A_131[15] : i32 from vector<16xi32>
      %while3A_133:2 = scf.while (%while3A_215 = %reduce_max3A_132, %while3A_216 = %scan3A_64) : (i32, i32) -> (i32, i32) {
        %sub3A_217 = arith.subi %while3A_215, %while3A_216 : i32
        %ge3A = arith.constant 512 : i32
        %ge3A_218 = arith.cmpi sge, %sub3A_217, %ge3A : i32
        scf.condition(%ge3A_218) %while3A_215, %while3A_216 : i32, i32
      } do {
      ^bb0(%while3A_215: i32, %while3A_216: i32):
        %and3A_217 = arith.constant 4095 : i32
        %and3A_218 = arith.andi %while3A_216, %and3A_217 : i32
        %multiple_of3A_219 = tpu.assume_multiple %and3A_218, 512 : i32
        %mul3A_220 = arith.constant 321536 : i32
        %mul3A_221 = arith.muli %add3A, %mul3A_220 : i32
        %add3A_222 = arith.addi %mul3A_221, %while3A_216 : i32
        %multiple_of3A_223 = tpu.assume_multiple %add3A_222, 512 : i32
        "tpu.region"() ({
          %run_scoped3A = tpu.sem_alloc : memref<!tpu.dma_semaphore, #tpu.memory_space<semaphore_mem>>
          %dma_start3A_226 = tpu.memref_slice %arg12[%multiple_of3A_219] : memref<4096xi32, #tpu.memory_space<vmem>> -> memref<512xi32, #tpu.memory_space<vmem>>
          %dma_start3A_227 = tpu.memref_slice %arg6[%multiple_of3A_223] : memref<10289152xi32, #tpu.memory_space<hbm>> -> memref<512xi32, #tpu.memory_space<hbm>>
          %dma_start3A_228 = tpu.memref_slice %arg6[%multiple_of3A_223] : memref<10289152xi32, #tpu.memory_space<hbm>> -> memref<512xi32, #tpu.memory_space<hbm>>
          %dma_start3A_229 = tpu.memref_slice %arg12[%multiple_of3A_219] : memref<4096xi32, #tpu.memory_space<vmem>> -> memref<512xi32, #tpu.memory_space<vmem>>
          tpu.enqueue_dma source(%dma_start3A_229 : memref<512xi32, #tpu.memory_space<vmem>>) target(%dma_start3A_228 : memref<512xi32, #tpu.memory_space<hbm>>) target_semaphore(%run_scoped3A : memref<!tpu.dma_semaphore, #tpu.memory_space<semaphore_mem>>)
          %dma_wait3A_230 = tpu.memref_slice %arg12[%multiple_of3A_219] : memref<4096xi32, #tpu.memory_space<vmem>> -> memref<512xi32, #tpu.memory_space<vmem>>
          %dma_wait3A_231 = tpu.memref_slice %arg6[%multiple_of3A_223] : memref<10289152xi32, #tpu.memory_space<hbm>> -> memref<512xi32, #tpu.memory_space<hbm>>
          %dma_wait3A_232 = tpu.memref_slice %arg6[%multiple_of3A_223] : memref<10289152xi32, #tpu.memory_space<hbm>> -> memref<512xi32, #tpu.memory_space<hbm>>
          %dma_wait3A_233 = tpu.memref_slice %arg12[%multiple_of3A_219] : memref<4096xi32, #tpu.memory_space<vmem>> -> memref<512xi32, #tpu.memory_space<vmem>>
          tpu.wait_dma2 semaphore(%run_scoped3A : memref<!tpu.dma_semaphore, #tpu.memory_space<semaphore_mem>>) src(%dma_wait3A_233 : memref<512xi32, #tpu.memory_space<vmem>>) dst(%dma_wait3A_232 : memref<512xi32, #tpu.memory_space<hbm>>)
          tpu.yield
        }) : () -> ()
        %add3A_224 = arith.constant 512 : i32
        %add3A_225 = arith.addi %while3A_216, %add3A_224 : i32
        scf.yield %while3A_215, %add3A_225 : i32, i32
      }
      %add3A_134 = arith.constant 1 : i32
      %add3A_135 = arith.addi %mul3A_66, %add3A_134 : i32
      %mul3A_136 = arith.constant 2000 : i32
      %mul3A_137 = arith.muli %add3A_135, %mul3A_136 : i32
      %multiple_of3A_138 = tpu.assume_multiple %mul3A_137, 8 : i32
      %dma_wait3A_139 = tpu.memref_slice %arg3[%multiple_of3A_138] : memref<160000xi32, #tpu.memory_space<hbm>> -> memref<2000xi32, #tpu.memory_space<hbm>>
      %dma_wait3A_140 = tpu.memref_slice %arg3[%multiple_of3A_138] : memref<160000xi32, #tpu.memory_space<hbm>> -> memref<2000xi32, #tpu.memory_space<hbm>>
      tpu.wait_dma2 semaphore(%arg21 : memref<!tpu.dma_semaphore, #tpu.memory_space<semaphore_mem>>) src(%dma_wait3A_140 : memref<2000xi32, #tpu.memory_space<hbm>>) dst(%arg16 : memref<2000xi32, #tpu.memory_space<vmem>>)
      %dma_wait3A_141 = tpu.memref_slice %arg4[%multiple_of3A_138] : memref<160000xi32, #tpu.memory_space<hbm>> -> memref<2000xi32, #tpu.memory_space<hbm>>
      %dma_wait3A_142 = tpu.memref_slice %arg4[%multiple_of3A_138] : memref<160000xi32, #tpu.memory_space<hbm>> -> memref<2000xi32, #tpu.memory_space<hbm>>
      tpu.wait_dma2 semaphore(%arg22 : memref<!tpu.dma_semaphore, #tpu.memory_space<semaphore_mem>>) src(%dma_wait3A_142 : memref<2000xi32, #tpu.memory_space<hbm>>) dst(%arg17 : memref<2000xi32, #tpu.memory_space<vmem>>)
      %add3A_143 = arith.constant 2 : i32
      %add3A_144 = arith.addi %mul3A_66, %add3A_143 : i32
      %min3A_145 = arith.constant 78 : i32
      %min3A_146 = arith.minsi %add3A_144, %min3A_145 : i32
      %mul3A_147 = arith.constant 2000 : i32
      %mul3A_148 = arith.muli %min3A_146, %mul3A_147 : i32
      %multiple_of3A_149 = tpu.assume_multiple %mul3A_148, 8 : i32
      %dma_start3A_150 = tpu.memref_slice %arg3[%multiple_of3A_149] : memref<160000xi32, #tpu.memory_space<hbm>> -> memref<2000xi32, #tpu.memory_space<hbm>>
      %dma_start3A_151 = tpu.memref_slice %arg3[%multiple_of3A_149] : memref<160000xi32, #tpu.memory_space<hbm>> -> memref<2000xi32, #tpu.memory_space<hbm>>
      tpu.enqueue_dma source(%dma_start3A_151 : memref<2000xi32, #tpu.memory_space<hbm>>) target(%arg14 : memref<2000xi32, #tpu.memory_space<vmem>>) target_semaphore(%arg19 : memref<!tpu.dma_semaphore, #tpu.memory_space<semaphore_mem>>)
      %dma_start3A_152 = tpu.memref_slice %arg4[%multiple_of3A_149] : memref<160000xi32, #tpu.memory_space<hbm>> -> memref<2000xi32, #tpu.memory_space<hbm>>
      %dma_start3A_153 = tpu.memref_slice %arg4[%multiple_of3A_149] : memref<160000xi32, #tpu.memory_space<hbm>> -> memref<2000xi32, #tpu.memory_space<hbm>>
      tpu.enqueue_dma source(%dma_start3A_153 : memref<2000xi32, #tpu.memory_space<hbm>>) target(%arg15 : memref<2000xi32, #tpu.memory_space<vmem>>) target_semaphore(%arg20 : memref<!tpu.dma_semaphore, #tpu.memory_space<semaphore_mem>>)
      %sub3A_154 = arith.subi %min3A_5, %mul3A_2 : i32
      %broadcast_in_dim3A_155 = arith.constant 0 : i32
      %broadcast_in_dim3A_156 = vector.broadcast %broadcast_in_dim3A_155 : i32 to vector<16xi32>
      %parallel_loop3A_157 = arith.constant 0 : i32
      %parallel_loop3A_158 = arith.constant 125 : i32
      %parallel_loop3A_159 = arith.constant 1 : i32
      %parallel_loop3A_160 = scf.for %parallel_loop3A_215 = %parallel_loop3A_157 to %parallel_loop3A_158 step %parallel_loop3A_159 iter_args(%parallel_loop3A_216 = %broadcast_in_dim3A_156) -> (vector<16xi32>)  : i32 {
        %parallel_loop3A_217 = arith.constant 16 : i32
        %parallel_loop3A_218 = arith.muli %parallel_loop3A_215, %parallel_loop3A_217 : i32
        %parallel_loop3A_219 = arith.index_cast %parallel_loop3A_218 : i32 to index
        %parallel_loop3A_220 = tpu.vector_load %arg16[%parallel_loop3A_219] {strides = array<i32>} : memref<2000xi32, #tpu.memory_space<vmem>>, vector<16xi32>,
        %parallel_loop3A_221 = arith.constant 16 : i32
        %parallel_loop3A_222 = arith.muli %parallel_loop3A_215, %parallel_loop3A_221 : i32
        %parallel_loop3A_223 = arith.index_cast %parallel_loop3A_222 : i32 to index
        %parallel_loop3A_224 = tpu.vector_load %arg17[%parallel_loop3A_223] {strides = array<i32>} : memref<2000xi32, #tpu.memory_space<vmem>>, vector<16xi32>,
        %parallel_loop3A_225 = vector.broadcast %mul3A_2 : i32 to vector<16xi32>
        %parallel_loop3A_226 = arith.subi %parallel_loop3A_220, %parallel_loop3A_225 : vector<16xi32>
        %parallel_loop3A_227 = vector.broadcast %sub3A_154 : i32 to vector<16xi32>
        %parallel_loop3A_228 = arith.cmpi ult, %parallel_loop3A_226, %parallel_loop3A_227 : vector<16xi32>
        %parallel_loop3A_229 = arith.constant 14 : i32
        %parallel_loop3A_230 = vector.broadcast %parallel_loop3A_229 : i32 to vector<16xi32>
        %parallel_loop3A_231 = arith.shli %parallel_loop3A_220, %parallel_loop3A_230 : vector<16xi32>
        %parallel_loop3A_232 = arith.ori %parallel_loop3A_231, %parallel_loop3A_224 : vector<16xi32>
        %parallel_loop3A_233 = arith.constant 1 : i32
        %parallel_loop3A_234 = vector.broadcast %parallel_loop3A_233 : i32 to vector<16xi32>
        %parallel_loop3A_235 = tpu.scan <sum>, %parallel_loop3A_234 masked %parallel_loop3A_228 : vector<16xi32>, vector<16xi1> -> vector<16xi32>
        %parallel_loop3A_236 = arith.addi %parallel_loop3A_216, %parallel_loop3A_235 : vector<16xi32>
        %parallel_loop3A_237 = arith.constant 1 : i32
        %parallel_loop3A_238 = vector.broadcast %parallel_loop3A_237 : i32 to vector<16xi32>
        %parallel_loop3A_239 = arith.subi %parallel_loop3A_236, %parallel_loop3A_238 : vector<16xi32>
        tpu.vector_store_idx %arg11[%parallel_loop3A_239], %parallel_loop3A_232 masked %parallel_loop3A_228 : memref<4032xi32, #tpu.memory_space<vmem>>[vector<16xi32>], vector<16xi32>, vector<16xi1>
        %parallel_loop3A_240 = tpu.all_reduce %parallel_loop3A_228 {dim = 0 : i64, kind = #tpu.reduction_kind<sum>} : vector<16xi1> -> vector<16xi32>
        %parallel_loop3A_241 = arith.addi %parallel_loop3A_216, %parallel_loop3A_240 : vector<16xi32>
        %parallel_loop3A_242 = vector.broadcast %mul3A_2 : i32 to vector<16xi32>
        %parallel_loop3A_243 = arith.subi %parallel_loop3A_224, %parallel_loop3A_242 : vector<16xi32>
        %parallel_loop3A_244 = vector.broadcast %sub3A_154 : i32 to vector<16xi32>
        %parallel_loop3A_245 = arith.cmpi ult, %parallel_loop3A_243, %parallel_loop3A_244 : vector<16xi32>
        %parallel_loop3A_246 = arith.constant 14 : i32
        %parallel_loop3A_247 = vector.broadcast %parallel_loop3A_246 : i32 to vector<16xi32>
        %parallel_loop3A_248 = arith.shli %parallel_loop3A_224, %parallel_loop3A_247 : vector<16xi32>
        %parallel_loop3A_249 = arith.ori %parallel_loop3A_248, %parallel_loop3A_220 : vector<16xi32>
        %parallel_loop3A_250 = arith.constant 1 : i32
        %parallel_loop3A_251 = vector.broadcast %parallel_loop3A_250 : i32 to vector<16xi32>
        %parallel_loop3A_252 = tpu.scan <sum>, %parallel_loop3A_251 masked %parallel_loop3A_245 : vector<16xi32>, vector<16xi1> -> vector<16xi32>
        %parallel_loop3A_253 = arith.addi %parallel_loop3A_241, %parallel_loop3A_252 : vector<16xi32>
        %parallel_loop3A_254 = arith.constant 1 : i32
        %parallel_loop3A_255 = vector.broadcast %parallel_loop3A_254 : i32 to vector<16xi32>
        %parallel_loop3A_256 = arith.subi %parallel_loop3A_253, %parallel_loop3A_255 : vector<16xi32>
        tpu.vector_store_idx %arg11[%parallel_loop3A_256], %parallel_loop3A_249 masked %parallel_loop3A_245 : memref<4032xi32, #tpu.memory_space<vmem>>[vector<16xi32>], vector<16xi32>, vector<16xi1>
        %parallel_loop3A_257 = tpu.all_reduce %parallel_loop3A_245 {dim = 0 : i64, kind = #tpu.reduction_kind<sum>} : vector<16xi1> -> vector<16xi32>
        %parallel_loop3A_258 = arith.addi %parallel_loop3A_241, %parallel_loop3A_257 : vector<16xi32>
        scf.yield %parallel_loop3A_258 : vector<16xi32>
      } {sc.loop_unroll_factor = 4 : i64, sc.parallel_access}
      %reduce_max3A_161 = arith.constant true
      %reduce_max3A_162 = vector.broadcast %reduce_max3A_161 : i1 to vector<16xi1>
      %reduce_max3A_163 = arith.constant -2147483648 : i32
      %reduce_max3A_164 = vector.broadcast %reduce_max3A_163 : i32 to vector<16xi32>
      %reduce_max3A_165 = arith.xori %parallel_loop3A_160, %reduce_max3A_164 : vector<16xi32>
      %reduce_max3A_166 = tpu.scan <max>, %reduce_max3A_165 masked %reduce_max3A_162 : vector<16xi32>, vector<16xi1> -> vector<16xi32>
      %reduce_max3A_167 = arith.xori %reduce_max3A_166, %reduce_max3A_164 : vector<16xi32>
      %reduce_max3A_168 = vector.extract %reduce_max3A_167[15] : i32 from vector<16xi32>
      %add3A_169 = arith.constant 15 : i32
      %add3A_170 = arith.addi %reduce_max3A_168, %add3A_169 : i32
      %jit3A_171 = arith.constant 16 : i32
      %div3A_172 = arith.divsi %add3A_170, %jit3A_171 : i32
      %sign3A_173 = arith.constant 0 : i32
      %sign3A_174 = arith.cmpi sgt, %add3A_170, %sign3A_173 : i32
      %sign3A_175 = arith.extui %sign3A_174 : i1 to i32
      %sign3A_176 = arith.constant 0 : i32
      %sign3A_177 = arith.cmpi slt, %add3A_170, %sign3A_176 : i32
      %sign3A_178 = arith.extui %sign3A_177 : i1 to i32
      %sign3A_179 = arith.subi %sign3A_175, %sign3A_178 : i32
      %sign3A_180 = arith.constant 0 : i32
      %sign3A_181 = arith.cmpi sgt, %jit3A_171, %sign3A_180 : i32
      %sign3A_182 = arith.extui %sign3A_181 : i1 to i32
      %sign3A_183 = arith.constant 0 : i32
      %sign3A_184 = arith.cmpi slt, %jit3A_171, %sign3A_183 : i32
      %sign3A_185 = arith.extui %sign3A_184 : i1 to i32
      %sign3A_186 = arith.subi %sign3A_182, %sign3A_185 : i32
      %ne3A_187 = arith.cmpi ne, %sign3A_179, %sign3A_186 : i32
      %rem3A_188 = arith.remsi %add3A_170, %jit3A_171 : i32
      %ne3A_189 = arith.constant 0 : i32
      %ne3A_190 = arith.cmpi ne, %rem3A_188, %ne3A_189 : i32
      %and3A_191 = arith.andi %ne3A_187, %ne3A_190 : i1
      %sub3A_192 = arith.constant 1 : i32
      %sub3A_193 = arith.subi %div3A_172, %sub3A_192 : i32
      %select_n3A_194 = arith.select %and3A_191, %sub3A_193, %div3A_172 : i32
      %while3A_195 = arith.constant 0 : i32
      %while3A_196 = arith.subi %select_n3A_194, %while3A_195 : i32
      %while3A_197 = arith.addi %while3A_195, %while3A_196 : i32
      %while3A_198 = arith.constant 1 : i32
      %while3A_199 = arith.divsi %while3A_196, %while3A_198 : i32
      %while3A_200 = arith.muli %while3A_199, %while3A_198 : i32
      %while3A_201 = arith.addi %while3A_195, %while3A_200 : i32
      %while3A_202 = arith.constant 1 : i32
      %while3A_203 = scf.for %while3A_215 = %while3A_195 to %while3A_201 step %while3A_202 iter_args(%while3A_216 = %while3A_124) -> (vector<16xi32>)  : i32 {
        %mul3A_217 = arith.constant 16 : i32
        %mul3A_218 = arith.muli %while3A_215, %mul3A_217 : i32
        %add3A_219 = vector.broadcast %mul3A_218 : i32 to vector<16xi32>
        %add3A_220 = arith.addi %add3A_219, %iota3A : vector<16xi32>
        %lt3A = vector.broadcast %reduce_max3A_168 : i32 to vector<16xi32>
        %lt3A_221 = arith.cmpi slt, %add3A_220, %lt3A : vector<16xi32>
        %get3A = arith.index_cast %mul3A_218 : i32 to index
        %get3A_222 = tpu.vector_load %arg11[%get3A] {strides = array<i32>} : memref<4032xi32, #tpu.memory_space<vmem>>, vector<16xi32>,
        %shift_right_arithmetic3A = arith.constant 14 : i32
        %shift_right_arithmetic3A_223 = vector.broadcast %shift_right_arithmetic3A : i32 to vector<16xi32>
        %shift_right_arithmetic3A_224 = arith.shrsi %get3A_222, %shift_right_arithmetic3A_223 : vector<16xi32>
        %broadcast_in_dim3A_225 = vector.broadcast %mul3A_2 : i32 to vector<16xi32>
        %select_n3A_226 = arith.select %lt3A_221, %shift_right_arithmetic3A_224, %broadcast_in_dim3A_225 : vector<16xi1>, vector<16xi32>
        %and3A_227 = arith.constant 16383 : i32
        %and3A_228 = vector.broadcast %and3A_227 : i32 to vector<16xi32>
        %and3A_229 = arith.andi %get3A_222, %and3A_228 : vector<16xi32>
        %jit3A_230 = arith.constant 0 : i32
        %broadcast_in_dim3A_231 = vector.broadcast %jit3A_230 : i32 to vector<16xi32>
        %select_n3A_232 = arith.select %lt3A_221, %and3A_229, %broadcast_in_dim3A_231 : vector<16xi1>, vector<16xi32>
        %sub3A_233 = vector.broadcast %mul3A_2 : i32 to vector<16xi32>
        %sub3A_234 = arith.subi %select_n3A_226, %sub3A_233 : vector<16xi32>
        %mul3A_235 = arith.constant 313 : i32
        %mul3A_236 = vector.broadcast %mul3A_235 : i32 to vector<16xi32>
        %mul3A_237 = arith.muli %sub3A_234, %mul3A_236 : vector<16xi32>
        %shift_right_arithmetic3A_238 = arith.constant 5 : i32
        %shift_right_arithmetic3A_239 = vector.broadcast %shift_right_arithmetic3A_238 : i32 to vector<16xi32>
        %shift_right_arithmetic3A_240 = arith.shrsi %select_n3A_232, %shift_right_arithmetic3A_239 : vector<16xi32>
        %add3A_241 = arith.addi %mul3A_237, %shift_right_arithmetic3A_240 : vector<16xi32>
        %and3A_242 = arith.constant 31 : i32
        %and3A_243 = vector.broadcast %and3A_242 : i32 to vector<16xi32>
        %and3A_244 = arith.andi %select_n3A_232, %and3A_243 : vector<16xi32>
        %shift_left3A = arith.constant 1 : i32
        %shift_left3A_245 = vector.broadcast %shift_left3A : i32 to vector<16xi32>
        %shift_left3A_246 = arith.shli %shift_left3A_245, %and3A_244 : vector<16xi32>
        %unique3A, %unique3A_247 = tpu.scan_count mask(%lt3A_221 : vector<16xi1>) value(%get3A_222 : vector<16xi32>) : vector<16xi1>, vector<16xi32>
        %eq3A = arith.constant 1 : i32
        %eq3A_248 = vector.broadcast %eq3A : i32 to vector<16xi32>
        %eq3A_249 = arith.cmpi eq, %unique3A_247, %eq3A_248 : vector<16xi32>
        %and3A_250 = arith.andi %lt3A_221, %eq3A_249 : vector<16xi1>
        %gather3A = tpu.vector_load_idx %arg10[%add3A_241] masked %lt3A_221 : memref<100160xi32, #tpu.memory_space<vmem>>[vector<16xi32>], vector<16xi32>, vector<16xi1>
        %and3A_251 = arith.andi %gather3A, %shift_left3A_246 : vector<16xi32>
        %eq3A_252 = arith.constant 0 : i32
        %eq3A_253 = vector.broadcast %eq3A_252 : i32 to vector<16xi32>
        %eq3A_254 = arith.cmpi eq, %and3A_251, %eq3A_253 : vector<16xi32>
        %and3A_255 = arith.andi %and3A_250, %eq3A_254 : vector<16xi1>
        %jit3A_256 = arith.constant 1 : i32
        %jit3A_257 = arith.constant 0 : i32
        %broadcast_in_dim3A_258 = vector.broadcast %jit3A_256 : i32 to vector<16xi32>
        %broadcast_in_dim3A_259 = vector.broadcast %jit3A_257 : i32 to vector<16xi32>
        %select_n3A_260 = arith.select %and3A_255, %broadcast_in_dim3A_258, %broadcast_in_dim3A_259 : vector<16xi1>, vector<16xi32>
        %while3A_261 = scf.while (%while3A_280 = %select_n3A_260) : (vector<16xi32>) -> vector<16xi32> {
          %reduce_max3A_281 = arith.constant true
          %reduce_max3A_282 = vector.broadcast %reduce_max3A_281 : i1 to vector<16xi1>
          %reduce_max3A_283 = arith.constant -2147483648 : i32
          %reduce_max3A_284 = vector.broadcast %reduce_max3A_283 : i32 to vector<16xi32>
          %reduce_max3A_285 = arith.xori %while3A_280, %reduce_max3A_284 : vector<16xi32>
          %reduce_max3A_286 = tpu.scan <max>, %reduce_max3A_285 masked %reduce_max3A_282 : vector<16xi32>, vector<16xi1> -> vector<16xi32>
          %reduce_max3A_287 = arith.xori %reduce_max3A_286, %reduce_max3A_284 : vector<16xi32>
          %reduce_max3A_288 = vector.extract %reduce_max3A_287[15] : i32 from vector<16xi32>
          %gt3A = arith.constant 0 : i32
          %gt3A_289 = arith.cmpi sgt, %reduce_max3A_288, %gt3A : i32
          scf.condition(%gt3A_289) %while3A_280 : vector<16xi32>
        } do {
        ^bb0(%while3A_280: vector<16xi32>):
          %gt3A = arith.constant 0 : i32
          %gt3A_281 = vector.broadcast %gt3A : i32 to vector<16xi32>
          %gt3A_282 = arith.cmpi sgt, %while3A_280, %gt3A_281 : vector<16xi32>
          %unique3A_283, %unique3A_284 = tpu.scan_count mask(%gt3A_282 : vector<16xi1>) value(%add3A_241 : vector<16xi32>) : vector<16xi1>, vector<16xi32>
          %eq3A_285 = arith.constant 1 : i32
          %eq3A_286 = vector.broadcast %eq3A_285 : i32 to vector<16xi32>
          %eq3A_287 = arith.cmpi eq, %unique3A_284, %eq3A_286 : vector<16xi32>
          %and3A_288 = arith.andi %gt3A_282, %eq3A_287 : vector<16xi1>
          tpu.vector_store_idx %arg10[%add3A_241], %shift_left3A_246 masked %and3A_288 {add = true} : memref<100160xi32, #tpu.memory_space<vmem>>[vector<16xi32>], vector<16xi32>, vector<16xi1>
          %jit3A_289 = arith.constant 0 : i32
          %broadcast_in_dim3A_290 = vector.broadcast %jit3A_289 : i32 to vector<16xi32>
          %select_n3A_291 = arith.select %and3A_288, %broadcast_in_dim3A_290, %while3A_280 : vector<16xi1>, vector<16xi32>
          scf.yield %select_n3A_291 : vector<16xi32>
        }
        %gather3A_262 = tpu.vector_load_idx %arg9[%select_n3A_232] masked %lt3A_221 : memref<10000xf32, #tpu.memory_space<vmem>>[vector<16xi32>], vector<16xf32>, vector<16xi1>
        %eq3A_263 = arith.constant 0.000000e+00 : f32
        %eq3A_264 = vector.broadcast %eq3A_263 : f32 to vector<16xf32>
        %eq3A_265 = arith.cmpf oeq, %gather3A_262, %eq3A_264 : vector<16xf32>
        %and3A_266 = arith.andi %and3A_255, %eq3A_265 : vector<16xi1>
        %unique3A_267, %unique3A_268 = tpu.scan_count mask(%and3A_266 : vector<16xi1>) value(%sub3A_234 : vector<16xi32>) : vector<16xi1>, vector<16xi32>
        %and3A_269 = arith.andi %and3A_266, %unique3A_267 : vector<16xi1>
        tpu.vector_store_idx %arg13[%sub3A_234], %unique3A_268 masked %and3A_269 {add = true} : memref<384xi32, #tpu.memory_space<vmem>>[vector<16xi32>], vector<16xi32>, vector<16xi1>
        %broadcast_in_dim3A_270 = arith.constant 1 : i32
        %broadcast_in_dim3A_271 = vector.broadcast %broadcast_in_dim3A_270 : i32 to vector<16xi32>
        %masked_cumsum3A = tpu.scan <sum>, %broadcast_in_dim3A_271 masked %and3A_266 : vector<16xi32>, vector<16xi1> -> vector<16xi32>
        %add3A_272 = arith.addi %while3A_216, %masked_cumsum3A : vector<16xi32>
        %sub3A_273 = arith.constant 1 : i32
        %sub3A_274 = vector.broadcast %sub3A_273 : i32 to vector<16xi32>
        %sub3A_275 = arith.subi %add3A_272, %sub3A_274 : vector<16xi32>
        %and3A_276 = arith.constant 4095 : i32
        %and3A_277 = vector.broadcast %and3A_276 : i32 to vector<16xi32>
        %and3A_278 = arith.andi %sub3A_275, %and3A_277 : vector<16xi32>
        tpu.vector_store_idx %arg12[%and3A_278], %get3A_222 masked %and3A_266 : memref<4096xi32, #tpu.memory_space<vmem>>[vector<16xi32>], vector<16xi32>, vector<16xi1>
        %all_reduce_population_count3A = tpu.all_reduce %and3A_266 {dim = 0 : i64, kind = #tpu.reduction_kind<sum>} : vector<16xi1> -> vector<16xi32>
        %add3A_279 = arith.addi %while3A_216, %all_reduce_population_count3A : vector<16xi32>
        scf.yield %add3A_279 : vector<16xi32>
      }
      %while3A_204 = arith.constant 1 : i32
      %while3A_205 = scf.for %while3A_215 = %while3A_201 to %while3A_197 step %while3A_204 iter_args(%while3A_216 = %while3A_203) -> (vector<16xi32>)  : i32 {
        %mul3A_217 = arith.constant 16 : i32
        %mul3A_218 = arith.muli %while3A_215, %mul3A_217 : i32
        %add3A_219 = vector.broadcast %mul3A_218 : i32 to vector<16xi32>
        %add3A_220 = arith.addi %add3A_219, %iota3A : vector<16xi32>
        %lt3A = vector.broadcast %reduce_max3A_168 : i32 to vector<16xi32>
        %lt3A_221 = arith.cmpi slt, %add3A_220, %lt3A : vector<16xi32>
        %get3A = arith.index_cast %mul3A_218 : i32 to index
        %get3A_222 = tpu.vector_load %arg11[%get3A] {strides = array<i32>} : memref<4032xi32, #tpu.memory_space<vmem>>, vector<16xi32>,
        %shift_right_arithmetic3A = arith.constant 14 : i32
        %shift_right_arithmetic3A_223 = vector.broadcast %shift_right_arithmetic3A : i32 to vector<16xi32>
        %shift_right_arithmetic3A_224 = arith.shrsi %get3A_222, %shift_right_arithmetic3A_223 : vector<16xi32>
        %broadcast_in_dim3A_225 = vector.broadcast %mul3A_2 : i32 to vector<16xi32>
        %select_n3A_226 = arith.select %lt3A_221, %shift_right_arithmetic3A_224, %broadcast_in_dim3A_225 : vector<16xi1>, vector<16xi32>
        %and3A_227 = arith.constant 16383 : i32
        %and3A_228 = vector.broadcast %and3A_227 : i32 to vector<16xi32>
        %and3A_229 = arith.andi %get3A_222, %and3A_228 : vector<16xi32>
        %jit3A_230 = arith.constant 0 : i32
        %broadcast_in_dim3A_231 = vector.broadcast %jit3A_230 : i32 to vector<16xi32>
        %select_n3A_232 = arith.select %lt3A_221, %and3A_229, %broadcast_in_dim3A_231 : vector<16xi1>, vector<16xi32>
        %sub3A_233 = vector.broadcast %mul3A_2 : i32 to vector<16xi32>
        %sub3A_234 = arith.subi %select_n3A_226, %sub3A_233 : vector<16xi32>
        %mul3A_235 = arith.constant 313 : i32
        %mul3A_236 = vector.broadcast %mul3A_235 : i32 to vector<16xi32>
        %mul3A_237 = arith.muli %sub3A_234, %mul3A_236 : vector<16xi32>
        %shift_right_arithmetic3A_238 = arith.constant 5 : i32
        %shift_right_arithmetic3A_239 = vector.broadcast %shift_right_arithmetic3A_238 : i32 to vector<16xi32>
        %shift_right_arithmetic3A_240 = arith.shrsi %select_n3A_232, %shift_right_arithmetic3A_239 : vector<16xi32>
        %add3A_241 = arith.addi %mul3A_237, %shift_right_arithmetic3A_240 : vector<16xi32>
        %and3A_242 = arith.constant 31 : i32
        %and3A_243 = vector.broadcast %and3A_242 : i32 to vector<16xi32>
        %and3A_244 = arith.andi %select_n3A_232, %and3A_243 : vector<16xi32>
        %shift_left3A = arith.constant 1 : i32
        %shift_left3A_245 = vector.broadcast %shift_left3A : i32 to vector<16xi32>
        %shift_left3A_246 = arith.shli %shift_left3A_245, %and3A_244 : vector<16xi32>
        %unique3A, %unique3A_247 = tpu.scan_count mask(%lt3A_221 : vector<16xi1>) value(%get3A_222 : vector<16xi32>) : vector<16xi1>, vector<16xi32>
        %eq3A = arith.constant 1 : i32
        %eq3A_248 = vector.broadcast %eq3A : i32 to vector<16xi32>
        %eq3A_249 = arith.cmpi eq, %unique3A_247, %eq3A_248 : vector<16xi32>
        %and3A_250 = arith.andi %lt3A_221, %eq3A_249 : vector<16xi1>
        %gather3A = tpu.vector_load_idx %arg10[%add3A_241] masked %lt3A_221 : memref<100160xi32, #tpu.memory_space<vmem>>[vector<16xi32>], vector<16xi32>, vector<16xi1>
        %and3A_251 = arith.andi %gather3A, %shift_left3A_246 : vector<16xi32>
        %eq3A_252 = arith.constant 0 : i32
        %eq3A_253 = vector.broadcast %eq3A_252 : i32 to vector<16xi32>
        %eq3A_254 = arith.cmpi eq, %and3A_251, %eq3A_253 : vector<16xi32>
        %and3A_255 = arith.andi %and3A_250, %eq3A_254 : vector<16xi1>
        %jit3A_256 = arith.constant 1 : i32
        %jit3A_257 = arith.constant 0 : i32
        %broadcast_in_dim3A_258 = vector.broadcast %jit3A_256 : i32 to vector<16xi32>
        %broadcast_in_dim3A_259 = vector.broadcast %jit3A_257 : i32 to vector<16xi32>
        %select_n3A_260 = arith.select %and3A_255, %broadcast_in_dim3A_258, %broadcast_in_dim3A_259 : vector<16xi1>, vector<16xi32>
        %while3A_261 = scf.while (%while3A_280 = %select_n3A_260) : (vector<16xi32>) -> vector<16xi32> {
          %reduce_max3A_281 = arith.constant true
          %reduce_max3A_282 = vector.broadcast %reduce_max3A_281 : i1 to vector<16xi1>
          %reduce_max3A_283 = arith.constant -2147483648 : i32
          %reduce_max3A_284 = vector.broadcast %reduce_max3A_283 : i32 to vector<16xi32>
          %reduce_max3A_285 = arith.xori %while3A_280, %reduce_max3A_284 : vector<16xi32>
          %reduce_max3A_286 = tpu.scan <max>, %reduce_max3A_285 masked %reduce_max3A_282 : vector<16xi32>, vector<16xi1> -> vector<16xi32>
          %reduce_max3A_287 = arith.xori %reduce_max3A_286, %reduce_max3A_284 : vector<16xi32>
          %reduce_max3A_288 = vector.extract %reduce_max3A_287[15] : i32 from vector<16xi32>
          %gt3A = arith.constant 0 : i32
          %gt3A_289 = arith.cmpi sgt, %reduce_max3A_288, %gt3A : i32
          scf.condition(%gt3A_289) %while3A_280 : vector<16xi32>
        } do {
        ^bb0(%while3A_280: vector<16xi32>):
          %gt3A = arith.constant 0 : i32
          %gt3A_281 = vector.broadcast %gt3A : i32 to vector<16xi32>
          %gt3A_282 = arith.cmpi sgt, %while3A_280, %gt3A_281 : vector<16xi32>
          %unique3A_283, %unique3A_284 = tpu.scan_count mask(%gt3A_282 : vector<16xi1>) value(%add3A_241 : vector<16xi32>) : vector<16xi1>, vector<16xi32>
          %eq3A_285 = arith.constant 1 : i32
          %eq3A_286 = vector.broadcast %eq3A_285 : i32 to vector<16xi32>
          %eq3A_287 = arith.cmpi eq, %unique3A_284, %eq3A_286 : vector<16xi32>
          %and3A_288 = arith.andi %gt3A_282, %eq3A_287 : vector<16xi1>
          tpu.vector_store_idx %arg10[%add3A_241], %shift_left3A_246 masked %and3A_288 {add = true} : memref<100160xi32, #tpu.memory_space<vmem>>[vector<16xi32>], vector<16xi32>, vector<16xi1>
          %jit3A_289 = arith.constant 0 : i32
          %broadcast_in_dim3A_290 = vector.broadcast %jit3A_289 : i32 to vector<16xi32>
          %select_n3A_291 = arith.select %and3A_288, %broadcast_in_dim3A_290, %while3A_280 : vector<16xi1>, vector<16xi32>
          scf.yield %select_n3A_291 : vector<16xi32>
        }
        %gather3A_262 = tpu.vector_load_idx %arg9[%select_n3A_232] masked %lt3A_221 : memref<10000xf32, #tpu.memory_space<vmem>>[vector<16xi32>], vector<16xf32>, vector<16xi1>
        %eq3A_263 = arith.constant 0.000000e+00 : f32
        %eq3A_264 = vector.broadcast %eq3A_263 : f32 to vector<16xf32>
        %eq3A_265 = arith.cmpf oeq, %gather3A_262, %eq3A_264 : vector<16xf32>
        %and3A_266 = arith.andi %and3A_255, %eq3A_265 : vector<16xi1>
        %unique3A_267, %unique3A_268 = tpu.scan_count mask(%and3A_266 : vector<16xi1>) value(%sub3A_234 : vector<16xi32>) : vector<16xi1>, vector<16xi32>
        %and3A_269 = arith.andi %and3A_266, %unique3A_267 : vector<16xi1>
        tpu.vector_store_idx %arg13[%sub3A_234], %unique3A_268 masked %and3A_269 {add = true} : memref<384xi32, #tpu.memory_space<vmem>>[vector<16xi32>], vector<16xi32>, vector<16xi1>
        %broadcast_in_dim3A_270 = arith.constant 1 : i32
        %broadcast_in_dim3A_271 = vector.broadcast %broadcast_in_dim3A_270 : i32 to vector<16xi32>
        %masked_cumsum3A = tpu.scan <sum>, %broadcast_in_dim3A_271 masked %and3A_266 : vector<16xi32>, vector<16xi1> -> vector<16xi32>
        %add3A_272 = arith.addi %while3A_216, %masked_cumsum3A : vector<16xi32>
        %sub3A_273 = arith.constant 1 : i32
        %sub3A_274 = vector.broadcast %sub3A_273 : i32 to vector<16xi32>
        %sub3A_275 = arith.subi %add3A_272, %sub3A_274 : vector<16xi32>
        %and3A_276 = arith.constant 4095 : i32
        %and3A_277 = vector.broadcast %and3A_276 : i32 to vector<16xi32>
        %and3A_278 = arith.andi %sub3A_275, %and3A_277 : vector<16xi32>
        tpu.vector_store_idx %arg12[%and3A_278], %get3A_222 masked %and3A_266 : memref<4096xi32, #tpu.memory_space<vmem>>[vector<16xi32>], vector<16xi32>, vector<16xi1>
        %all_reduce_population_count3A = tpu.all_reduce %and3A_266 {dim = 0 : i64, kind = #tpu.reduction_kind<sum>} : vector<16xi1> -> vector<16xi32>
        %add3A_279 = arith.addi %while3A_216, %all_reduce_population_count3A : vector<16xi32>
        scf.yield %add3A_279 : vector<16xi32>
      }
      %reduce_max3A_206 = arith.constant true
      %reduce_max3A_207 = vector.broadcast %reduce_max3A_206 : i1 to vector<16xi1>
      %reduce_max3A_208 = arith.constant -2147483648 : i32
      %reduce_max3A_209 = vector.broadcast %reduce_max3A_208 : i32 to vector<16xi32>
      %reduce_max3A_210 = arith.xori %while3A_205, %reduce_max3A_209 : vector<16xi32>
      %reduce_max3A_211 = tpu.scan <max>, %reduce_max3A_210 masked %reduce_max3A_207 : vector<16xi32>, vector<16xi1> -> vector<16xi32>
      %reduce_max3A_212 = arith.xori %reduce_max3A_211, %reduce_max3A_209 : vector<16xi32>
      %reduce_max3A_213 = vector.extract %reduce_max3A_212[15] : i32 from vector<16xi32>
      %while3A_214:2 = scf.while (%while3A_215 = %reduce_max3A_213, %while3A_216 = %while3A_133#1) : (i32, i32) -> (i32, i32) {
        %sub3A_217 = arith.subi %while3A_215, %while3A_216 : i32
        %ge3A = arith.constant 512 : i32
        %ge3A_218 = arith.cmpi sge, %sub3A_217, %ge3A : i32
        scf.condition(%ge3A_218) %while3A_215, %while3A_216 : i32, i32
      } do {
      ^bb0(%while3A_215: i32, %while3A_216: i32):
        %and3A_217 = arith.constant 4095 : i32
        %and3A_218 = arith.andi %while3A_216, %and3A_217 : i32
        %multiple_of3A_219 = tpu.assume_multiple %and3A_218, 512 : i32
        %mul3A_220 = arith.constant 321536 : i32
        %mul3A_221 = arith.muli %add3A, %mul3A_220 : i32
        %add3A_222 = arith.addi %mul3A_221, %while3A_216 : i32
        %multiple_of3A_223 = tpu.assume_multiple %add3A_222, 512 : i32
        "tpu.region"() ({
          %run_scoped3A = tpu.sem_alloc : memref<!tpu.dma_semaphore, #tpu.memory_space<semaphore_mem>>
          %dma_start3A_226 = tpu.memref_slice %arg12[%multiple_of3A_219] : memref<4096xi32, #tpu.memory_space<vmem>> -> memref<512xi32, #tpu.memory_space<vmem>>
          %dma_start3A_227 = tpu.memref_slice %arg6[%multiple_of3A_223] : memref<10289152xi32, #tpu.memory_space<hbm>> -> memref<512xi32, #tpu.memory_space<hbm>>
          %dma_start3A_228 = tpu.memref_slice %arg6[%multiple_of3A_223] : memref<10289152xi32, #tpu.memory_space<hbm>> -> memref<512xi32, #tpu.memory_space<hbm>>
          %dma_start3A_229 = tpu.memref_slice %arg12[%multiple_of3A_219] : memref<4096xi32, #tpu.memory_space<vmem>> -> memref<512xi32, #tpu.memory_space<vmem>>
          tpu.enqueue_dma source(%dma_start3A_229 : memref<512xi32, #tpu.memory_space<vmem>>) target(%dma_start3A_228 : memref<512xi32, #tpu.memory_space<hbm>>) target_semaphore(%run_scoped3A : memref<!tpu.dma_semaphore, #tpu.memory_space<semaphore_mem>>)
          %dma_wait3A_230 = tpu.memref_slice %arg12[%multiple_of3A_219] : memref<4096xi32, #tpu.memory_space<vmem>> -> memref<512xi32, #tpu.memory_space<vmem>>
          %dma_wait3A_231 = tpu.memref_slice %arg6[%multiple_of3A_223] : memref<10289152xi32, #tpu.memory_space<hbm>> -> memref<512xi32, #tpu.memory_space<hbm>>
          %dma_wait3A_232 = tpu.memref_slice %arg6[%multiple_of3A_223] : memref<10289152xi32, #tpu.memory_space<hbm>> -> memref<512xi32, #tpu.memory_space<hbm>>
          %dma_wait3A_233 = tpu.memref_slice %arg12[%multiple_of3A_219] : memref<4096xi32, #tpu.memory_space<vmem>> -> memref<512xi32, #tpu.memory_space<vmem>>
          tpu.wait_dma2 semaphore(%run_scoped3A : memref<!tpu.dma_semaphore, #tpu.memory_space<semaphore_mem>>) src(%dma_wait3A_233 : memref<512xi32, #tpu.memory_space<vmem>>) dst(%dma_wait3A_232 : memref<512xi32, #tpu.memory_space<hbm>>)
          tpu.yield
        }) : () -> ()
        %add3A_224 = arith.constant 512 : i32
        %add3A_225 = arith.addi %while3A_216, %add3A_224 : i32
        scf.yield %while3A_215, %add3A_225 : i32, i32
      }
      scf.yield %while3A_205, %while3A_214#1 : vector<16xi32>, i32
    }
    %scan3A_29 = arith.constant 40 : i32
    %multiple_of3A_30 = arith.constant 156000 : i32
    %multiple_of3A_31 = tpu.assume_multiple %multiple_of3A_30, 8 : i32
    %dma_wait3A = tpu.memref_slice %arg3[%multiple_of3A_31] : memref<160000xi32, #tpu.memory_space<hbm>> -> memref<2000xi32, #tpu.memory_space<hbm>>
    %dma_wait3A_32 = tpu.memref_slice %arg3[%multiple_of3A_31] : memref<160000xi32, #tpu.memory_space<hbm>> -> memref<2000xi32, #tpu.memory_space<hbm>>
    tpu.wait_dma2 semaphore(%arg19 : memref<!tpu.dma_semaphore, #tpu.memory_space<semaphore_mem>>) src(%dma_wait3A_32 : memref<2000xi32, #tpu.memory_space<hbm>>) dst(%arg14 : memref<2000xi32, #tpu.memory_space<vmem>>)
    %dma_wait3A_33 = tpu.memref_slice %arg4[%multiple_of3A_31] : memref<160000xi32, #tpu.memory_space<hbm>> -> memref<2000xi32, #tpu.memory_space<hbm>>
    %dma_wait3A_34 = tpu.memref_slice %arg4[%multiple_of3A_31] : memref<160000xi32, #tpu.memory_space<hbm>> -> memref<2000xi32, #tpu.memory_space<hbm>>
    tpu.wait_dma2 semaphore(%arg20 : memref<!tpu.dma_semaphore, #tpu.memory_space<semaphore_mem>>) src(%dma_wait3A_34 : memref<2000xi32, #tpu.memory_space<hbm>>) dst(%arg15 : memref<2000xi32, #tpu.memory_space<vmem>>)
    %and3A = arith.constant 4095 : i32
    %and3A_35 = arith.andi %scan3A_28#1, %and3A : i32
    %multiple_of3A_36 = tpu.assume_multiple %and3A_35, 512 : i32
    %mul3A_37 = arith.constant 321536 : i32
    %mul3A_38 = arith.muli %add3A, %mul3A_37 : i32
    %add3A_39 = arith.addi %mul3A_38, %scan3A_28#1 : i32
    %multiple_of3A_40 = tpu.assume_multiple %add3A_39, 512 : i32
    "tpu.region"() ({
      %run_scoped3A = tpu.sem_alloc : memref<!tpu.dma_semaphore, #tpu.memory_space<semaphore_mem>>
      %dma_start3A_62 = tpu.memref_slice %arg12[%multiple_of3A_36] : memref<4096xi32, #tpu.memory_space<vmem>> -> memref<512xi32, #tpu.memory_space<vmem>>
      %dma_start3A_63 = tpu.memref_slice %arg6[%multiple_of3A_40] : memref<10289152xi32, #tpu.memory_space<hbm>> -> memref<512xi32, #tpu.memory_space<hbm>>
      %dma_start3A_64 = tpu.memref_slice %arg6[%multiple_of3A_40] : memref<10289152xi32, #tpu.memory_space<hbm>> -> memref<512xi32, #tpu.memory_space<hbm>>
      %dma_start3A_65 = tpu.memref_slice %arg12[%multiple_of3A_36] : memref<4096xi32, #tpu.memory_space<vmem>> -> memref<512xi32, #tpu.memory_space<vmem>>
      tpu.enqueue_dma source(%dma_start3A_65 : memref<512xi32, #tpu.memory_space<vmem>>) target(%dma_start3A_64 : memref<512xi32, #tpu.memory_space<hbm>>) target_semaphore(%run_scoped3A : memref<!tpu.dma_semaphore, #tpu.memory_space<semaphore_mem>>)
      %dma_wait3A_66 = tpu.memref_slice %arg12[%multiple_of3A_36] : memref<4096xi32, #tpu.memory_space<vmem>> -> memref<512xi32, #tpu.memory_space<vmem>>
      %dma_wait3A_67 = tpu.memref_slice %arg6[%multiple_of3A_40] : memref<10289152xi32, #tpu.memory_space<hbm>> -> memref<512xi32, #tpu.memory_space<hbm>>
      %dma_wait3A_68 = tpu.memref_slice %arg6[%multiple_of3A_40] : memref<10289152xi32, #tpu.memory_space<hbm>> -> memref<512xi32, #tpu.memory_space<hbm>>
      %dma_wait3A_69 = tpu.memref_slice %arg12[%multiple_of3A_36] : memref<4096xi32, #tpu.memory_space<vmem>> -> memref<512xi32, #tpu.memory_space<vmem>>
      tpu.wait_dma2 semaphore(%run_scoped3A : memref<!tpu.dma_semaphore, #tpu.memory_space<semaphore_mem>>) src(%dma_wait3A_69 : memref<512xi32, #tpu.memory_space<vmem>>) dst(%dma_wait3A_68 : memref<512xi32, #tpu.memory_space<hbm>>)
      tpu.yield
    }) : () -> ()
    %swap3A = arith.constant 0 : index
    %swap3A_41 = tpu.vector_load %arg18[%swap3A] {strides = array<i32>} : memref<128xi32, #tpu.memory_space<vmem>>, vector<16xi32>,
    tpu.vector_store %arg18[%swap3A], %scan3A_28#0 {strides = array<i32>} : memref<128xi32, #tpu.memory_space<vmem>>, vector<16xi32>,
    %swap3A_42 = arith.constant 16 : index
    %swap3A_43 = tpu.vector_load %arg18[%swap3A_42] {strides = array<i32>} : memref<128xi32, #tpu.memory_space<vmem>>, vector<16xi32>,
    tpu.vector_store %arg18[%swap3A_42], %scan3A_28#0 {strides = array<i32>} : memref<128xi32, #tpu.memory_space<vmem>>, vector<16xi32>,
    %swap3A_44 = arith.constant 32 : index
    %swap3A_45 = tpu.vector_load %arg18[%swap3A_44] {strides = array<i32>} : memref<128xi32, #tpu.memory_space<vmem>>, vector<16xi32>,
    tpu.vector_store %arg18[%swap3A_44], %scan3A_28#0 {strides = array<i32>} : memref<128xi32, #tpu.memory_space<vmem>>, vector<16xi32>,
    %swap3A_46 = arith.constant 48 : index
    %swap3A_47 = tpu.vector_load %arg18[%swap3A_46] {strides = array<i32>} : memref<128xi32, #tpu.memory_space<vmem>>, vector<16xi32>,
    tpu.vector_store %arg18[%swap3A_46], %scan3A_28#0 {strides = array<i32>} : memref<128xi32, #tpu.memory_space<vmem>>, vector<16xi32>,
    %swap3A_48 = arith.constant 64 : index
    %swap3A_49 = tpu.vector_load %arg18[%swap3A_48] {strides = array<i32>} : memref<128xi32, #tpu.memory_space<vmem>>, vector<16xi32>,
    tpu.vector_store %arg18[%swap3A_48], %scan3A_28#0 {strides = array<i32>} : memref<128xi32, #tpu.memory_space<vmem>>, vector<16xi32>,
    %swap3A_50 = arith.constant 80 : index
    %swap3A_51 = tpu.vector_load %arg18[%swap3A_50] {strides = array<i32>} : memref<128xi32, #tpu.memory_space<vmem>>, vector<16xi32>,
    tpu.vector_store %arg18[%swap3A_50], %scan3A_28#0 {strides = array<i32>} : memref<128xi32, #tpu.memory_space<vmem>>, vector<16xi32>,
    %swap3A_52 = arith.constant 96 : index
    %swap3A_53 = tpu.vector_load %arg18[%swap3A_52] {strides = array<i32>} : memref<128xi32, #tpu.memory_space<vmem>>, vector<16xi32>,
    tpu.vector_store %arg18[%swap3A_52], %scan3A_28#0 {strides = array<i32>} : memref<128xi32, #tpu.memory_space<vmem>>, vector<16xi32>,
    %swap3A_54 = arith.constant 112 : index
    %swap3A_55 = tpu.vector_load %arg18[%swap3A_54] {strides = array<i32>} : memref<128xi32, #tpu.memory_space<vmem>>, vector<16xi32>,
    tpu.vector_store %arg18[%swap3A_54], %scan3A_28#0 {strides = array<i32>} : memref<128xi32, #tpu.memory_space<vmem>>, vector<16xi32>,
    %mul3A_56 = arith.constant 128 : i32
    %mul3A_57 = arith.muli %add3A, %mul3A_56 : i32
    %multiple_of3A_58 = tpu.assume_multiple %mul3A_57, 128 : i32
    "tpu.region"() ({
      %run_scoped3A = tpu.sem_alloc : memref<!tpu.dma_semaphore, #tpu.memory_space<semaphore_mem>>
      %dma_start3A_62 = tpu.memref_slice %arg7[%multiple_of3A_58] : memref<4096xi32, #tpu.memory_space<hbm>> -> memref<128xi32, #tpu.memory_space<hbm>>
      %dma_start3A_63 = tpu.memref_slice %arg7[%multiple_of3A_58] : memref<4096xi32, #tpu.memory_space<hbm>> -> memref<128xi32, #tpu.memory_space<hbm>>
      tpu.enqueue_dma source(%arg18 : memref<128xi32, #tpu.memory_space<vmem>>) target(%dma_start3A_63 : memref<128xi32, #tpu.memory_space<hbm>>) target_semaphore(%run_scoped3A : memref<!tpu.dma_semaphore, #tpu.memory_space<semaphore_mem>>)
      %dma_wait3A_64 = tpu.memref_slice %arg7[%multiple_of3A_58] : memref<4096xi32, #tpu.memory_space<hbm>> -> memref<128xi32, #tpu.memory_space<hbm>>
      %dma_wait3A_65 = tpu.memref_slice %arg7[%multiple_of3A_58] : memref<4096xi32, #tpu.memory_space<hbm>> -> memref<128xi32, #tpu.memory_space<hbm>>
      tpu.wait_dma2 semaphore(%run_scoped3A : memref<!tpu.dma_semaphore, #tpu.memory_space<semaphore_mem>>) src(%arg18 : memref<128xi32, #tpu.memory_space<vmem>>) dst(%dma_wait3A_65 : memref<128xi32, #tpu.memory_space<hbm>>)
      tpu.yield
    }) : () -> ()
    %mul3A_59 = arith.constant 384 : i32
    %mul3A_60 = arith.muli %add3A, %mul3A_59 : i32
    %multiple_of3A_61 = tpu.assume_multiple %mul3A_60, 128 : i32
    "tpu.region"() ({
      %run_scoped3A = tpu.sem_alloc : memref<!tpu.dma_semaphore, #tpu.memory_space<semaphore_mem>>
      %dma_start3A_62 = tpu.memref_slice %arg8[%multiple_of3A_61] : memref<12288xi32, #tpu.memory_space<hbm>> -> memref<384xi32, #tpu.memory_space<hbm>>
      %dma_start3A_63 = tpu.memref_slice %arg8[%multiple_of3A_61] : memref<12288xi32, #tpu.memory_space<hbm>> -> memref<384xi32, #tpu.memory_space<hbm>>
      tpu.enqueue_dma source(%arg13 : memref<384xi32, #tpu.memory_space<vmem>>) target(%dma_start3A_63 : memref<384xi32, #tpu.memory_space<hbm>>) target_semaphore(%run_scoped3A : memref<!tpu.dma_semaphore, #tpu.memory_space<semaphore_mem>>)
      %dma_wait3A_64 = tpu.memref_slice %arg8[%multiple_of3A_61] : memref<12288xi32, #tpu.memory_space<hbm>> -> memref<384xi32, #tpu.memory_space<hbm>>
      %dma_wait3A_65 = tpu.memref_slice %arg8[%multiple_of3A_61] : memref<12288xi32, #tpu.memory_space<hbm>> -> memref<384xi32, #tpu.memory_space<hbm>>
      tpu.wait_dma2 semaphore(%run_scoped3A : memref<!tpu.dma_semaphore, #tpu.memory_space<semaphore_mem>>) src(%arg13 : memref<384xi32, #tpu.memory_space<vmem>>) dst(%dma_wait3A_65 : memref<384xi32, #tpu.memory_space<hbm>>)
      tpu.yield
    }) : () -> ()
    return
  }
}

#map = affine_map<(d0, d1) -> (0, 0)>
#map1 = affine_map<(d0, d1) -> (0)>
module attributes {stable_mosaic.version = 14 : i64} {
  func.func @_k2_body(%arg0: i32, %arg1: i32, %arg2: memref<10000x128xf32, #tpu.memory_space<hbm>>, %arg3: memref<336x128xf32, #tpu.memory_space<hbm>>, %arg4: memref<10289152xi32, #tpu.memory_space<hbm>>, %arg5: memref<4096xi32, #tpu.memory_space<hbm>>, %arg6: memref<12288xi32, #tpu.memory_space<hbm>>, %arg7: memref<10000x127xf32, #tpu.memory_space<hbm>>, %arg8: memref<16x128xf32, #tpu.memory_space<vmem>>, %arg9: memref<2048xi32, #tpu.memory_space<vmem>>, %arg10: memref<320x128xf32, #tpu.memory_space<vmem>>, %arg11: memref<320x127xf32, #tpu.memory_space<vmem>>, %arg12: memref<384xi32, #tpu.memory_space<vmem>>, %arg13: memref<128xi32, #tpu.memory_space<vmem>>, %arg14: memref<5376x128xf32, #tpu.memory_space<vmem_shared>>) attributes {dimension_semantics = [#tpu.dimension_semantics<core_parallel>, #tpu.dimension_semantics<subcore_parallel>], iteration_bounds = array<i64: 2, 16>, scalar_prefetch = 0 : i64, scratch_operands = 7 : i64, tpu.core_type = #tpu.core_type<sc_vector_subcore>, window_params = [{transform_indices = #map}, {transform_indices = #map}, {transform_indices = #map1}, {transform_indices = #map1}, {transform_indices = #map1}, {transform_indices = #map}]} {
    %mul3A = arith.constant 2 : i32
    %mul3A_0 = arith.muli %arg1, %mul3A : i32
    %add3A = arith.addi %mul3A_0, %arg0 : i32
    %mul3A_1 = arith.constant 320 : i32
    %mul3A_2 = arith.muli %add3A, %mul3A_1 : i32
    %add3A_3 = arith.constant 320 : i32
    %add3A_4 = arith.addi %mul3A_2, %add3A_3 : i32
    %min3A = arith.constant 10000 : i32
    %min3A_5 = arith.minsi %add3A_4, %min3A : i32
    %sub3A = arith.subi %min3A_5, %mul3A_2 : i32
    %iota3A = tpu.iota {dimensions = array<i32: 0>} : vector<16xi32>
    %mul3A_6 = arith.constant 336 : i32
    %mul3A_7 = arith.muli %arg1, %mul3A_6 : i32
    %multiple_of3A = tpu.assume_multiple %mul3A_7, 16 : i32
    "tpu.region"() ({
      %run_scoped3A = tpu.sem_alloc : memref<!tpu.dma_semaphore, #tpu.memory_space<semaphore_mem>>
      %dma_start3A = arith.constant 0 : i32
      %dma_start3A_54 = tpu.memref_slice %arg14[%multiple_of3A, %dma_start3A] : memref<5376x128xf32, #tpu.memory_space<vmem_shared>> -> memref<336x128xf32, #tpu.memory_space<vmem_shared>>
      tpu.enqueue_dma source(%arg3 : memref<336x128xf32, #tpu.memory_space<hbm>>) target(%dma_start3A_54 : memref<336x128xf32, #tpu.memory_space<vmem_shared>>) target_semaphore(%run_scoped3A : memref<!tpu.dma_semaphore, #tpu.memory_space<semaphore_mem>>)
      %dma_wait3A = arith.constant 0 : i32
      %dma_wait3A_55 = tpu.memref_slice %arg14[%multiple_of3A, %dma_wait3A] : memref<5376x128xf32, #tpu.memory_space<vmem_shared>> -> memref<336x128xf32, #tpu.memory_space<vmem_shared>>
      tpu.wait_dma2 semaphore(%run_scoped3A : memref<!tpu.dma_semaphore, #tpu.memory_space<semaphore_mem>>) src(%arg3 : memref<336x128xf32, #tpu.memory_space<hbm>>) dst(%dma_wait3A_55 : memref<336x128xf32, #tpu.memory_space<vmem_shared>>)
      tpu.yield
    }) : () -> ()
    %mul3A_8 = arith.constant 128 : i32
    %mul3A_9 = arith.muli %add3A, %mul3A_8 : i32
    %multiple_of3A_10 = tpu.assume_multiple %mul3A_9, 128 : i32
    "tpu.region"() ({
      %run_scoped3A = tpu.sem_alloc : memref<!tpu.dma_semaphore, #tpu.memory_space<semaphore_mem>>
      %dma_start3A = tpu.memref_slice %arg5[%multiple_of3A_10] : memref<4096xi32, #tpu.memory_space<hbm>> -> memref<128xi32, #tpu.memory_space<hbm>>
      %dma_start3A_54 = tpu.memref_slice %arg5[%multiple_of3A_10] : memref<4096xi32, #tpu.memory_space<hbm>> -> memref<128xi32, #tpu.memory_space<hbm>>
      tpu.enqueue_dma source(%dma_start3A_54 : memref<128xi32, #tpu.memory_space<hbm>>) target(%arg13 : memref<128xi32, #tpu.memory_space<vmem>>) target_semaphore(%run_scoped3A : memref<!tpu.dma_semaphore, #tpu.memory_space<semaphore_mem>>)
      %dma_wait3A = tpu.memref_slice %arg5[%multiple_of3A_10] : memref<4096xi32, #tpu.memory_space<hbm>> -> memref<128xi32, #tpu.memory_space<hbm>>
      %dma_wait3A_55 = tpu.memref_slice %arg5[%multiple_of3A_10] : memref<4096xi32, #tpu.memory_space<hbm>> -> memref<128xi32, #tpu.memory_space<hbm>>
      tpu.wait_dma2 semaphore(%run_scoped3A : memref<!tpu.dma_semaphore, #tpu.memory_space<semaphore_mem>>) src(%dma_wait3A_55 : memref<128xi32, #tpu.memory_space<hbm>>) dst(%arg13 : memref<128xi32, #tpu.memory_space<vmem>>)
      tpu.yield
    }) : () -> ()
    %get3A = arith.constant 0 : index
    %get3A_11 = tpu.vector_load %arg13[%get3A] {strides = array<i32>} : memref<128xi32, #tpu.memory_space<vmem>>, vector<16xi32>,
    %reduce_max3A = arith.constant true
    %reduce_max3A_12 = vector.broadcast %reduce_max3A : i1 to vector<16xi1>
    %reduce_max3A_13 = arith.constant -2147483648 : i32
    %reduce_max3A_14 = vector.broadcast %reduce_max3A_13 : i32 to vector<16xi32>
    %reduce_max3A_15 = arith.xori %get3A_11, %reduce_max3A_14 : vector<16xi32>
    %reduce_max3A_16 = tpu.scan <max>, %reduce_max3A_15 masked %reduce_max3A_12 : vector<16xi32>, vector<16xi1> -> vector<16xi32>
    %reduce_max3A_17 = arith.xori %reduce_max3A_16, %reduce_max3A_14 : vector<16xi32>
    %reduce_max3A_18 = vector.extract %reduce_max3A_17[15] : i32 from vector<16xi32>
    %mul3A_19 = arith.constant 384 : i32
    %mul3A_20 = arith.muli %add3A, %mul3A_19 : i32
    %multiple_of3A_21 = tpu.assume_multiple %mul3A_20, 128 : i32
    "tpu.region"() ({
      %run_scoped3A = tpu.sem_alloc : memref<!tpu.dma_semaphore, #tpu.memory_space<semaphore_mem>>
      %dma_start3A = tpu.memref_slice %arg6[%multiple_of3A_21] : memref<12288xi32, #tpu.memory_space<hbm>> -> memref<384xi32, #tpu.memory_space<hbm>>
      %dma_start3A_54 = tpu.memref_slice %arg6[%multiple_of3A_21] : memref<12288xi32, #tpu.memory_space<hbm>> -> memref<384xi32, #tpu.memory_space<hbm>>
      tpu.enqueue_dma source(%dma_start3A_54 : memref<384xi32, #tpu.memory_space<hbm>>) target(%arg12 : memref<384xi32, #tpu.memory_space<vmem>>) target_semaphore(%run_scoped3A : memref<!tpu.dma_semaphore, #tpu.memory_space<semaphore_mem>>)
      %dma_wait3A = tpu.memref_slice %arg6[%multiple_of3A_21] : memref<12288xi32, #tpu.memory_space<hbm>> -> memref<384xi32, #tpu.memory_space<hbm>>
      %dma_wait3A_55 = tpu.memref_slice %arg6[%multiple_of3A_21] : memref<12288xi32, #tpu.memory_space<hbm>> -> memref<384xi32, #tpu.memory_space<hbm>>
      tpu.wait_dma2 semaphore(%run_scoped3A : memref<!tpu.dma_semaphore, #tpu.memory_space<semaphore_mem>>) src(%dma_wait3A_55 : memref<384xi32, #tpu.memory_space<hbm>>) dst(%arg12 : memref<384xi32, #tpu.memory_space<vmem>>)
      tpu.yield
    }) : () -> ()
    %while3A = arith.constant 0 : i32
    %while3A_22 = scf.while (%while3A_54 = %while3A) : (i32) -> i32 {
      %mul3A_55 = arith.constant 2048 : i32
      %mul3A_56 = arith.muli %while3A_54, %mul3A_55 : i32
      %lt3A = arith.cmpi slt, %mul3A_56, %reduce_max3A_18 : i32
      scf.condition(%lt3A) %while3A_54 : i32
    } do {
    ^bb0(%while3A_54: i32):
      %mul3A_55 = arith.constant 321536 : i32
      %mul3A_56 = arith.muli %add3A, %mul3A_55 : i32
      %mul3A_57 = arith.constant 2048 : i32
      %mul3A_58 = arith.muli %while3A_54, %mul3A_57 : i32
      %add3A_59 = arith.addi %mul3A_56, %mul3A_58 : i32
      %multiple_of3A_60 = tpu.assume_multiple %add3A_59, 512 : i32
      "tpu.region"() ({
        %run_scoped3A = tpu.sem_alloc : memref<!tpu.dma_semaphore, #tpu.memory_space<semaphore_mem>>
        %dma_start3A = tpu.memref_slice %arg4[%multiple_of3A_60] : memref<10289152xi32, #tpu.memory_space<hbm>> -> memref<2048xi32, #tpu.memory_space<hbm>>
        %dma_start3A_69 = tpu.memref_slice %arg4[%multiple_of3A_60] : memref<10289152xi32, #tpu.memory_space<hbm>> -> memref<2048xi32, #tpu.memory_space<hbm>>
        tpu.enqueue_dma source(%dma_start3A_69 : memref<2048xi32, #tpu.memory_space<hbm>>) target(%arg9 : memref<2048xi32, #tpu.memory_space<vmem>>) target_semaphore(%run_scoped3A : memref<!tpu.dma_semaphore, #tpu.memory_space<semaphore_mem>>)
        %dma_wait3A = tpu.memref_slice %arg4[%multiple_of3A_60] : memref<10289152xi32, #tpu.memory_space<hbm>> -> memref<2048xi32, #tpu.memory_space<hbm>>
        %dma_wait3A_70 = tpu.memref_slice %arg4[%multiple_of3A_60] : memref<10289152xi32, #tpu.memory_space<hbm>> -> memref<2048xi32, #tpu.memory_space<hbm>>
        tpu.wait_dma2 semaphore(%run_scoped3A : memref<!tpu.dma_semaphore, #tpu.memory_space<semaphore_mem>>) src(%dma_wait3A_70 : memref<2048xi32, #tpu.memory_space<hbm>>) dst(%arg9 : memref<2048xi32, #tpu.memory_space<vmem>>)
        tpu.yield
      }) : () -> ()
      %scan3A = arith.constant 0 : i32
      %scan3A_61 = arith.constant 0 : i32
      %scan3A_62 = arith.constant 128 : i32
      %scan3A_63 = arith.addi %scan3A_61, %scan3A_62 : i32
      %scan3A_64 = arith.constant 1 : i32
      %scan3A_65 = scf.for %scan3A_69 = %scan3A_61 to %scan3A_63 step %scan3A_64 iter_args(%scan3A_70 = %scan3A) -> (i32)  : i32 {
        %mul3A_71 = arith.constant 2048 : i32
        %mul3A_72 = arith.muli %while3A_54, %mul3A_71 : i32
        %mul3A_73 = arith.constant 16 : i32
        %mul3A_74 = arith.muli %scan3A_69, %mul3A_73 : i32
        %add3A_75 = arith.addi %mul3A_72, %mul3A_74 : i32
        %add3A_76 = vector.broadcast %add3A_75 : i32 to vector<16xi32>
        %add3A_77 = arith.addi %add3A_76, %iota3A : vector<16xi32>
        %lt3A = vector.broadcast %reduce_max3A_18 : i32 to vector<16xi32>
        %lt3A_78 = arith.cmpi slt, %add3A_77, %lt3A : vector<16xi32>
        %mul3A_79 = arith.constant 16 : i32
        %mul3A_80 = arith.muli %scan3A_69, %mul3A_79 : i32
        %get3A_81 = arith.index_cast %mul3A_80 : i32 to index
        %get3A_82 = tpu.vector_load %arg9[%get3A_81] {strides = array<i32>} : memref<2048xi32, #tpu.memory_space<vmem>>, vector<16xi32>,
        %and3A = arith.constant 16383 : i32
        %and3A_83 = vector.broadcast %and3A : i32 to vector<16xi32>
        %and3A_84 = arith.andi %get3A_82, %and3A_83 : vector<16xi32>
        %jit3A = arith.constant 0 : i32
        %broadcast_in_dim3A = vector.broadcast %jit3A : i32 to vector<16xi32>
        %select_n3A = arith.select %lt3A_78, %and3A_84, %broadcast_in_dim3A : vector<16xi1>, vector<16xi32>
        %shift_right_arithmetic3A = arith.constant 14 : i32
        %shift_right_arithmetic3A_85 = vector.broadcast %shift_right_arithmetic3A : i32 to vector<16xi32>
        %shift_right_arithmetic3A_86 = arith.shrsi %get3A_82, %shift_right_arithmetic3A_85 : vector<16xi32>
        %sub3A_87 = vector.broadcast %mul3A_2 : i32 to vector<16xi32>
        %sub3A_88 = arith.subi %shift_right_arithmetic3A_86, %sub3A_87 : vector<16xi32>
        %jit3A_89 = arith.constant 320 : i32
        %broadcast_in_dim3A_90 = vector.broadcast %jit3A_89 : i32 to vector<16xi32>
        %select_n3A_91 = arith.select %lt3A_78, %sub3A_88, %broadcast_in_dim3A_90 : vector<16xi1>, vector<16xi32>
        "tpu.region"() ({
          %run_scoped3A = tpu.sem_alloc : memref<!tpu.dma_semaphore, #tpu.memory_space<semaphore_mem>>
          %dma_start3A = arith.constant 0 : i32
          %dma_start3A_95 = arith.constant 0 : i32
          %dma_start3A_96 = tpu.memref_slice %arg2[%dma_start3A, %dma_start3A_95] : memref<10000x128xf32, #tpu.memory_space<hbm>> -> memref<10000x128xf32, #tpu.memory_space<hbm>>
          tpu.enqueue_indirect_dma source(%dma_start3A_96 : memref<10000x128xf32, #tpu.memory_space<hbm>>) target(%arg8 : memref<16x128xf32, #tpu.memory_space<vmem>>) offsets(%select_n3A : vector<16xi32>) semaphore(%run_scoped3A : memref<!tpu.dma_semaphore, #tpu.memory_space<semaphore_mem>>)
          %dma_wait3A = arith.constant 0 : i32
          %dma_wait3A_97 = arith.constant 0 : i32
          %dma_wait3A_98 = tpu.memref_slice %arg2[%dma_wait3A, %dma_wait3A_97] : memref<10000x128xf32, #tpu.memory_space<hbm>> -> memref<10000x128xf32, #tpu.memory_space<hbm>>
          tpu.wait_indirect_dma semaphore(%run_scoped3A : memref<!tpu.dma_semaphore, #tpu.memory_space<semaphore_mem>>) src(%dma_wait3A_98 : memref<10000x128xf32, #tpu.memory_space<hbm>>) dst(%arg8 : memref<16x128xf32, #tpu.memory_space<vmem>>)
          tpu.yield
        }) : () -> ()
        %add3A_92 = vector.broadcast %mul3A_7 : i32 to vector<16xi32>
        %add3A_93 = arith.addi %add3A_92, %select_n3A_91 : vector<16xi32>
        "tpu.region"() ({
          %run_scoped3A = tpu.sem_alloc : memref<!tpu.dma_semaphore, #tpu.memory_space<semaphore_mem>>
          %dma_start3A = arith.constant 0 : i32
          %dma_start3A_95 = arith.constant 0 : i32
          %dma_start3A_96 = tpu.memref_slice %arg14[%dma_start3A, %dma_start3A_95] : memref<5376x128xf32, #tpu.memory_space<vmem_shared>> -> memref<5376x128xf32, #tpu.memory_space<vmem_shared>>
          tpu.enqueue_indirect_dma source(%arg8 : memref<16x128xf32, #tpu.memory_space<vmem>>) target(%dma_start3A_96 : memref<5376x128xf32, #tpu.memory_space<vmem_shared>>) offsets(%add3A_93 : vector<16xi32>) semaphore(%run_scoped3A : memref<!tpu.dma_semaphore, #tpu.memory_space<semaphore_mem>>) {add = true}
          %dma_wait3A = arith.constant 0 : i32
          %dma_wait3A_97 = arith.constant 0 : i32
          %dma_wait3A_98 = tpu.memref_slice %arg14[%dma_wait3A, %dma_wait3A_97] : memref<5376x128xf32, #tpu.memory_space<vmem_shared>> -> memref<5376x128xf32, #tpu.memory_space<vmem_shared>>
          tpu.wait_indirect_dma semaphore(%run_scoped3A : memref<!tpu.dma_semaphore, #tpu.memory_space<semaphore_mem>>) src(%arg8 : memref<16x128xf32, #tpu.memory_space<vmem>>) dst(%dma_wait3A_98 : memref<5376x128xf32, #tpu.memory_space<vmem_shared>>)
          tpu.yield
        }) : () -> ()
        %scan3A_94 = arith.constant 0 : i32
        scf.yield %scan3A_94 : i32
      }
      %scan3A_66 = arith.constant 128 : i32
      %add3A_67 = arith.constant 1 : i32
      %add3A_68 = arith.addi %while3A_54, %add3A_67 : i32
      scf.yield %add3A_68 : i32
    }
    %multiple_of3A_23 = tpu.assume_multiple %mul3A_7, 16 : i32
    "tpu.region"() ({
      %run_scoped3A = tpu.sem_alloc : memref<!tpu.dma_semaphore, #tpu.memory_space<semaphore_mem>>
      %dma_start3A = arith.constant 0 : i32
      %dma_start3A_54 = tpu.memref_slice %arg14[%multiple_of3A_23, %dma_start3A] : memref<5376x128xf32, #tpu.memory_space<vmem_shared>> -> memref<320x128xf32, #tpu.memory_space<vmem_shared>>
      %dma_start3A_55 = arith.constant 0 : i32
      %dma_start3A_56 = tpu.memref_slice %arg14[%multiple_of3A_23, %dma_start3A_55] : memref<5376x128xf32, #tpu.memory_space<vmem_shared>> -> memref<320x128xf32, #tpu.memory_space<vmem_shared>>
      tpu.enqueue_dma source(%dma_start3A_56 : memref<320x128xf32, #tpu.memory_space<vmem_shared>>) target(%arg10 : memref<320x128xf32, #tpu.memory_space<vmem>>) target_semaphore(%run_scoped3A : memref<!tpu.dma_semaphore, #tpu.memory_space<semaphore_mem>>)
      %dma_wait3A = arith.constant 0 : i32
      %dma_wait3A_57 = tpu.memref_slice %arg14[%multiple_of3A_23, %dma_wait3A] : memref<5376x128xf32, #tpu.memory_space<vmem_shared>> -> memref<320x128xf32, #tpu.memory_space<vmem_shared>>
      %dma_wait3A_58 = arith.constant 0 : i32
      %dma_wait3A_59 = tpu.memref_slice %arg14[%multiple_of3A_23, %dma_wait3A_58] : memref<5376x128xf32, #tpu.memory_space<vmem_shared>> -> memref<320x128xf32, #tpu.memory_space<vmem_shared>>
      tpu.wait_dma2 semaphore(%run_scoped3A : memref<!tpu.dma_semaphore, #tpu.memory_space<semaphore_mem>>) src(%dma_wait3A_59 : memref<320x128xf32, #tpu.memory_space<vmem_shared>>) dst(%arg10 : memref<320x128xf32, #tpu.memory_space<vmem>>)
      tpu.yield
    }) : () -> ()
    %parallel_loop3A = arith.constant 0 : i32
    %parallel_loop3A_24 = arith.constant 320 : i32
    %parallel_loop3A_25 = arith.constant 1 : i32
    scf.for %parallel_loop3A_54 = %parallel_loop3A to %parallel_loop3A_24 step %parallel_loop3A_25  : i32 {
      %parallel_loop3A_55 = arith.constant 0 : i32
      %parallel_loop3A_56 = vector.broadcast %parallel_loop3A_55 : i32 to vector<16xi32>
      %parallel_loop3A_57 = vector.broadcast %parallel_loop3A_54 : i32 to vector<16xi32>
      %parallel_loop3A_58 = arith.addi %parallel_loop3A_56, %parallel_loop3A_57 : vector<16xi32>
      %parallel_loop3A_59 = tpu.vector_load_idx %arg12[%parallel_loop3A_58] : memref<384xi32, #tpu.memory_space<vmem>>[vector<16xi32>], vector<16xi32>,
      %parallel_loop3A_60 = arith.sitofp %parallel_loop3A_59 : vector<16xi32> to vector<16xf32>
      %parallel_loop3A_61 = arith.index_cast %parallel_loop3A_54 : i32 to index
      %parallel_loop3A_62 = arith.constant 0 : index
      %parallel_loop3A_63 = tpu.vector_load %arg10[%parallel_loop3A_61, %parallel_loop3A_62] {strides = array<i32>} : memref<320x128xf32, #tpu.memory_space<vmem>>, vector<16xf32>,
      %parallel_loop3A_64 = arith.constant 0 : i32
      %parallel_loop3A_65 = vector.broadcast %parallel_loop3A_64 : i32 to vector<16xi32>
      %parallel_loop3A_66 = arith.addi %parallel_loop3A_65, %iota3A : vector<16xi32>
      %parallel_loop3A_67 = arith.constant 0 : i32
      %parallel_loop3A_68 = vector.broadcast %parallel_loop3A_67 : i32 to vector<16xi32>
      %parallel_loop3A_69 = vector.broadcast %parallel_loop3A_54 : i32 to vector<16xi32>
      %parallel_loop3A_70 = arith.addi %parallel_loop3A_68, %parallel_loop3A_69 : vector<16xi32>
      %parallel_loop3A_71 = arith.divf %parallel_loop3A_63, %parallel_loop3A_60 : vector<16xf32>
      %parallel_loop3A_72 = arith.constant 127 : i32
      %parallel_loop3A_73 = vector.broadcast %parallel_loop3A_72 : i32 to vector<16xi32>
      %parallel_loop3A_74 = arith.cmpi slt, %parallel_loop3A_66, %parallel_loop3A_73 : vector<16xi32>
      tpu.vector_store_idx %arg11[%parallel_loop3A_70, %parallel_loop3A_66], %parallel_loop3A_71 masked %parallel_loop3A_74 : memref<320x127xf32, #tpu.memory_space<vmem>>[vector<16xi32>, vector<16xi32>], vector<16xf32>, vector<16xi1>
      %parallel_loop3A_75 = arith.index_cast %parallel_loop3A_54 : i32 to index
      %parallel_loop3A_76 = arith.constant 16 : index
      %parallel_loop3A_77 = tpu.vector_load %arg10[%parallel_loop3A_75, %parallel_loop3A_76] {strides = array<i32>} : memref<320x128xf32, #tpu.memory_space<vmem>>, vector<16xf32>,
      %parallel_loop3A_78 = arith.constant 16 : i32
      %parallel_loop3A_79 = vector.broadcast %parallel_loop3A_78 : i32 to vector<16xi32>
      %parallel_loop3A_80 = arith.addi %parallel_loop3A_79, %iota3A : vector<16xi32>
      %parallel_loop3A_81 = arith.constant 0 : i32
      %parallel_loop3A_82 = vector.broadcast %parallel_loop3A_81 : i32 to vector<16xi32>
      %parallel_loop3A_83 = vector.broadcast %parallel_loop3A_54 : i32 to vector<16xi32>
      %parallel_loop3A_84 = arith.addi %parallel_loop3A_82, %parallel_loop3A_83 : vector<16xi32>
      %parallel_loop3A_85 = arith.divf %parallel_loop3A_77, %parallel_loop3A_60 : vector<16xf32>
      %parallel_loop3A_86 = arith.constant 127 : i32
      %parallel_loop3A_87 = vector.broadcast %parallel_loop3A_86 : i32 to vector<16xi32>
      %parallel_loop3A_88 = arith.cmpi slt, %parallel_loop3A_80, %parallel_loop3A_87 : vector<16xi32>
      tpu.vector_store_idx %arg11[%parallel_loop3A_84, %parallel_loop3A_80], %parallel_loop3A_85 masked %parallel_loop3A_88 : memref<320x127xf32, #tpu.memory_space<vmem>>[vector<16xi32>, vector<16xi32>], vector<16xf32>, vector<16xi1>
      %parallel_loop3A_89 = arith.index_cast %parallel_loop3A_54 : i32 to index
      %parallel_loop3A_90 = arith.constant 32 : index
      %parallel_loop3A_91 = tpu.vector_load %arg10[%parallel_loop3A_89, %parallel_loop3A_90] {strides = array<i32>} : memref<320x128xf32, #tpu.memory_space<vmem>>, vector<16xf32>,
      %parallel_loop3A_92 = arith.constant 32 : i32
      %parallel_loop3A_93 = vector.broadcast %parallel_loop3A_92 : i32 to vector<16xi32>
      %parallel_loop3A_94 = arith.addi %parallel_loop3A_93, %iota3A : vector<16xi32>
      %parallel_loop3A_95 = arith.constant 0 : i32
      %parallel_loop3A_96 = vector.broadcast %parallel_loop3A_95 : i32 to vector<16xi32>
      %parallel_loop3A_97 = vector.broadcast %parallel_loop3A_54 : i32 to vector<16xi32>
      %parallel_loop3A_98 = arith.addi %parallel_loop3A_96, %parallel_loop3A_97 : vector<16xi32>
      %parallel_loop3A_99 = arith.divf %parallel_loop3A_91, %parallel_loop3A_60 : vector<16xf32>
      %parallel_loop3A_100 = arith.constant 127 : i32
      %parallel_loop3A_101 = vector.broadcast %parallel_loop3A_100 : i32 to vector<16xi32>
      %parallel_loop3A_102 = arith.cmpi slt, %parallel_loop3A_94, %parallel_loop3A_101 : vector<16xi32>
      tpu.vector_store_idx %arg11[%parallel_loop3A_98, %parallel_loop3A_94], %parallel_loop3A_99 masked %parallel_loop3A_102 : memref<320x127xf32, #tpu.memory_space<vmem>>[vector<16xi32>, vector<16xi32>], vector<16xf32>, vector<16xi1>
      %parallel_loop3A_103 = arith.index_cast %parallel_loop3A_54 : i32 to index
      %parallel_loop3A_104 = arith.constant 48 : index
      %parallel_loop3A_105 = tpu.vector_load %arg10[%parallel_loop3A_103, %parallel_loop3A_104] {strides = array<i32>} : memref<320x128xf32, #tpu.memory_space<vmem>>, vector<16xf32>,
      %parallel_loop3A_106 = arith.constant 48 : i32
      %parallel_loop3A_107 = vector.broadcast %parallel_loop3A_106 : i32 to vector<16xi32>
      %parallel_loop3A_108 = arith.addi %parallel_loop3A_107, %iota3A : vector<16xi32>
      %parallel_loop3A_109 = arith.constant 0 : i32
      %parallel_loop3A_110 = vector.broadcast %parallel_loop3A_109 : i32 to vector<16xi32>
      %parallel_loop3A_111 = vector.broadcast %parallel_loop3A_54 : i32 to vector<16xi32>
      %parallel_loop3A_112 = arith.addi %parallel_loop3A_110, %parallel_loop3A_111 : vector<16xi32>
      %parallel_loop3A_113 = arith.divf %parallel_loop3A_105, %parallel_loop3A_60 : vector<16xf32>
      %parallel_loop3A_114 = arith.constant 127 : i32
      %parallel_loop3A_115 = vector.broadcast %parallel_loop3A_114 : i32 to vector<16xi32>
      %parallel_loop3A_116 = arith.cmpi slt, %parallel_loop3A_108, %parallel_loop3A_115 : vector<16xi32>
      tpu.vector_store_idx %arg11[%parallel_loop3A_112, %parallel_loop3A_108], %parallel_loop3A_113 masked %parallel_loop3A_116 : memref<320x127xf32, #tpu.memory_space<vmem>>[vector<16xi32>, vector<16xi32>], vector<16xf32>, vector<16xi1>
      %parallel_loop3A_117 = arith.index_cast %parallel_loop3A_54 : i32 to index
      %parallel_loop3A_118 = arith.constant 64 : index
      %parallel_loop3A_119 = tpu.vector_load %arg10[%parallel_loop3A_117, %parallel_loop3A_118] {strides = array<i32>} : memref<320x128xf32, #tpu.memory_space<vmem>>, vector<16xf32>,
      %parallel_loop3A_120 = arith.constant 64 : i32
      %parallel_loop3A_121 = vector.broadcast %parallel_loop3A_120 : i32 to vector<16xi32>
      %parallel_loop3A_122 = arith.addi %parallel_loop3A_121, %iota3A : vector<16xi32>
      %parallel_loop3A_123 = arith.constant 0 : i32
      %parallel_loop3A_124 = vector.broadcast %parallel_loop3A_123 : i32 to vector<16xi32>
      %parallel_loop3A_125 = vector.broadcast %parallel_loop3A_54 : i32 to vector<16xi32>
      %parallel_loop3A_126 = arith.addi %parallel_loop3A_124, %parallel_loop3A_125 : vector<16xi32>
      %parallel_loop3A_127 = arith.divf %parallel_loop3A_119, %parallel_loop3A_60 : vector<16xf32>
      %parallel_loop3A_128 = arith.constant 127 : i32
      %parallel_loop3A_129 = vector.broadcast %parallel_loop3A_128 : i32 to vector<16xi32>
      %parallel_loop3A_130 = arith.cmpi slt, %parallel_loop3A_122, %parallel_loop3A_129 : vector<16xi32>
      tpu.vector_store_idx %arg11[%parallel_loop3A_126, %parallel_loop3A_122], %parallel_loop3A_127 masked %parallel_loop3A_130 : memref<320x127xf32, #tpu.memory_space<vmem>>[vector<16xi32>, vector<16xi32>], vector<16xf32>, vector<16xi1>
      %parallel_loop3A_131 = arith.index_cast %parallel_loop3A_54 : i32 to index
      %parallel_loop3A_132 = arith.constant 80 : index
      %parallel_loop3A_133 = tpu.vector_load %arg10[%parallel_loop3A_131, %parallel_loop3A_132] {strides = array<i32>} : memref<320x128xf32, #tpu.memory_space<vmem>>, vector<16xf32>,
      %parallel_loop3A_134 = arith.constant 80 : i32
      %parallel_loop3A_135 = vector.broadcast %parallel_loop3A_134 : i32 to vector<16xi32>
      %parallel_loop3A_136 = arith.addi %parallel_loop3A_135, %iota3A : vector<16xi32>
      %parallel_loop3A_137 = arith.constant 0 : i32
      %parallel_loop3A_138 = vector.broadcast %parallel_loop3A_137 : i32 to vector<16xi32>
      %parallel_loop3A_139 = vector.broadcast %parallel_loop3A_54 : i32 to vector<16xi32>
      %parallel_loop3A_140 = arith.addi %parallel_loop3A_138, %parallel_loop3A_139 : vector<16xi32>
      %parallel_loop3A_141 = arith.divf %parallel_loop3A_133, %parallel_loop3A_60 : vector<16xf32>
      %parallel_loop3A_142 = arith.constant 127 : i32
      %parallel_loop3A_143 = vector.broadcast %parallel_loop3A_142 : i32 to vector<16xi32>
      %parallel_loop3A_144 = arith.cmpi slt, %parallel_loop3A_136, %parallel_loop3A_143 : vector<16xi32>
      tpu.vector_store_idx %arg11[%parallel_loop3A_140, %parallel_loop3A_136], %parallel_loop3A_141 masked %parallel_loop3A_144 : memref<320x127xf32, #tpu.memory_space<vmem>>[vector<16xi32>, vector<16xi32>], vector<16xf32>, vector<16xi1>
      %parallel_loop3A_145 = arith.index_cast %parallel_loop3A_54 : i32 to index
      %parallel_loop3A_146 = arith.constant 96 : index
      %parallel_loop3A_147 = tpu.vector_load %arg10[%parallel_loop3A_145, %parallel_loop3A_146] {strides = array<i32>} : memref<320x128xf32, #tpu.memory_space<vmem>>, vector<16xf32>,
      %parallel_loop3A_148 = arith.constant 96 : i32
      %parallel_loop3A_149 = vector.broadcast %parallel_loop3A_148 : i32 to vector<16xi32>
      %parallel_loop3A_150 = arith.addi %parallel_loop3A_149, %iota3A : vector<16xi32>
      %parallel_loop3A_151 = arith.constant 0 : i32
      %parallel_loop3A_152 = vector.broadcast %parallel_loop3A_151 : i32 to vector<16xi32>
      %parallel_loop3A_153 = vector.broadcast %parallel_loop3A_54 : i32 to vector<16xi32>
      %parallel_loop3A_154 = arith.addi %parallel_loop3A_152, %parallel_loop3A_153 : vector<16xi32>
      %parallel_loop3A_155 = arith.divf %parallel_loop3A_147, %parallel_loop3A_60 : vector<16xf32>
      %parallel_loop3A_156 = arith.constant 127 : i32
      %parallel_loop3A_157 = vector.broadcast %parallel_loop3A_156 : i32 to vector<16xi32>
      %parallel_loop3A_158 = arith.cmpi slt, %parallel_loop3A_150, %parallel_loop3A_157 : vector<16xi32>
      tpu.vector_store_idx %arg11[%parallel_loop3A_154, %parallel_loop3A_150], %parallel_loop3A_155 masked %parallel_loop3A_158 : memref<320x127xf32, #tpu.memory_space<vmem>>[vector<16xi32>, vector<16xi32>], vector<16xf32>, vector<16xi1>
      %parallel_loop3A_159 = arith.index_cast %parallel_loop3A_54 : i32 to index
      %parallel_loop3A_160 = arith.constant 112 : index
      %parallel_loop3A_161 = tpu.vector_load %arg10[%parallel_loop3A_159, %parallel_loop3A_160] {strides = array<i32>} : memref<320x128xf32, #tpu.memory_space<vmem>>, vector<16xf32>,
      %parallel_loop3A_162 = arith.constant 112 : i32
      %parallel_loop3A_163 = vector.broadcast %parallel_loop3A_162 : i32 to vector<16xi32>
      %parallel_loop3A_164 = arith.addi %parallel_loop3A_163, %iota3A : vector<16xi32>
      %parallel_loop3A_165 = arith.constant 0 : i32
      %parallel_loop3A_166 = vector.broadcast %parallel_loop3A_165 : i32 to vector<16xi32>
      %parallel_loop3A_167 = vector.broadcast %parallel_loop3A_54 : i32 to vector<16xi32>
      %parallel_loop3A_168 = arith.addi %parallel_loop3A_166, %parallel_loop3A_167 : vector<16xi32>
      %parallel_loop3A_169 = arith.divf %parallel_loop3A_161, %parallel_loop3A_60 : vector<16xf32>
      %parallel_loop3A_170 = arith.constant 127 : i32
      %parallel_loop3A_171 = vector.broadcast %parallel_loop3A_170 : i32 to vector<16xi32>
      %parallel_loop3A_172 = arith.cmpi slt, %parallel_loop3A_164, %parallel_loop3A_171 : vector<16xi32>
      tpu.vector_store_idx %arg11[%parallel_loop3A_168, %parallel_loop3A_164], %parallel_loop3A_169 masked %parallel_loop3A_172 : memref<320x127xf32, #tpu.memory_space<vmem>>[vector<16xi32>, vector<16xi32>], vector<16xf32>, vector<16xi1>
    } {sc.loop_unroll_factor = 2 : i64, sc.parallel_access}
    %sub3A_26 = arith.constant 80 : i32
    %sub3A_27 = arith.subi %sub3A, %sub3A_26 : i32
    %min3A_28 = arith.constant 0 : i32
    %min3A_29 = arith.minsi %min3A_28, %sub3A_27 : i32
    %multiple_of3A_30 = tpu.assume_multiple %min3A_29, 8 : i32
    %add3A_31 = arith.addi %mul3A_2, %min3A_29 : i32
    %multiple_of3A_32 = tpu.assume_multiple %add3A_31, 8 : i32
    "tpu.region"() ({
      %run_scoped3A = tpu.sem_alloc : memref<!tpu.dma_semaphore, #tpu.memory_space<semaphore_mem>>
      %dma_start3A = arith.constant 0 : i32
      %dma_start3A_54 = tpu.memref_slice %arg11[%multiple_of3A_30, %dma_start3A] : memref<320x127xf32, #tpu.memory_space<vmem>> -> memref<80x127xf32, #tpu.memory_space<vmem>>
      %dma_start3A_55 = arith.constant 0 : i32
      %dma_start3A_56 = tpu.memref_slice %arg7[%multiple_of3A_32, %dma_start3A_55] : memref<10000x127xf32, #tpu.memory_space<hbm>> -> memref<80x127xf32, #tpu.memory_space<hbm>>
      %dma_start3A_57 = arith.constant 0 : i32
      %dma_start3A_58 = tpu.memref_slice %arg7[%multiple_of3A_32, %dma_start3A_57] : memref<10000x127xf32, #tpu.memory_space<hbm>> -> memref<80x127xf32, #tpu.memory_space<hbm>>
      %dma_start3A_59 = arith.constant 0 : i32
      %dma_start3A_60 = tpu.memref_slice %arg11[%multiple_of3A_30, %dma_start3A_59] : memref<320x127xf32, #tpu.memory_space<vmem>> -> memref<80x127xf32, #tpu.memory_space<vmem>>
      tpu.enqueue_dma source(%dma_start3A_60 : memref<80x127xf32, #tpu.memory_space<vmem>>) target(%dma_start3A_58 : memref<80x127xf32, #tpu.memory_space<hbm>>) target_semaphore(%run_scoped3A : memref<!tpu.dma_semaphore, #tpu.memory_space<semaphore_mem>>)
      %dma_wait3A = arith.constant 0 : i32
      %dma_wait3A_61 = tpu.memref_slice %arg11[%multiple_of3A_30, %dma_wait3A] : memref<320x127xf32, #tpu.memory_space<vmem>> -> memref<80x127xf32, #tpu.memory_space<vmem>>
      %dma_wait3A_62 = arith.constant 0 : i32
      %dma_wait3A_63 = tpu.memref_slice %arg7[%multiple_of3A_32, %dma_wait3A_62] : memref<10000x127xf32, #tpu.memory_space<hbm>> -> memref<80x127xf32, #tpu.memory_space<hbm>>
      %dma_wait3A_64 = arith.constant 0 : i32
      %dma_wait3A_65 = tpu.memref_slice %arg7[%multiple_of3A_32, %dma_wait3A_64] : memref<10000x127xf32, #tpu.memory_space<hbm>> -> memref<80x127xf32, #tpu.memory_space<hbm>>
      %dma_wait3A_66 = arith.constant 0 : i32
      %dma_wait3A_67 = tpu.memref_slice %arg11[%multiple_of3A_30, %dma_wait3A_66] : memref<320x127xf32, #tpu.memory_space<vmem>> -> memref<80x127xf32, #tpu.memory_space<vmem>>
      tpu.wait_dma2 semaphore(%run_scoped3A : memref<!tpu.dma_semaphore, #tpu.memory_space<semaphore_mem>>) src(%dma_wait3A_67 : memref<80x127xf32, #tpu.memory_space<vmem>>) dst(%dma_wait3A_65 : memref<80x127xf32, #tpu.memory_space<hbm>>)
      tpu.yield
    }) : () -> ()
    %sub3A_33 = arith.constant 80 : i32
    %sub3A_34 = arith.subi %sub3A, %sub3A_33 : i32
    %min3A_35 = arith.constant 80 : i32
    %min3A_36 = arith.minsi %min3A_35, %sub3A_34 : i32
    %multiple_of3A_37 = tpu.assume_multiple %min3A_36, 8 : i32
    %add3A_38 = arith.addi %mul3A_2, %min3A_36 : i32
    %multiple_of3A_39 = tpu.assume_multiple %add3A_38, 8 : i32
    "tpu.region"() ({
      %run_scoped3A = tpu.sem_alloc : memref<!tpu.dma_semaphore, #tpu.memory_space<semaphore_mem>>
      %dma_start3A = arith.constant 0 : i32
      %dma_start3A_54 = tpu.memref_slice %arg11[%multiple_of3A_37, %dma_start3A] : memref<320x127xf32, #tpu.memory_space<vmem>> -> memref<80x127xf32, #tpu.memory_space<vmem>>
      %dma_start3A_55 = arith.constant 0 : i32
      %dma_start3A_56 = tpu.memref_slice %arg7[%multiple_of3A_39, %dma_start3A_55] : memref<10000x127xf32, #tpu.memory_space<hbm>> -> memref<80x127xf32, #tpu.memory_space<hbm>>
      %dma_start3A_57 = arith.constant 0 : i32
      %dma_start3A_58 = tpu.memref_slice %arg7[%multiple_of3A_39, %dma_start3A_57] : memref<10000x127xf32, #tpu.memory_space<hbm>> -> memref<80x127xf32, #tpu.memory_space<hbm>>
      %dma_start3A_59 = arith.constant 0 : i32
      %dma_start3A_60 = tpu.memref_slice %arg11[%multiple_of3A_37, %dma_start3A_59] : memref<320x127xf32, #tpu.memory_space<vmem>> -> memref<80x127xf32, #tpu.memory_space<vmem>>
      tpu.enqueue_dma source(%dma_start3A_60 : memref<80x127xf32, #tpu.memory_space<vmem>>) target(%dma_start3A_58 : memref<80x127xf32, #tpu.memory_space<hbm>>) target_semaphore(%run_scoped3A : memref<!tpu.dma_semaphore, #tpu.memory_space<semaphore_mem>>)
      %dma_wait3A = arith.constant 0 : i32
      %dma_wait3A_61 = tpu.memref_slice %arg11[%multiple_of3A_37, %dma_wait3A] : memref<320x127xf32, #tpu.memory_space<vmem>> -> memref<80x127xf32, #tpu.memory_space<vmem>>
      %dma_wait3A_62 = arith.constant 0 : i32
      %dma_wait3A_63 = tpu.memref_slice %arg7[%multiple_of3A_39, %dma_wait3A_62] : memref<10000x127xf32, #tpu.memory_space<hbm>> -> memref<80x127xf32, #tpu.memory_space<hbm>>
      %dma_wait3A_64 = arith.constant 0 : i32
      %dma_wait3A_65 = tpu.memref_slice %arg7[%multiple_of3A_39, %dma_wait3A_64] : memref<10000x127xf32, #tpu.memory_space<hbm>> -> memref<80x127xf32, #tpu.memory_space<hbm>>
      %dma_wait3A_66 = arith.constant 0 : i32
      %dma_wait3A_67 = tpu.memref_slice %arg11[%multiple_of3A_37, %dma_wait3A_66] : memref<320x127xf32, #tpu.memory_space<vmem>> -> memref<80x127xf32, #tpu.memory_space<vmem>>
      tpu.wait_dma2 semaphore(%run_scoped3A : memref<!tpu.dma_semaphore, #tpu.memory_space<semaphore_mem>>) src(%dma_wait3A_67 : memref<80x127xf32, #tpu.memory_space<vmem>>) dst(%dma_wait3A_65 : memref<80x127xf32, #tpu.memory_space<hbm>>)
      tpu.yield
    }) : () -> ()
    %sub3A_40 = arith.constant 80 : i32
    %sub3A_41 = arith.subi %sub3A, %sub3A_40 : i32
    %min3A_42 = arith.constant 160 : i32
    %min3A_43 = arith.minsi %min3A_42, %sub3A_41 : i32
    %multiple_of3A_44 = tpu.assume_multiple %min3A_43, 8 : i32
    %add3A_45 = arith.addi %mul3A_2, %min3A_43 : i32
    %multiple_of3A_46 = tpu.assume_multiple %add3A_45, 8 : i32
    "tpu.region"() ({
      %run_scoped3A = tpu.sem_alloc : memref<!tpu.dma_semaphore, #tpu.memory_space<semaphore_mem>>
      %dma_start3A = arith.constant 0 : i32
      %dma_start3A_54 = tpu.memref_slice %arg11[%multiple_of3A_44, %dma_start3A] : memref<320x127xf32, #tpu.memory_space<vmem>> -> memref<80x127xf32, #tpu.memory_space<vmem>>
      %dma_start3A_55 = arith.constant 0 : i32
      %dma_start3A_56 = tpu.memref_slice %arg7[%multiple_of3A_46, %dma_start3A_55] : memref<10000x127xf32, #tpu.memory_space<hbm>> -> memref<80x127xf32, #tpu.memory_space<hbm>>
      %dma_start3A_57 = arith.constant 0 : i32
      %dma_start3A_58 = tpu.memref_slice %arg7[%multiple_of3A_46, %dma_start3A_57] : memref<10000x127xf32, #tpu.memory_space<hbm>> -> memref<80x127xf32, #tpu.memory_space<hbm>>
      %dma_start3A_59 = arith.constant 0 : i32
      %dma_start3A_60 = tpu.memref_slice %arg11[%multiple_of3A_44, %dma_start3A_59] : memref<320x127xf32, #tpu.memory_space<vmem>> -> memref<80x127xf32, #tpu.memory_space<vmem>>
      tpu.enqueue_dma source(%dma_start3A_60 : memref<80x127xf32, #tpu.memory_space<vmem>>) target(%dma_start3A_58 : memref<80x127xf32, #tpu.memory_space<hbm>>) target_semaphore(%run_scoped3A : memref<!tpu.dma_semaphore, #tpu.memory_space<semaphore_mem>>)
      %dma_wait3A = arith.constant 0 : i32
      %dma_wait3A_61 = tpu.memref_slice %arg11[%multiple_of3A_44, %dma_wait3A] : memref<320x127xf32, #tpu.memory_space<vmem>> -> memref<80x127xf32, #tpu.memory_space<vmem>>
      %dma_wait3A_62 = arith.constant 0 : i32
      %dma_wait3A_63 = tpu.memref_slice %arg7[%multiple_of3A_46, %dma_wait3A_62] : memref<10000x127xf32, #tpu.memory_space<hbm>> -> memref<80x127xf32, #tpu.memory_space<hbm>>
      %dma_wait3A_64 = arith.constant 0 : i32
      %dma_wait3A_65 = tpu.memref_slice %arg7[%multiple_of3A_46, %dma_wait3A_64] : memref<10000x127xf32, #tpu.memory_space<hbm>> -> memref<80x127xf32, #tpu.memory_space<hbm>>
      %dma_wait3A_66 = arith.constant 0 : i32
      %dma_wait3A_67 = tpu.memref_slice %arg11[%multiple_of3A_44, %dma_wait3A_66] : memref<320x127xf32, #tpu.memory_space<vmem>> -> memref<80x127xf32, #tpu.memory_space<vmem>>
      tpu.wait_dma2 semaphore(%run_scoped3A : memref<!tpu.dma_semaphore, #tpu.memory_space<semaphore_mem>>) src(%dma_wait3A_67 : memref<80x127xf32, #tpu.memory_space<vmem>>) dst(%dma_wait3A_65 : memref<80x127xf32, #tpu.memory_space<hbm>>)
      tpu.yield
    }) : () -> ()
    %sub3A_47 = arith.constant 80 : i32
    %sub3A_48 = arith.subi %sub3A, %sub3A_47 : i32
    %min3A_49 = arith.constant 240 : i32
    %min3A_50 = arith.minsi %min3A_49, %sub3A_48 : i32
    %multiple_of3A_51 = tpu.assume_multiple %min3A_50, 8 : i32
    %add3A_52 = arith.addi %mul3A_2, %min3A_50 : i32
    %multiple_of3A_53 = tpu.assume_multiple %add3A_52, 8 : i32
    "tpu.region"() ({
      %run_scoped3A = tpu.sem_alloc : memref<!tpu.dma_semaphore, #tpu.memory_space<semaphore_mem>>
      %dma_start3A = arith.constant 0 : i32
      %dma_start3A_54 = tpu.memref_slice %arg11[%multiple_of3A_51, %dma_start3A] : memref<320x127xf32, #tpu.memory_space<vmem>> -> memref<80x127xf32, #tpu.memory_space<vmem>>
      %dma_start3A_55 = arith.constant 0 : i32
      %dma_start3A_56 = tpu.memref_slice %arg7[%multiple_of3A_53, %dma_start3A_55] : memref<10000x127xf32, #tpu.memory_space<hbm>> -> memref<80x127xf32, #tpu.memory_space<hbm>>
      %dma_start3A_57 = arith.constant 0 : i32
      %dma_start3A_58 = tpu.memref_slice %arg7[%multiple_of3A_53, %dma_start3A_57] : memref<10000x127xf32, #tpu.memory_space<hbm>> -> memref<80x127xf32, #tpu.memory_space<hbm>>
      %dma_start3A_59 = arith.constant 0 : i32
      %dma_start3A_60 = tpu.memref_slice %arg11[%multiple_of3A_51, %dma_start3A_59] : memref<320x127xf32, #tpu.memory_space<vmem>> -> memref<80x127xf32, #tpu.memory_space<vmem>>
      tpu.enqueue_dma source(%dma_start3A_60 : memref<80x127xf32, #tpu.memory_space<vmem>>) target(%dma_start3A_58 : memref<80x127xf32, #tpu.memory_space<hbm>>) target_semaphore(%run_scoped3A : memref<!tpu.dma_semaphore, #tpu.memory_space<semaphore_mem>>)
      %dma_wait3A = arith.constant 0 : i32
      %dma_wait3A_61 = tpu.memref_slice %arg11[%multiple_of3A_51, %dma_wait3A] : memref<320x127xf32, #tpu.memory_space<vmem>> -> memref<80x127xf32, #tpu.memory_space<vmem>>
      %dma_wait3A_62 = arith.constant 0 : i32
      %dma_wait3A_63 = tpu.memref_slice %arg7[%multiple_of3A_53, %dma_wait3A_62] : memref<10000x127xf32, #tpu.memory_space<hbm>> -> memref<80x127xf32, #tpu.memory_space<hbm>>
      %dma_wait3A_64 = arith.constant 0 : i32
      %dma_wait3A_65 = tpu.memref_slice %arg7[%multiple_of3A_53, %dma_wait3A_64] : memref<10000x127xf32, #tpu.memory_space<hbm>> -> memref<80x127xf32, #tpu.memory_space<hbm>>
      %dma_wait3A_66 = arith.constant 0 : i32
      %dma_wait3A_67 = tpu.memref_slice %arg11[%multiple_of3A_51, %dma_wait3A_66] : memref<320x127xf32, #tpu.memory_space<vmem>> -> memref<80x127xf32, #tpu.memory_space<vmem>>
      tpu.wait_dma2 semaphore(%run_scoped3A : memref<!tpu.dma_semaphore, #tpu.memory_space<semaphore_mem>>) src(%dma_wait3A_67 : memref<80x127xf32, #tpu.memory_space<vmem>>) dst(%dma_wait3A_65 : memref<80x127xf32, #tpu.memory_space<hbm>>)
      tpu.yield
    }) : () -> ()
    return
  }
}

</mosaic_0001>

<sc_bundles>
// kernel: kernel.4.cloned.1.call-start
scs
__scs_entry_jumppad:
0x0: {  	(pc) =	sbr.rel $0x88, $3  }
0x1: {  	(tag) =	ssettag $0x0;
	lr =	simm.s32 $0x1  }
0x2: {  	[smem:$0x3F9F] =	sst lr;
	_ =	strace $0xD0000000  }
0x3: {  	_ = 	snop  }
0x4: {  	_ = 	snop  }
0x5: {  	_ = 	snop  }
0x6: {  	_ = 	snop  }
0x7: {  	_ = 	snop  }
__scs_overlays_trampoline_lowered:
0x8: {  	[smem:$0x3FAE] =	sst s0  }
0x9: {  	[smem:$0x3FAF] =	sst s1  }
0xa: {  	[smem:$0x3FB0] =	sst s2  }
0xb: {  	[smem:$0x3FB1] =	sst s3  }
0xc: {  	[smem:$0x3FB2] =	sst s4  }
0xd: {  	[smem:$0x3FB3] =	sst s5  }
0xe: {  	[smem:$0x3FB4] =	sst s6  }
0xf: {  	[smem:$0x3FB5] =	sst s7  }
0x10: {  	[smem:$0x3FB6] =	sst s8  }
0x11: {  	[smem:$0x3FB7] =	sst s9;
	s0 =	simm.s32 @!p0 $0x0  }
0x12: {  	s1 =	sld [smem:$0x3F9D];
	s0 =	simm.s32 @p0 $0x1  }
0x13: {  	[smem:$0x3FB8] =	sst s0;
	s0 =	simm.s32 @!p1 $0x0  }
0x14: {  	s2 =	sld [smem:$0x3F9C];
	s0 =	simm.s32 @p1 $0x1  }
0x15: {  	[smem:$0x3FB9] =	sst s0;
	s0 =	simm.s32 @!p2 $0x0  }
0x16: {  	s3 =	sld [smem:$0x3FDB];
	s0 =	simm.s32 @p2 $0x1  }
0x17: {  	s4 =	simm.s32 $0x1BF5;
	[smem:$0x3FBB] =	sst s0  }
0x18: {  	s0 =	sld [smem:$0x3F9E];
	_ =	swait.ge [sflag:s4], $0x0  }
0x19: {  	s7 =	sld [smem:$0x3F9F]  }
0x1a: {  	s8 =	sadd.s32 $0xFFFFE003, lr  }
0x1b: {  	s9 =	sadd.s32 $0xFFFFFEF7, lr;
	s5 =	simm.s32 $0xFFFFFFFF;
	p2 =	slt.u32 s8, $0xFFFFF086  }
0x1c: {  	p1 =	slt.u32 s9, $0xF7A;
	s5 =	simm.s32 @!p2 $0x0  }
0x1d: {  	s5 =	simm.s32 @p1 $0x1;
	p0 =	seq.s32 s7, s2  }
0x1e: {  	s7 =	smul.u32 @!p0 $0xF7A, s2;
	p2 =	seq.s32 @!p0 s5, $0x0  }
0x1f: {  	s9 =	smul.u32 $0xF7A, s1;
	s8 =	simm.s32 @!p0 $0x1BF5;
	p2 =	por !p2, p0  }
0x20: {  	[sflag:s8] =	ssyncset.s32 @!p0 $0xFFFFF086;
	s6 =	sadd.s32 @!p0 s3, s7;
	s7 =	simm.s32 @!p0 $0x108  }
0x21: {  	s3 =	sadd.s32 s3, s9;
	s6 =	sadd.s32 @!p0 $0x88, s6;
	s7 =	simm.s32 @p2 $0x1082  }
0x22: {  	[simem:s7], [sflag:s8] =	dma.local @!p0 [hbm:s6], $0xF7A  }
0x23: {  	s9 =	sor.u32 $0xD0000000, s2;
	s6 =	simm.s32 $0x108;
	_ =	swait.ge @!p0 [sflag:s8], $0x0  }
0x24: {  	s3 =	sadd.s32 $0x88, s3;
	s6 =	simm.s32 @!p1 $0x1082;
	[sflag:s4] =	ssyncset.s32 $0xFFFFF086  }
0x25: {  	[simem:s6], [sflag:s4] =	dma.local [hbm:s3], $0xF7A  }
0x26: {  	[smem:$0x3F9F] =	sst s1;
	(tag) =	ssettag s2;
	_ =	strace s9  }
0x27: {  	s1 =	sld [smem:$0x3FAF]  }
0x28: {  	s2 =	sld [smem:$0x3FB0]  }
0x29: {  	s4 =	sld [smem:$0x3FB2]  }
0x2a: {  	p0 =	seq.s32 s5, $0x0;
	s5 =	sld [smem:$0x3FB3]  }
0x2b: {  	s6 =	sld [smem:$0x3FB4]  }
0x2c: {  	s7 =	sld [smem:$0x3FB5]  }
0x2d: {  	s3 =	simm.s32 $0x108;
	s8 =	sld [smem:$0x3FB6]  }
0x2e: {  	s3 =	simm.s32 @!p0 $0x1082;
	s9 =	sld [smem:$0x3FB7]  }
0x2f: {  	lr =	sadd.s32 s0, s3;
	s0 =	sld [smem:$0x3FAE]  }
0x30: {  	s3 =	sld [smem:$0x3FB1]  }
0x31: {  	[smem:$0x3FBA] =	sst s10  }
0x32: {  	s10 =	sld [smem:$0x3FB8];
	_ =	sdelay $0x3  }
0x33: {  	p0 =	seq.s32 s10, $0x1;
	s10 =	sld [smem:$0x3FBA];
	_ =	sdelay $0x3  }
0x34: {  	[smem:$0x3FBA] =	sst s10  }
0x35: {  	s10 =	sld [smem:$0x3FB9];
	_ =	sdelay $0x3  }
0x36: {  	p1 =	seq.s32 s10, $0x1;
	s10 =	sld [smem:$0x3FBA];
	_ =	sdelay $0x3  }
0x37: {  	[smem:$0x3FBA] =	sst s10  }
0x38: {  	s10 =	sld [smem:$0x3FBB]  }
0x39: {  	_ = 	snop;
	(pc) =	sbr.ind lr, $3  }
0x3a: {  	_ = 	snop  }
0x3b: {  	_ = 	snop  }
0x3c: {  	p2 =	seq.s32 s10, $0x1;
	s10 =	sld [smem:$0x3FBA]  }
0x3d: {  	_ =	shalt  }
0x3e: {  	_ =	shalt  }
0x3f: {  	_ =	shalt  }
0x40: {  	_ =	shalt  }
0x41: {  	_ =	shalt  }
0x42: {  	_ =	shalt  }
0x43: {  	_ =	shalt  }
0x44: {  	_ =	shalt  }
0x45: {  	_ =	shalt  }
0x46: {  	_ =	shalt  }
0x47: {  	_ =	shalt  }
0x48: {  	_ =	shalt  }
0x49: {  	_ =	shalt  }
0x4a: {  	_ =	shalt  }
0x4b: {  	_ =	shalt  }
0x4c: {  	_ =	shalt  }
0x4d: {  	_ =	shalt  }
0x4e: {  	_ =	shalt  }
0x4f: {  	_ =	shalt  }
0x50: {  	_ =	shalt  }
0x51: {  	_ =	shalt  }
0x52: {  	_ =	shalt  }
0x53: {  	_ =	shalt  }
0x54: {  	_ =	shalt  }
0x55: {  	_ =	shalt  }
0x56: {  	_ =	shalt  }
0x57: {  	_ =	shalt  }
0x58: {  	_ =	shalt  }
0x59: {  	_ =	shalt  }
0x5a: {  	_ =	shalt  }
0x5b: {  	_ =	shalt  }
0x5c: {  	_ =	shalt  }
0x5d: {  	_ =	shalt  }
0x5e: {  	_ =	shalt  }
0x5f: {  	_ =	shalt  }
0x60: {  	_ =	shalt  }
0x61: {  	_ =	shalt  }
0x62: {  	_ =	shalt  }
0x63: {  	_ =	shalt  }
0x64: {  	_ =	shalt  }
0x65: {  	_ =	shalt  }
0x66: {  	_ =	shalt  }
0x67: {  	_ =	shalt  }
0x68: {  	_ =	shalt  }
0x69: {  	_ =	shalt  }
0x6a: {  	_ =	shalt  }
0x6b: {  	_ =	shalt  }
0x6c: {  	_ =	shalt  }
0x6d: {  	_ =	shalt  }
0x6e: {  	_ =	shalt  }
0x6f: {  	_ =	shalt  }
0x70: {  	_ =	shalt  }
0x71: {  	_ =	shalt  }
0x72: {  	_ =	shalt  }
0x73: {  	_ =	shalt  }
0x74: {  	_ =	shalt  }
0x75: {  	_ =	shalt  }
0x76: {  	_ =	shalt  }
0x77: {  	_ =	shalt  }
0x78: {  	_ =	shalt  }
0x79: {  	_ =	shalt  }
0x7a: {  	_ =	shalt  }
0x7b: {  	_ =	shalt  }
0x7c: {  	_ =	shalt  }
0x7d: {  	_ =	shalt  }
0x7e: {  	_ =	shalt  }
0x7f: {  	_ =	shalt  }
0x80: {  	_ =	shalt  }
0x81: {  	_ =	shalt  }
0x82: {  	_ =	shalt  }
0x83: {  	_ =	shalt  }
0x84: {  	_ =	shalt  }
0x85: {  	_ =	shalt  }
0x86: {  	_ =	shalt  }
0x87: {  	_ =	shalt  }
.Lfunc_end0:
.L_simem_size_0:
called_computation_lowered:
.L_overlay_start_0:
0x88: {  	s2 =	sld [smem:$0x3FD9]  }
0x89: {  	s3 =	sld [smem:$0x3FFE];
	_ =	sdelay $0x1  }
0x8a: {  	s1 =	srdreg.scid  }
0x8b: {  	s0 =	sand.u32 $0x1, s1  }
0x8c: {  	s17 =	sshll.u32 s0, $0xA;
	s2 =	sadd.s32 s3, s2  }
0x8d: {  	s2 =	sadd.s32 s2, s17  }
0x8e: {  	[smem:$0x3FC6] =	sst s2  }
0x8f: {  	_ = 	snop  }
0x90: {  	s2 =	sld [smem:$0x3FD0];
	(tm) =	ssettm $0x1  }
0x91: {  	s18 =	sld [smem:$0x3FFB];
	_ =	sdelay $0x3  }
0x92: {  	_ =	strace s18  }
0x93: {  	s3 =	sld [smem:$0x3FFC];
	_ =	sdelay $0x3  }
0x94: {  	_ =	strace s3  }
0x95: {  	s3 =	sld [smem:$0x3FFD];
	_ =	sdelay $0x3  }
0x96: {  	_ =	strace s3  }
0x97: {  	_ =	strace $0x8FFFFFFF  }
0x98: {  	s19 =	sld [smem:$0x3FDB];
	_ =	sdelay $0x1  }
0x99: {  	s4 =	simm.s32 $_scs_section_size  }
0x9a: {  	s5 =	simm.s32 $_size__tile_overlayer_lowered;
	s6 =	simm.s32 $_tile_overlayer_lowered  }
0x9b: {  	s22 =	simm.s32 $0x1BFF;
	s21 =	sshll.u32 s6, $0x1;
	s3 =	sadd.s32 s4, s19  }
0x9c: {  	s7 =	simm.s32 $0x0;
	s20 =	sshll.u32 s5, $0x1;
	s5 =	sadd.s32 s21, s3  }
0x9d: {  	[timem:s7], [sflag:s22] =	dma.local [hbm:s5], s20  }
0x9e: {  	_ =	swait.ge [sflag:s22], s20  }
0x9f: {  	s4 =	ssub.s32 $0x0, s20;
	[sflag:s22] =	ssyncset.done $0x0  }
0xa0: {  	[sflag:s22] =	ssyncadd.s32 s4;
	_ =	sdelay $0x1  }
0xa1: {  	s23 =	simm.s32 $0x1B8B  }
0xa2: {  	_ =	swait.ge [sflag:s23], $0x1  }
0xa3: {  	[sflag:s23] =	ssyncset.done $0x0  }
0xa4: {  	s25 =	simm.s32 $0x1B8E;
	s24 =	sld [smem:$0x3FFE];
	[sflag:s23] =	ssyncadd.s32 $0xFFFFFFFF  }
0xa5: {  	s26 =	simm.s32 $execute0_lowered;
	[smem:$0x3FD2] =	sst s25  }
0xa6: {  	s5 =	sshll.u32 s26, $0x1;
	_ =	strace $0x80000046;
	[dreg:$0x1] =	wrdreg $0xFFFFFFFF  }
0xa7: {  	s28 =	simm.s32 $_size_execute0_lowered;
	s3 =	sadd.s32 s3, s5;
	[dreg:$0x0] =	wrdreg $0x0  }
0xa8: {  	s5 =	sshll.u32 s28, $0x1;
	[dreg:$0x2] =	wrdreg s3  }
0xa9: {  	[dreg:$0x3] =	wrdreg s5  }
0xaa: {  	[dreg:$0x4] =	wrdreg $0xC0  }
0xab: {  	_ =	task [dreg:s7], $0x5FFFF  }
0xac: {  	[dreg:$0x1] =	wrdreg $0xFFFFFFFF  }
0xad: {  	[dreg:$0x0] =	wrdreg $0x60  }
0xae: {  	[dreg:$0x2] =	wrdreg s24  }
0xaf: {  	[dreg:$0x3] =	wrdreg s2  }
0xb0: {  	[dreg:$0x4] =	wrdreg $0x9  }
0xb1: {  	_ =	task.clear_ibuf [dreg:s7], $0x5FFFF;
	_ =	strace $0x90000046  }
0xb2: {  	s29 =	simm.s32 $0x9;
	_ =	strace $0x80000048  }
0xb3: {  	_ =	swait.ge [sflag:s29], $0x1  }
0xb4: {  	[sflag:s29] =	ssyncadd.s32 $0xFFFFFFFF  }
0xb5: {  	_ =	strace $0x90000048  }
0xb6: {  	_ =	sfence  }
0xb7: {  	s30 =	sld [smem:$0x0];
	_ =	sdelay $0x2  }
0xb8: {  	s31 =	sshll.u32 s1, $0xD;
	s1 =	sshrl.u32 s1, $0x2  }
0xb9: {  	s3 =	sand.u32 $0x4000, s31;
	s1 =	sadd.s32 s1, s30  }
0xba: {  	s0 =	sor.u32 s3, s0;
	s1 =	sshll.u32 s1, $0x11  }
0xbb: {  	s0 =	sor.u32 s1, s0  }
0xbc: {  	s0 =	sadd.s32 $0x8F2B, s0  }
0xbd: {  	[sflag:s0] =	ssyncadd.remote.s32 $0x1  }
0xbe: {  	_ =	sfence.sel $0xFFFF  }
0xbf: {  	[dreg:$0x0] =	wrdreg $0xFFFFFFFF;
	(pc) =	sbr.abs _section_cstart, $3  }
0xc0: {  	[dreg:$0x1] =	wrdreg $0xFFFFFFFF  }
0xc1: {  	_ =	task.clear_ibuf [dreg:s7], $0x2FFFF;
	_ =	strace $0x9FFFFFFF  }
0xc2: {  	(tm) =	ssettm $0x7FFFFFFF  }
0xc3: {  	_ =	shalt  }
tec
execute0_lowered:
.L_overlay_start_1:
0x0: {  	(tag) =	ssettag $0x1  }
0x1: {  	s1 =	rddreg [dreg:$0x0]  }
0x2: {  	s3 =	rddreg [dreg:$0x1];
	s4 =	simm.s32 $0x0;
	s0 =	srdreg.scid  }
0x3: {  	s13 =	stileid.u32;
	s14 =	simm.s32 $0x2710;
	s15 =	simm.s32 $0x1CE10  }
0x4: {  	s16 =	simm.s32 $0x1BE10;
	s17 =	simm.s32 $0x1CF90;
	s18 =	simm.s32 $0x1D760  }
0x5: {  	s19 =	simm.s32 $0x1;
	s20 =	simm.s32 $0x2;
	s21 =	simm.s32 $0x1DF30  }
0x6: {  	s24 =	simm.s32 $0x3;
	s25 =	simm.s32 $0x4;
	s28 =	simm.s32 $0x0  }
0x7: {  	[smem:$0x7FF] =	sst s4;
	s0 =	sand.u32 $0x1, s0;
	s2 =	sshll.u32 s13, $0x1  }
0x8: {  	s5 =	sadd.s32 $0x600, s1;
	s6 =	sadd.s32 $0x5600, s1;
	s13 =	smul.u32 $0x9D000, s13  }
0x9: {  	s2 =	sor.u32 s0, s2;
	s30 =	ssub.s32 $0x2, s0;
	s0 =	smul.u32 $0x4E800, s0  }
0xa: {  	s7 =	sadd.s32 $0x8800, s1;
	_ =	strace $0x80000047;
	s8 =	smul.u32 $0x30, s2  }
0xb: {  	s9 =	sshll.u32 s2, $0x4;
	s22 =	smul.u32 $0x140, s2;
	s11 =	sshrl.u32 s30, $0x1  }
.Ltmp0:
0xc: {  	s9 =	sadd.s32 s9, s1;
	s11 =	ssub.s32 s30, s11;
	(pc) =	sbr.rel .LBB2_1-.Ltmp0, $4  }
0xd: {  	s10 =	sadd.s32 s8, s1;
	s12 =	smin.u32 s22, $0x25D0;
	s8 =	smul.u32 $0x4E800, s2  }
0xe: {  	s9 =	sadd.s32 $0x142800, s9;
	s11 =	smax.u32 s11, $0x1;
	s31 =	ssub.s32 s12, s22  }
0xf: {  	v2 =	vlaneseq.u32;
	v3 =	vimm.s32 $0x1;
	s10 =	sadd.s32 $0x142A00, s10;
	s12 =	sadd.s32 s0, s13;
	s23 =	sadd.s32 $0x140, s31  }
0x10: {  	v4 =	vimm.s32 $0x0;
	v1 =	vmov s22;
	s13 =	simm.s32 $0x5;
	s22 =	simm.s32 $0x1E700;
	v0 =	vmov s23;
	s23 =	simm.s32 $0x1AE50  }
.LBB2_30:
0x11: {  	_ =	swait.ge [sflag:s19], $0x7D0  }
0x12: {  	[sflag:s19] =	ssyncset.done $0x0  }
0x13: {  	[sflag:s19] =	ssyncadd.s32 $0xFFFFF830  }
0x14: {  	s0 =	sadd.s32 s8, s29;
	_ =	swait.ge [sflag:s20], $0x7D0  }
0x15: {  	s2 =	sand.u32 $0xE00, s29;
	s0 =	sshrl.u32 s0, $0x3;
	[sflag:s20] =	ssyncset.done $0x0  }
0x16: {  	s2 =	sadd.s32 $0x1BE10, s2;
	s0 =	sadd.s32 s7, s0;
	[sflag:s20] =	ssyncadd.s32 $0xFFFFF830  }
0x17: {  	[hbm4b:s0+s4] =	stream.linear.scatter [tilespmem:s2], [sflag:$0x5], $0x200, $0x38;
	[tilespmem:$0x1EF50] =	vst v63  }
0x18: {  	_ =	swait.ge [sflag:s13], $0x200  }
0x19: {  	[sflag:s13] =	ssyncset.done $0x0  }
0x1a: {  	[sflag:s13] =	ssyncadd.s32 $0xFFFFFE00  }
0x1b: {  	[tilespmem:$0x1EED0] =	vst v5  }
0x1c: {  	[tilespmem:$0x1EEE0] =	vst v5  }
0x1d: {  	[tilespmem:$0x1EEF0] =	vst v5  }
0x1e: {  	[tilespmem:$0x1EF00] =	vst v5  }
0x1f: {  	[tilespmem:$0x1EF10] =	vst v5  }
0x20: {  	[tilespmem:$0x1EF20] =	vst v5  }
0x21: {  	[tilespmem:$0x1EF30] =	vst v5  }
0x22: {  	s31 =	simm.s32 $0x1EED0;
	[tilespmem:$0x1EF40] =	vst v5  }
0x23: {  	[hbm4b:s9+s4] =	stream.linear.scatter [tilespmem:s31], [sflag:$0x5], $0x80, $0x38;
	[tilespmem:$0x1EF50] =	vst v63  }
0x24: {  	s28 =	sadd.s32 $0x1, s28;
	_ =	swait.ge [sflag:s13], $0x80  }
0x25: {  	p0 =	sne.s32 s28, s11;
	[sflag:s13] =	ssyncset.done $0x0  }
.Ltmp1:
0x26: {  	[sflag:s13] =	ssyncadd.s32 $0xFFFFFF80;
	(pc) =	sbr.rel @!p0 .LBB2_31-.Ltmp1, $4  }
0x27: {  	[hbm4b:s10+s4] =	stream.linear.scatter [tilespmem:s15], [sflag:$0x5], $0x180, $0x38;
	[tilespmem:$0x1EF50] =	vst v63  }
0x28: {  	_ =	swait.ge [sflag:s13], $0x180  }
0x29: {  	[sflag:s13] =	ssyncset.done $0x0  }
0x2a: {  	[sflag:s13] =	ssyncadd.s32 $0xFFFFFE80  }
.LBB2_1:
0x2b: {  	[tilespmem:s4], [sflag:$0x5] =	stream.linear.gather [hbm4b:s1+s4], $0x2710, $0x38;
	[tilespmem:$0x1EF50] =	vst v63  }
0x2c: {  	_ =	swait.ge [sflag:s13], $0x2710  }
0x2d: {  	[sflag:s13] =	ssyncset.done $0x0  }
0x2e: {  	[sflag:s13] =	ssyncadd.s32 $0xFFFFD8F0  }
0x2f: {  	[tilespmem:s14], [sflag:$0x5] =	stream.linear.gather [hbm4b:s6+s4], $0x18740, $0x38;
	[tilespmem:$0x1EF50] =	vst v63  }
0x30: {  	_ =	swait.ge [sflag:s13], $0x18740  }
0x31: {  	[sflag:s13] =	ssyncset.done $0x0  }
0x32: {  	[sflag:s13] =	ssyncadd.s32 $0xFFFE78C0  }
0x33: {  	[tilespmem:$0x1CE10] =	vst v4  }
0x34: {  	[tilespmem:$0x1CE20] =	vst v4  }
0x35: {  	[tilespmem:$0x1CE30] =	vst v4  }
0x36: {  	[tilespmem:$0x1CE40] =	vst v4  }
0x37: {  	[tilespmem:$0x1CE50] =	vst v4  }
0x38: {  	[tilespmem:$0x1CE60] =	vst v4  }
0x39: {  	[tilespmem:$0x1CE70] =	vst v4  }
0x3a: {  	[tilespmem:$0x1CE80] =	vst v4  }
0x3b: {  	[tilespmem:$0x1CE90] =	vst v4  }
0x3c: {  	[tilespmem:$0x1CEA0] =	vst v4  }
0x3d: {  	[tilespmem:$0x1CEB0] =	vst v4  }
0x3e: {  	[tilespmem:$0x1CEC0] =	vst v4  }
0x3f: {  	[tilespmem:$0x1CED0] =	vst v4  }
0x40: {  	[tilespmem:$0x1CEE0] =	vst v4  }
0x41: {  	v5 =	vor.u32 s4, v2;
	[tilespmem:$0x1CEF0] =	vst v4  }
0x42: {  	vm0 =	vlt.s32 v5, v0;
	[tilespmem:$0x1CF00] =	vst v4  }
0x43: {  	v8 =	vnsel vm0, $0x0, v5;
	[tilespmem:$0x1CF10] =	vst v4  }
0x44: {  	v5 =	vadd.s32 v1, v8;
	v6 =	vmul.u32 $0x139, v8;
	[tilespmem:$0x1CF20] =	vst v4  }
0x45: {  	v7 =	vshrl.u32 v5, $0x5;
	[tilespmem:$0x1CF30] =	vst v4  }
0x46: {  	v6 =	vadd.s32 v6, v7;
	[tilespmem:$0x1CF40] =	vst v4  }
0x47: {  	[tilespmem:$0x1CF50] =	vst v4  }
0x48: {  	[tilespmem:$0x1CF60] =	vst v4  }
0x49: {  	v7 =	vand.u32 $0x1F, v8;
	[tilespmem:$0x1CF70] =	vst v4  }
0x4a: {  	v7 =	vshll.u32 v3, v7;
	[tilespmem:$0x1CF80] =	vst v4  }
0x4b: {  	[tilespmem:v6+s14+$0x0] =	vst.idx.msk vm0, v7  }
0x4c: {  	v6 =	vld.idx.msk [tilespmem:v5+s4+$0x0], vm0;
	_ =	sdelay $0x4  }
0x4d: {  	vm1 =	veq.f32 v6, $0.0e+00  }
0x4e: {  	vm1 =	vmand vm0, vm1  }
0x4f: {  	(xrf0) =	vadd.scan.msk.s32 vm1, v3;
	_ =	sdelay $0x1  }
0x50: {  	s0 =	simm.s32 $0x10  }
0x51: {  	v6 =	vor.u32 s0, v2  }
0x52: {  	vm0 =	vlt.s32 v6, v0;
	v9 =	vmpcnt.ones.xlane vm1  }
0x53: {  	v10 =	vadd.s32 $0xFFFFFFFF, v4;
	v7 =	vshll.u32 v5, $0xE;
	v6 =	vnsel vm0, $0x0, v6  }
0x54: {  	v7 =	vor.u32 v5, v7;
	v13 =	vmul.u32 $0x139, v6;
	v5 =	vadd.s32 v4, v9;
	v11, _, _ =	vpop (xrf0)  }
0x55: {  	v9 =	vadd.s32 v1, v6;
	[tilespmem:v8+s15+$0x0] =	vst.idx.add.s32.msk vm1, v3;
	v8 =	vand.u32 $0x1F, v6;
	v10 =	vadd.s32 v11, v10  }
0x56: {  	v11 =	vshrl.u32 v9, $0x5;
	v12 =	vand.u32 $0xFFF, v10  }
0x57: {  	v10 =	vshll.u32 v9, $0xE;
	v11 =	vadd.s32 v13, v11  }
0x58: {  	s0 =	simm.s32 $0x20;
	v13 =	vshll.u32 v3, v8;
	v8 =	vmov v5;
	v10 =	vor.u32 v9, v10  }
.LBB2_2:
0x59: {  	_ =	sdelay $0x1  }
0x5a: {  	p0 =	sne.s32 s0, $0x130;
	[tilespmem:v12+s16+$0x0] =	vst.idx.msk vm1, v7;
	v7 =	vmov v10;
	s2 =	smov.u32 s0;
	s0 =	sadd.s32 $0x10, s0  }
0x5b: {  	[tilespmem:v11+s14+$0x0] =	vst.idx.msk vm0, v13  }
0x5c: {  	v9 =	vld.idx.msk [tilespmem:v9+s4+$0x0], vm0;
	_ =	sdelay $0x5  }
0x5d: {  	vm1 =	veq.f32 v9, $0.0e+00  }
0x5e: {  	vm1 =	vmand vm0, vm1  }
0x5f: {  	v9 =	vmpcnt.ones.xlane vm1;
	(xrf0) =	vadd.scan.msk.s32 vm1, v3;
	_ =	sdelay $0x1  }
0x60: {  	v5 =	vadd.s32 v5, v9;
	_ =	sdelay $0x1  }
0x61: {  	v9 =	vor.u32 s2, v2  }
0x62: {  	vm0 =	vlt.s32 v9, v0;
	[tilespmem:v6+s15+$0x0] =	vst.idx.add.s32.msk vm1, v3  }
.Ltmp2:
0x63: {  	v10 =	vadd.s32 $0xFFFFFFFF, v8;
	v8 =	vmov v5;
	v6 =	vnsel vm0, $0x0, v9;
	v11, _, _ =	vpop (xrf0);
	(pc) =	sbr.rel @p0 .LBB2_2-.Ltmp2, $4  }
0x64: {  	v9 =	vadd.s32 v1, v6;
	v13 =	vmul.u32 $0x139, v6;
	v10 =	vadd.s32 v11, v10  }
0x65: {  	v14 =	vand.u32 $0x1F, v6;
	v11 =	vshrl.u32 v9, $0x5;
	v12 =	vand.u32 $0xFFF, v10  }
0x66: {  	v11 =	vadd.s32 v13, v11;
	v13 =	vshll.u32 v3, v14;
	v10 =	vshll.u32 v9, $0xE  }
0x67: {  	v10 =	vor.u32 v9, v10  }
0x68: {  	_ =	sdelay $0x4  }
0x69: {  	[tilespmem:v12+s16+$0x0] =	vst.idx.msk vm1, v7  }
0x6a: {  	[tilespmem:v11+s14+$0x0] =	vst.idx.msk vm0, v13  }
0x6b: {  	v7 =	vld.idx.msk [tilespmem:v9+s4+$0x0], vm0;
	_ =	sdelay $0x4  }
0x6c: {  	vm14 =	veq.f32 v7, $0.0e+00  }
0x6d: {  	vm15 =	vmand vm0, vm14  }
0x6e: {  	(xrf0) =	vadd.scan.msk.s32 vm15, v3;
	_ =	sdelay $0x5  }
0x6f: {  	v7 =	vadd.s32 $0xFFFFFFFF, v8;
	v63, _, _ =	vpop (xrf0)  }
0x70: {  	v7 =	vadd.s32 v63, v7  }
0x71: {  	v7 =	vand.u32 $0xFFF, v7;
	_ =	sdelay $0x3  }
.Ltmp3:
0x72: {  	[tilespmem:v6+s15+$0x0] =	vst.idx.add.s32.msk vm15, v3;
	(pc) =	sbr.rel .LBB2_4-.Ltmp3, $4  }
0x73: {  	s29 =	simm.s32 $0x0;
	[tilespmem:v7+s16+$0x0] =	vst.idx.msk vm15, v10  }
0x74: {  	v6 =	vmpcnt.ones.xlane vm15;
	[tilespmem:s17], [sflag:$0x1] =	stream.linear.gather [hbm4b:s5+s29], $0x7D0, $0x38;
	[tilespmem:$0x1EF50] =	vst v63  }
0x75: {  	s30 =	simm.s32 $0x0  }
0x76: {  	v5 =	vadd.s32 v5, v6;
	[tilespmem:s18], [sflag:$0x2] =	stream.linear.gather [hbm4b:s3+s29], $0x7D0, $0x38;
	[tilespmem:$0x1EF50] =	vst v63  }
.LBB2_28:
0x77: {  	s0 =	sadd.s32 s29, s12  }
0x78: {  	s2 =	sand.u32 $0xE00, s29;
	s0 =	sshrl.u32 s0, $0x3  }
0x79: {  	[sflag:s13] =	ssyncadd.s32 @p0 $0xFFFFFE00;
	s2 =	sadd.s32 $0x1BE10, s2;
	s0 =	sadd.s32 s7, s0  }
0x7a: {  	[hbm4b:s0+s4] =	stream.linear.scatter [tilespmem:s2], [sflag:$0x5], $0x200, $0x38;
	[tilespmem:$0x1EF50] =	vst v63  }
0x7b: {  	_ =	swait.ge [sflag:s13], $0x200  }
0x7c: {  	[sflag:s13] =	ssyncset.done $0x0  }
0x7d: {  	s29 =	sadd.s32 $0x200, s29;
	[sflag:s13] =	ssyncadd.s32 $0xFFFFFE00  }
.LBB2_29:
0x7e: {  	s30 =	sadd.s32 $0x1, s30  }
0x7f: {  	p0 =	sne.s32 s30, $0x28  }
.Ltmp4:
0x80: {  	_ = 	snop;
	(pc) =	sbr.rel @!p0 .LBB2_30-.Ltmp4, $1  }
0x81: {  	_ =	sdelay $0x3  }
.LBB2_4:
0x82: {  	_ =	swait.ge [sflag:s19], $0x7D0  }
0x83: {  	s0 =	smul.u32 $0xFA0, s30;
	[sflag:s19] =	ssyncset.done $0x0  }
0x84: {  	[sflag:s19] =	ssyncadd.s32 $0xFFFFF830  }
0x85: {  	s0 =	sshrl.u32 s0, $0x3;
	_ =	swait.ge [sflag:s20], $0x7D0  }
0x86: {  	s0 =	sadd.s32 $0xFA, s0;
	[sflag:s20] =	ssyncset.done $0x0  }
0x87: {  	s2 =	sadd.s32 s5, s0;
	[sflag:s20] =	ssyncadd.s32 $0xFFFFF830  }
0x88: {  	[tilespmem:s21], [sflag:$0x3] =	stream.linear.gather [hbm4b:s2+s4], $0x7D0, $0x38;
	[tilespmem:$0x1EF50] =	vst v63  }
0x89: {  	s0 =	sadd.s32 s3, s0;
	s2 =	simm.s32 $0x1CFB0  }
0x8a: {  	[tilespmem:s22], [sflag:$0x4] =	stream.linear.gather [hbm4b:s0+s4], $0x7D0, $0x38;
	[tilespmem:$0x1EF50] =	vst v63  }
0x8b: {  	s26 =	simm.s32 $0x1D780;
	v6 =	vld [tilespmem:s2+$0xFFFFFFF0]  }
0x8c: {  	v7 =	vld [tilespmem:s26+$0xFFFFFFF0]  }
0x8d: {  	v8 =	vld [tilespmem:s2+$0x0]  }
0x8e: {  	v10 =	vld [tilespmem:s2+$0xFFFFFFE0]  }
0x8f: {  	v15 =	vld [tilespmem:s2+$0x10]  }
0x90: {  	v19 =	vld [tilespmem:s26+$0x10];
	_ =	sdelay $0x2  }
0x91: {  	v13 =	vimm.s32 $0x0;
	v11 =	vld [tilespmem:s26+$0xFFFFFFE0]  }
0x92: {  	v12 =	vshll.u32 v6, $0xE;
	v14 =	vshll.u32 v7, $0xE;
	v16 =	vsub.s32 v10, v1  }
0x93: {  	v9 =	vld [tilespmem:s26+$0x0];
	v20 =	vsub.s32 v8, v1;
	v21 =	vsub.s32 v15, v1;
	v22 =	vsub.s32 v19, v1  }
0x94: {  	v25 =	vshll.u32 v10, $0xE;
	v28 =	vshll.u32 v19, $0xE;
	v12 =	vor.u32 v7, v12  }
0x95: {  	v17 =	vor.u32 v6, v14;
	v14 =	vshll.u32 v8, $0xE;
	v6 =	vsub.s32 v6, v1  }
0x96: {  	v7 =	vsub.s32 v7, v1;
	vm2 =	vlt.u32 v16, v0;
	v16 =	vsub.s32 v11, v1  }
0x97: {  	vm6 =	vlt.u32 v20, v0;
	vm4 =	vlt.u32 v21, v0;
	vm1 =	vlt.u32 v16, v0;
	(xrf0) =	vadd.scan.msk.s32 vm2, v3  }
0x98: {  	vm5 =	vlt.u32 v22, v0;
	v18 =	vor.u32 v9, v14;
	vm0 =	vlt.u32 v6, v0;
	(xrf0) =	vadd.scan.msk.s32 vm1, v3  }
0x99: {  	v14 =	vshll.u32 v9, $0xE;
	v16 =	vmpcnt.ones.xlane vm2;
	vm3 =	vlt.u32 v7, v0;
	(xrf0) =	vadd.scan.msk.s32 vm0, v3  }
0x9a: {  	v9 =	vsub.s32 v9, v1;
	v23 =	vmpcnt.ones.xlane vm4;
	v6 =	vmpcnt.ones.xlane vm1;
	(xrf0) =	vadd.scan.msk.s32 vm3, v3  }
0x9b: {  	vm7 =	vlt.u32 v9, v0;
	v7 =	vadd.s32 v13, v16;
	v16 =	vmpcnt.ones.xlane vm0;
	(xrf0) =	vadd.scan.msk.s32 vm6, v3  }
0x9c: {  	v24 =	vmpcnt.ones.xlane vm5;
	v20 =	vmpcnt.ones.xlane vm3;
	v6 =	vadd.s32 v7, v6;
	(xrf0) =	vadd.scan.msk.s32 vm7, v3  }
0x9d: {  	vm9 =	vmmov vm6;
	v9 =	vadd.s32 v6, v16;
	v16 =	vmpcnt.ones.xlane vm6;
	v22, _, _ =	vpop (xrf0);
	(xrf0) =	vadd.scan.msk.s32 vm4, v3  }
0x9e: {  	v21 =	vmpcnt.ones.xlane vm7;
	v20 =	vadd.s32 v9, v20;
	v13 =	vadd.s32 v22, v13;
	v22, _, _ =	vpop (xrf0);
	(xrf0) =	vadd.scan.msk.s32 vm5, v3  }
0x9f: {  	vm10 =	vmmov vm3;
	vm3 =	vmmov vm7;
	v16 =	vadd.s32 v20, v16;
	v26, _, _ =	vpop (xrf0)  }
0xa0: {  	v21 =	vadd.s32 v16, v21;
	v7 =	vadd.s32 v22, v7;
	v27, _, _ =	vpop (xrf0);
	v6 =	vadd.s32 v26, v6  }
0xa1: {  	s31 =	simm.s32 $0x1CFF0;
	v22 =	vadd.s32 v21, v23;
	v23 =	vshll.u32 v11, $0xE;
	v13 =	vadd.s32 $0xFFFFFFFF, v13;
	v26, _, _ =	vpop (xrf0)  }
0xa2: {  	s0 =	simm.s32 $0x1D7C0;
	v30 =	vadd.s32 $0xFFFFFFFF, v7;
	v9 =	vadd.s32 v27, v9;
	v29, _, _ =	vpop (xrf0);
	v7 =	vadd.s32 v26, v20;
	v20 =	vld [tilespmem:s31+$0xFFFFFFF0]  }
0xa3: {  	v26 =	vadd.s32 $0xFFFFFFFF, v6;
	v31 =	vadd.s32 $0xFFFFFFFF, v9;
	v6, _, _ =	vpop (xrf0);
	v9 =	vadd.s32 v29, v16;
	v29 =	vld [tilespmem:s0+$0xFFFFFFF0]  }
0xa4: {  	v11 =	vor.u32 v11, v25;
	v24 =	vadd.s32 v22, v24;
	v16 =	vadd.s32 v6, v21;
	v21, _, _ =	vpop (xrf0);
	v6 =	vld [tilespmem:s31+$0x0]  }
0xa5: {  	v32 =	vadd.s32 $0xFFFFFFFF, v7;
	v33 =	vadd.s32 $0xFFFFFFFF, v16;
	v7 =	vadd.s32 v21, v22;
	v21 =	vld [tilespmem:s0+$0x0]  }
0xa6: {  	v27 =	vshll.u32 v15, $0xE;
	[tilespmem:v13+s23+$0x0] =	vst.idx.msk vm2, v11;
	v22 =	vor.u32 v10, v23;
	v23 =	vadd.s32 $0xFFFFFFFF, v7;
	v7 =	vld [tilespmem:s31+$0xFFFFFFE0]  }
0xa7: {  	v13 =	vld [tilespmem:s0+$0xFFFFFFE0];
	v10 =	vadd.s32 $0xFFFFFFFF, v9;
	v16 =	vor.u32 v8, v14;
	v14 =	vor.u32 v19, v27;
	[tilespmem:v30+s23+$0x0] =	vst.idx.msk vm1, v22  }
0xa8: {  	v19 =	vor.u32 v15, v28;
	v8 =	vshll.u32 v20, $0xE;
	[tilespmem:v26+s23+$0x0] =	vst.idx.msk vm0, v12;
	v11 =	vshll.u32 v29, $0xE  }
0xa9: {  	v8 =	vor.u32 v29, v8;
	v22 =	vsub.s32 v29, v1;
	v12 =	vor.u32 v20, v11  }
0xaa: {  	v15 =	vshll.u32 v6, $0xE;
	v20 =	vsub.s32 v20, v1;
	vm6 =	vlt.u32 v22, v0;
	[tilespmem:v33+s23+$0x0] =	vst.idx.msk vm4, v14  }
0xab: {  	v9 =	vld [tilespmem:s31+$0x10];
	v15 =	vor.u32 v21, v15;
	v14 =	vshll.u32 v21, $0xE;
	[tilespmem:v23+s23+$0x0] =	vst.idx.msk vm5, v19;
	v19 =	vsub.s32 v7, v1  }
0xac: {  	v11 =	vld [tilespmem:s0+$0x10];
	v25 =	vsub.s32 v21, v1;
	vm2 =	vlt.u32 v19, v0;
	v19 =	vsub.s32 v13, v1  }
0xad: {  	v23 =	vsub.s32 v6, v1;
	v21 =	vmpcnt.ones.xlane vm2;
	vm1 =	vlt.u32 v19, v0;
	(xrf0) =	vadd.scan.msk.s32 vm2, v3  }
0xae: {  	vm0 =	vlt.u32 v20, v0;
	vm7 =	vlt.u32 v23, v0;
	v26 =	vmpcnt.ones.xlane vm1;
	(xrf0) =	vadd.scan.msk.s32 vm1, v3  }
0xaf: {  	v20 =	vmpcnt.ones.xlane vm0;
	v23 =	vmpcnt.ones.xlane vm7;
	v28 =	vadd.s32 v24, v21;
	(xrf0) =	vadd.scan.msk.s32 vm0, v3  }
0xb0: {  	v22 =	vmpcnt.ones.xlane vm6;
	vm8 =	vlt.u32 v25, v0;
	v29 =	vadd.s32 v28, v26;
	(xrf0) =	vadd.scan.msk.s32 vm6, v3  }
0xb1: {  	v19 =	vsub.s32 v9, v1;
	v27 =	vsub.s32 v11, v1;
	v21 =	vadd.s32 v29, v20;
	(xrf0) =	vadd.scan.msk.s32 vm7, v3  }
0xb2: {  	vm4 =	vlt.u32 v19, v0;
	v20 =	vadd.s32 v21, v22;
	v22 =	vmpcnt.ones.xlane vm8;
	(xrf0) =	vadd.scan.msk.s32 vm8, v3  }
0xb3: {  	v25 =	vmpcnt.ones.xlane vm4;
	vm5 =	vlt.u32 v27, v0;
	v19 =	vadd.s32 v20, v23;
	v23, _, _ =	vpop (xrf0);
	(xrf0) =	vadd.scan.msk.s32 vm4, v3  }
0xb4: {  	v30 =	vmpcnt.ones.xlane vm5;
	v26 =	vadd.s32 v23, v24;
	v23 =	vadd.s32 v19, v22;
	v24, _, _ =	vpop (xrf0);
	(xrf0) =	vadd.scan.msk.s32 vm5, v3  }
0xb5: {  	[tilespmem:v31+s23+$0x0] =	vst.idx.msk vm10, v17;
	v22 =	vshll.u32 v7, $0xE;
	v27 =	vadd.s32 v24, v28;
	v25 =	vadd.s32 v23, v25;
	v28, _, _ =	vpop (xrf0)  }
0xb6: {  	s2 =	simm.s32 $0x4;
	[tilespmem:v32+s23+$0x0] =	vst.idx.msk vm9, v18;
	v24 =	vshll.u32 v13, $0xE;
	v28 =	vadd.s32 v28, v29;
	v17 =	vadd.s32 v25, v30;
	v29, _, _ =	vpop (xrf0)  }
.LBB2_5:
0xb7: {  	s2 =	sadd.s32 $0x4, s2;
	v18 =	vadd.s32 v29, v21;
	v21 =	vshll.u32 v9, $0xE;
	v29 =	vshll.u32 v11, $0xE;
	v30, _, _ =	vpop (xrf0);
	[tilespmem:v10+s23+$0x0] =	vst.idx.msk vm3, v16  }
0xb8: {  	v26 =	vadd.s32 $0xFFFFFFFF, v26;
	v27 =	vadd.s32 $0xFFFFFFFF, v27;
	s31 =	sadd.s32 $0x40, s31;
	p0 =	slt.u32 s2, $0x78;
	v10 =	vadd.s32 v30, v20;
	v16, _, _ =	vpop (xrf0)  }
0xb9: {  	v28 =	vadd.s32 $0xFFFFFFFF, v28;
	s0 =	sadd.s32 $0x40, s0;
	v18 =	vadd.s32 $0xFFFFFFFF, v18;
	v20 =	vld [tilespmem:s31+$0xFFFFFFF0];
	v16 =	vadd.s32 v16, v19;
	v19, _, _ =	vpop (xrf0)  }
0xba: {  	v31 =	vadd.s32 $0xFFFFFFFF, v10;
	v30 =	vld [tilespmem:s0+$0xFFFFFFF0];
	v10 =	vadd.s32 $0xFFFFFFFF, v16;
	v16 =	vadd.s32 v19, v23;
	v19, _, _ =	vpop (xrf0)  }
0xbb: {  	v13 =	vor.u32 v13, v22;
	v32 =	vmovc v12;
	v33 =	vmovc v15;
	v23 =	vld [tilespmem:s31+$0x0];
	v22 =	vadd.s32 $0xFFFFFFFF, v16;
	v19 =	vadd.s32 v19, v25  }
0xbc: {  	v12 =	vor.u32 v7, v24;
	v16 =	vor.u32 v6, v14;
	v25 =	vld [tilespmem:s0+$0x0];
	v19 =	vadd.s32 $0xFFFFFFFF, v19  }
0xbd: {  	vm10 =	vmmov vm6;
	v6 =	vor.u32 v11, v21;
	v21 =	vor.u32 v9, v29;
	v7 =	vld [tilespmem:s31+$0xFFFFFFE0];
	[tilespmem:v26+s23+$0x0] =	vst.idx.msk vm2, v13  }
0xbe: {  	vm9 =	vmmov vm7;
	vm3 =	vmmov vm8;
	v13 =	vld [tilespmem:s0+$0xFFFFFFE0];
	v11 =	vshll.u32 v20, $0xE;
	[tilespmem:v27+s23+$0x0] =	vst.idx.msk vm1, v12  }
0xbf: {  	v12 =	vshll.u32 v30, $0xE;
	v9 =	vld [tilespmem:s31+$0x10];
	[tilespmem:v28+s23+$0x0] =	vst.idx.msk vm0, v8;
	v8 =	vor.u32 v30, v11  }
0xc0: {  	v12 =	vor.u32 v20, v12;
	v14 =	vshll.u32 v23, $0xE;
	v11 =	vld [tilespmem:s0+$0x10];
	[tilespmem:v22+s23+$0x0] =	vst.idx.msk vm4, v6;
	v6 =	vmov v23  }
0xc1: {  	v20 =	vsub.s32 v20, v1;
	v15 =	vor.u32 v25, v14;
	v14 =	vshll.u32 v25, $0xE;
	[tilespmem:v19+s23+$0x0] =	vst.idx.msk vm5, v21  }
0xc2: {  	v21 =	vsub.s32 v30, v1;
	v22 =	vsub.s32 v6, v1;
	v19 =	vsub.s32 v7, v1  }
0xc3: {  	v23 =	vsub.s32 v25, v1;
	vm2 =	vlt.u32 v19, v0;
	v19 =	vsub.s32 v13, v1  }
0xc4: {  	v24 =	vmpcnt.ones.xlane vm2;
	vm1 =	vlt.u32 v19, v0;
	v19 =	vsub.s32 v9, v1;
	(xrf0) =	vadd.scan.msk.s32 vm2, v3  }
0xc5: {  	vm0 =	vlt.u32 v20, v0;
	v25 =	vmpcnt.ones.xlane vm1;
	v26 =	vsub.s32 v11, v1;
	(xrf0) =	vadd.scan.msk.s32 vm1, v3  }
0xc6: {  	v20 =	vmpcnt.ones.xlane vm0;
	vm6 =	vlt.u32 v21, v0;
	v24 =	vadd.s32 v17, v24;
	(xrf0) =	vadd.scan.msk.s32 vm0, v3  }
0xc7: {  	vm7 =	vlt.u32 v22, v0;
	v28 =	vadd.s32 v24, v25;
	v25 =	vmpcnt.ones.xlane vm6;
	(xrf0) =	vadd.scan.msk.s32 vm6, v3  }
0xc8: {  	vm8 =	vlt.u32 v23, v0;
	v29 =	vmpcnt.ones.xlane vm7;
	v21 =	vadd.s32 v28, v20;
	(xrf0) =	vadd.scan.msk.s32 vm7, v3  }
.Ltmp5:
0xc9: {  	v23 =	vmpcnt.ones.xlane vm8;
	vm4 =	vlt.u32 v19, v0;
	v20 =	vadd.s32 v21, v25;
	(xrf0) =	vadd.scan.msk.s32 vm8, v3;
	(pc) =	sbr.rel @p0 .LBB2_5-.Ltmp5, $4  }
0xca: {  	vm5 =	vlt.u32 v26, v0;
	v25 =	vmpcnt.ones.xlane vm4;
	v19 =	vadd.s32 v20, v29;
	v22, _, _ =	vpop (xrf0);
	(xrf0) =	vadd.scan.msk.s32 vm4, v3  }
0xcb: {  	v26 =	vadd.s32 v22, v17;
	v23 =	vadd.s32 v19, v23;
	v17 =	vmpcnt.ones.xlane vm5;
	v27, _, _ =	vpop (xrf0);
	(xrf0) =	vadd.scan.msk.s32 vm5, v3  }
0xcc: {  	v22 =	vshll.u32 v7, $0xE;
	v27 =	vadd.s32 v27, v24;
	v25 =	vadd.s32 v23, v25;
	v29, _, _ =	vpop (xrf0);
	[tilespmem:v18+s23+$0x0] =	vst.idx.msk vm10, v32  }
0xcd: {  	v24 =	vshll.u32 v13, $0xE;
	v28 =	vadd.s32 v29, v28;
	v17 =	vadd.s32 v25, v17;
	v29, _, _ =	vpop (xrf0);
	[tilespmem:v31+s23+$0x0] =	vst.idx.msk vm9, v33  }
0xce: {  	_ = 	snop  }
0xcf: {  	v26 =	vadd.s32 $0xFFFFFFFF, v26  }
0xd0: {  	v49 =	vadd.s32 $0xFFFFFFFF, v28  }
0xd1: {  	v18, _, _ =	vpop (xrf0);
	v21 =	vadd.s32 v29, v21;
	v27 =	vadd.s32 $0xFFFFFFFF, v27  }
0xd2: {  	v30, _, _ =	vpop (xrf0);
	v18 =	vadd.s32 v18, v20;
	v54 =	vadd.s32 $0xFFFFFFFF, v21  }
0xd3: {  	[tilespmem:v10+s23+$0x0] =	vst.idx.msk vm3, v16;
	v52 =	vor.u32 v13, v22;
	v48, _, _ =	vpop (xrf0);
	v55 =	vadd.s32 v30, v19;
	v18 =	vadd.s32 $0xFFFFFFFF, v18  }
0xd4: {  	v23 =	vadd.s32 v48, v23;
	v50, _, _ =	vpop (xrf0);
	v10 =	vadd.s32 $0xFFFFFFFF, v55;
	[tilespmem:v26+s23+$0x0] =	vst.idx.msk vm2, v52  }
0xd5: {  	v7 =	vor.u32 v7, v24;
	v23 =	vadd.s32 $0xFFFFFFFF, v23;
	v25 =	vadd.s32 v50, v25;
	[tilespmem:v49+s23+$0x0] =	vst.idx.msk vm0, v8  }
0xd6: {  	v53 =	vadd.s32 $0xFFFFFFFF, v25;
	[tilespmem:v27+s23+$0x0] =	vst.idx.msk vm1, v7  }
0xd7: {  	[tilespmem:v54+s23+$0x0] =	vst.idx.msk vm6, v12  }
0xd8: {  	v51 =	vshll.u32 v9, $0xE;
	v6 =	vor.u32 v6, v14;
	[tilespmem:v18+s23+$0x0] =	vst.idx.msk vm7, v15  }
0xd9: {  	v56 =	vor.u32 v11, v51;
	v7 =	vshll.u32 v11, $0xE;
	[tilespmem:v10+s23+$0x0] =	vst.idx.msk vm8, v6  }
0xda: {  	v7 =	vor.u32 v9, v7;
	[tilespmem:v23+s23+$0x0] =	vst.idx.msk vm4, v56  }
0xdb: {  	[tilespmem:v53+s23+$0x0] =	vst.idx.msk vm5, v7  }
0xdc: {  	v6 =	vld [tilespmem:$0x1D750]  }
0xdd: {  	v7 =	vld [tilespmem:$0x1DF20];
	_ =	sdelay $0x3  }
0xde: {  	v57 =	vsub.s32 v6, v1  }
0xdf: {  	v58 =	vsub.s32 v7, v1;
	vm15 =	vlt.u32 v57, v0  }
0xe0: {  	vm1 =	vlt.u32 v58, v0;
	v59 =	vmpcnt.ones.xlane vm15  }
0xe1: {  	v8 =	vmpcnt.ones.xlane vm1  }
0xe2: {  	v9 =	vadd.s32 v17, v59  }
0xe3: {  	(xrf0) =	vadd.scan.msk.s32 vm15, v3;
	v8 =	vadd.s32 v9, v8  }
0xe4: {  	(xrf0) =	vadd.scan.msk.s32 vm1, v3;
	v8 =	vxor.u32 $0x80000000, v8  }
0xe5: {  	(xrf0) =	vmax.scan.msk.u32 $0xffff, v8;
	_ =	sdelay $0x3  }
0xe6: {  	v60, _, _ =	vpop (xrf0)  }
0xe7: {  	v61, _, _ =	vpop (xrf0)  }
0xe8: {  	v62, _, _ =	vpop (xrf0)  }
0xe9: {  	(v2sf) =	vpush v62, $0xF;
	_ =	sdelay $0xe  }
0xea: {  	s2 =	spop (v2sf)  }
0xeb: {  	s0 =	sadd.s32 $0x8000000F, s2  }
0xec: {  	s26 =	sand.u32 $0xF, s0  }
0xed: {  	s31 =	sshra.s32 s0, $0x1F;
	p1 =	slt.s32 s0, $0x1;
	p0 =	sne.s32 s26, $0x0  }
0xee: {  	s26 =	sshrl.u32 s31, $0x1C;
	p0 =	por !p1, !p0  }
0xef: {  	s0 =	sadd.s32 s26, s0;
	s26 =	simm.s32 $0x1;
	p0 =	por !p0, !p0  }
0xf0: {  	v8 =	vadd.s32 v60, v17;
	s0 =	sshra.s32 s0, $0x4;
	s26 =	simm.s32 @!p0 $0x0  }
0xf1: {  	v8 =	vadd.s32 $0xFFFFFFFF, v8;
	v9 =	vadd.s32 v61, v9;
	s0 =	ssub.s32 s0, s26  }
0xf2: {  	v9 =	vadd.s32 $0xFFFFFFFF, v9;
	p0 =	slt.s32 s0, $0x1  }
.Ltmp6:
0xf3: {  	_ = 	snop;
	(pc) =	sbr.rel @p0 .LBB2_11-.Ltmp6, $4  }
0xf4: {  	v63 =	vshll.u32 v6, $0xE  }
0xf5: {  	v10 =	vor.u32 v7, v63;
	v7 =	vshll.u32 v7, $0xE  }
0xf6: {  	v6 =	vor.u32 v6, v7;
	[tilespmem:v8+s23+$0x0] =	vst.idx.msk vm15, v10  }
0xf7: {  	vm12 =	vmmov vm6;
	vm13 =	vmmov vm7;
	vm14 =	vmmov vm8;
	[tilespmem:v9+s23+$0x0] =	vst.idx.msk vm1, v6  }
.Ltmp7:
0xf8: {  	(pc) =	sbr.rel .LBB2_8-.Ltmp7, $3  }
0xf9: {  	_ =	sdelay $0x1  }
0xfa: {  	s2 =	sxor.u32 $0x80000000, s2  }
0xfb: {  	v6 =	vmov s2;
	s2 =	simm.s32 $0x0  }
.LBB2_10:
0xfc: {  	_ =	sdelay $0x4  }
0xfd: {  	v9 =	vld.idx.msk [tilespmem:v9+s4+$0x0], vm0;
	_ =	sdelay $0x4  }
0xfe: {  	vm0 =	veq.f32 v9, $0.0e+00  }
0xff: {  	vm0 =	vmand vm1, vm0  }
0x100: {  	(xrf1) =	vunique.msk.u32 vm0, v8;
	_ =	sdelay $0x8  }
0x101: {  	(xrf0) =	vadd.scan.msk.s32 vm0, v3;
	_ =	sdelay $0x4  }
0x102: {  	_, v62, vm15 =	vpop (xrf1)  }
0x103: {  	v11 =	vadd.s32 $0xFFFFFFFF, v5;
	v10, _, _ =	vpop (xrf0);
	vm1 =	vmand vm0, vm15  }
0x104: {  	s2 =	sadd.s32 $0x1, s2;
	v10 =	vadd.s32 v10, v11  }
0x105: {  	p0 =	sne.s32 s2, s0;
	v10 =	vand.u32 $0xFFF, v10  }
.Ltmp8:
0x106: {  	_ = 	snop;
	(pc) =	sbr.rel @!p0 .LBB2_11-.Ltmp8, $4  }
0x107: {  	_ = 	snop  }
0x108: {  	v63 =	vmpcnt.ones.xlane vm0  }
0x109: {  	[tilespmem:v8+s15+$0x0] =	vst.idx.add.s32.msk vm1, v62  }
0x10a: {  	v5 =	vadd.s32 v5, v63;
	[tilespmem:v10+s16+$0x0] =	vst.idx.msk vm0, v7  }
.LBB2_8:
0x10b: {  	s26 =	sshll.u32 s2, $0x4  }
0x10c: {  	v7 =	vld [tilespmem:s26+$0x1AE50];
	_ =	sdelay $0x3  }
0x10d: {  	v8 =	vor.u32 s26, v2  }
0x10e: {  	vm0 =	vlt.s32 v8, v6;
	v8 =	vshra.s32 v7, $0xE  }
0x10f: {  	(xrf1) =	vunique.msk.u32 vm0, v7;
	v8 =	vsub.s32 v8, v1  }
0x110: {  	v9 =	vand.u32 $0x3FFF, v7;
	v8 =	vnsel vm0, $0x0, v8  }
0x111: {  	v9 =	vnsel vm0, $0x0, v9;
	v10 =	vmul.u32 $0x139, v8  }
0x112: {  	v11 =	vshrl.u32 v9, $0x5  }
0x113: {  	v10 =	vadd.s32 v11, v10;
	_ =	sdelay $0x4  }
0x114: {  	v12 =	vld.idx.msk [tilespmem:v10+s14+$0x0], vm0;
	_ =	sdelay $0x2  }
0x115: {  	v11 =	vand.u32 $0x1F, v9  }
0x116: {  	v11 =	vshll.u32 v3, v11  }
0x117: {  	_, v13, _ =	vpop (xrf1);
	v12 =	vand.u32 v12, v11  }
0x118: {  	vm1 =	veq.s32 v13, $0x1;
	vm2 =	veq.s32 v12, $0x0  }
0x119: {  	vm1 =	vmand vm1, vm2  }
0x11a: {  	vm1 =	vmand vm0, vm1  }
0x11b: {  	v12 =	vsel vm1, $0x1, v4  }
0x11c: {  	v13 =	vor.u32 $0x80000000, v12  }
0x11d: {  	(xrf0) =	vmax.scan.msk.u32 $0xffff, v13;
	_ =	sdelay $0x5  }
0x11e: {  	v13, _, _ =	vpop (xrf0)  }
0x11f: {  	(v2sf) =	vpush v13, $0xF;
	_ =	sdelay $0xe  }
0x120: {  	s31 =	spop (v2sf)  }
0x121: {  	p0 =	slt.u32 s31, $0x80000001  }
.Ltmp9:
0x122: {  	_ = 	snop;
	(pc) =	sbr.rel @p0 .LBB2_10-.Ltmp9, $1  }
0x123: {  	_ =	sdelay $0x3  }
.LBB2_9:
0x124: {  	vm2 =	vne.s32 v12, $0x0  }
0x125: {  	(xrf1) =	vunique.msk.u32 vm2, v10;
	_ =	sdelay $0xd  }
0x126: {  	_, v13, _ =	vpop (xrf1)  }
0x127: {  	vm3 =	veq.s32 v13, $0x1  }
0x128: {  	v12 =	vsel vm3, $0x0, v12  }
0x129: {  	v13 =	vor.u32 $0x80000000, v12  }
0x12a: {  	(xrf0) =	vmax.scan.msk.u32 $0xffff, v13;
	_ =	sdelay $0x5  }
0x12b: {  	v13, _, _ =	vpop (xrf0)  }
0x12c: {  	(v2sf) =	vpush v13, $0xF;
	_ =	sdelay $0xe  }
0x12d: {  	vm2 =	vmand vm2, vm3;
	s26 =	spop (v2sf)  }
0x12e: {  	p0 =	sgt.u32 s26, $0x80000000  }
.Ltmp10:
0x12f: {  	_ = 	snop;
	(pc) =	sbr.rel @p0 .LBB2_9-.Ltmp10, $2  }
0x130: {  	_ =	sdelay $0x2  }
0x131: {  	[tilespmem:v10+s14+$0x0] =	vst.idx.add.s32.msk vm2, v11  }
.Ltmp11:
0x132: {  	_ = 	snop;
	(pc) =	sbr.rel .LBB2_10-.Ltmp11, $1  }
0x133: {  	_ =	sdelay $0x3  }
.LBB2_11:
0x134: {  	v6 =	vxor.u32 $0x80000000, v5  }
0x135: {  	(xrf0) =	vmax.scan.msk.u32 $0xffff, v6;
	_ =	sdelay $0x5  }
0x136: {  	v6, _, _ =	vpop (xrf0)  }
0x137: {  	(v2sf) =	vpush v6, $0xF;
	_ =	sdelay $0xe  }
0x138: {  	s0 =	spop (v2sf)  }
0x139: {  	s31 =	sxor.u32 $0x80000000, s0  }
0x13a: {  	s0 =	ssub.s32 s31, s29  }
0x13b: {  	p0 =	slt.s32 s0, $0x200  }
.Ltmp12:
0x13c: {  	_ = 	snop;
	(pc) =	sbr.rel @p0 .LBB2_16-.Ltmp12, $1  }
0x13d: {  	_ =	sdelay $0x3  }
0x13e: {  	s0 =	sadd.s32 $0xFFFFFE00, s0  }
0x13f: {  	p1 =	sgt.s32 s0, $0x1FF  }
.Ltmp13:
0x140: {  	_ = 	snop;
	(pc) =	sbr.rel @!p1 .LBB2_15-.Ltmp13, $2  }
0x141: {  	_ =	sdelay $0x2  }
0x142: {  	p0 =	por $0x0, $0x0  }
0x143: {  	s0 =	sadd.s32 $0xFFFFFE00, s0  }
0x144: {  	s2 =	sadd.s32 s29, s12;
	p1 =	sgt.s32 s0, $0x1FF  }
.Ltmp14:
0x145: {  	s26 =	sand.u32 $0xE00, s29;
	s2 =	sshrl.u32 s2, $0x3;
	(pc) =	sbr.rel @!p1 .LBB2_15-.Ltmp14, $4  }
0x146: {  	s26 =	sadd.s32 $0x1BE10, s26;
	s2 =	sadd.s32 s7, s2  }
0x147: {  	[hbm4b:s2+s4] =	stream.linear.scatter [tilespmem:s26], [sflag:$0x5], $0x200, $0x38;
	[tilespmem:$0x1EF50] =	vst v63  }
0x148: {  	_ =	swait.ge [sflag:s13], $0x200  }
0x149: {  	s29 =	sadd.s32 $0x200, s29;
	p0 =	por $0x1, $0x1;
	[sflag:s13] =	ssyncset.done $0x0  }
.LBB2_14:
0x14a: {  	s0 =	sadd.s32 $0xFFFFFE00, s0  }
0x14b: {  	s2 =	sadd.s32 s29, s12;
	[sflag:s13] =	ssyncadd.s32 $0xFFFFFE00;
	p1 =	sgt.s32 s0, $0x1FF  }
.Ltmp15:
0x14c: {  	s26 =	sand.u32 $0xE00, s29;
	s2 =	sshrl.u32 s2, $0x3;
	(pc) =	sbr.rel @p1 .LBB2_14-.Ltmp15, $4  }
0x14d: {  	s26 =	sadd.s32 $0x1BE10, s26;
	s2 =	sadd.s32 s7, s2  }
0x14e: {  	[hbm4b:s2+s4] =	stream.linear.scatter [tilespmem:s26], [sflag:$0x5], $0x200, $0x38;
	[tilespmem:$0x1EF50] =	vst v63  }
0x14f: {  	_ =	swait.ge [sflag:s13], $0x200  }
0x150: {  	s29 =	sadd.s32 $0x200, s29;
	[sflag:s13] =	ssyncset.done $0x0  }
.LBB2_15:
0x151: {  	s0 =	sadd.s32 s29, s12  }
0x152: {  	s2 =	sand.u32 $0xE00, s29;
	s0 =	sshrl.u32 s0, $0x3  }
0x153: {  	[sflag:s13] =	ssyncadd.s32 @p0 $0xFFFFFE00;
	s2 =	sadd.s32 $0x1BE10, s2;
	s0 =	sadd.s32 s7, s0  }
0x154: {  	[hbm4b:s0+s4] =	stream.linear.scatter [tilespmem:s2], [sflag:$0x5], $0x200, $0x38;
	[tilespmem:$0x1EF50] =	vst v63  }
0x155: {  	_ =	swait.ge [sflag:s13], $0x200  }
0x156: {  	[sflag:s13] =	ssyncset.done $0x0  }
0x157: {  	s29 =	sadd.s32 $0x200, s29;
	[sflag:s13] =	ssyncadd.s32 $0xFFFFFE00  }
.LBB2_16:
0x158: {  	s0 =	sshll.u32 s30, $0x1  }
0x159: {  	_ =	swait.ge [sflag:s24], $0x7D0;
	s0 =	smin.u32 s0, $0x4C  }
0x15a: {  	[sflag:s24] =	ssyncset.done $0x0;
	s0 =	smul.u32 $0x7D0, s0  }
0x15b: {  	[sflag:s24] =	ssyncadd.s32 $0xFFFFF830  }
0x15c: {  	_ =	swait.ge [sflag:s25], $0x7D0;
	s0 =	sshrl.u32 s0, $0x3  }
0x15d: {  	[sflag:s25] =	ssyncset.done $0x0;
	s0 =	sadd.s32 $0x1F4, s0  }
0x15e: {  	[sflag:s25] =	ssyncadd.s32 $0xFFFFF830;
	s2 =	sadd.s32 s5, s0  }
0x15f: {  	[tilespmem:s17], [sflag:$0x1] =	stream.linear.gather [hbm4b:s2+s4], $0x7D0, $0x38;
	[tilespmem:$0x1EF50] =	vst v63  }
0x160: {  	s0 =	sadd.s32 s3, s0;
	s2 =	simm.s32 $0x1DF50  }
0x161: {  	[tilespmem:s18], [sflag:$0x2] =	stream.linear.gather [hbm4b:s0+s4], $0x7D0, $0x38;
	[tilespmem:$0x1EF50] =	vst v63  }
0x162: {  	s26 =	simm.s32 $0x1E720;
	v6 =	vld [tilespmem:s2+$0xFFFFFFF0]  }
0x163: {  	v7 =	vld [tilespmem:s26+$0xFFFFFFF0]  }
0x164: {  	v8 =	vld [tilespmem:s2+$0x0]  }
0x165: {  	v10 =	vld [tilespmem:s2+$0xFFFFFFE0]  }
0x166: {  	v15 =	vld [tilespmem:s2+$0x10]  }
0x167: {  	v19 =	vld [tilespmem:s26+$0x10];
	_ =	sdelay $0x2  }
0x168: {  	v13 =	vimm.s32 $0x0;
	v11 =	vld [tilespmem:s26+$0xFFFFFFE0]  }
0x169: {  	v12 =	vshll.u32 v6, $0xE;
	v14 =	vshll.u32 v7, $0xE;
	v16 =	vsub.s32 v10, v1  }
0x16a: {  	v9 =	vld [tilespmem:s26+$0x0];
	v20 =	vsub.s32 v8, v1;
	v21 =	vsub.s32 v15, v1;
	v22 =	vsub.s32 v19, v1  }
0x16b: {  	v25 =	vshll.u32 v10, $0xE;
	v28 =	vshll.u32 v19, $0xE;
	v12 =	vor.u32 v7, v12  }
0x16c: {  	v17 =	vor.u32 v6, v14;
	v14 =	vshll.u32 v8, $0xE;
	v6 =	vsub.s32 v6, v1  }
0x16d: {  	v7 =	vsub.s32 v7, v1;
	vm2 =	vlt.u32 v16, v0;
	v16 =	vsub.s32 v11, v1  }
0x16e: {  	vm6 =	vlt.u32 v20, v0;
	vm4 =	vlt.u32 v21, v0;
	vm1 =	vlt.u32 v16, v0;
	(xrf0) =	vadd.scan.msk.s32 vm2, v3  }
0x16f: {  	vm5 =	vlt.u32 v22, v0;
	v18 =	vor.u32 v9, v14;
	vm0 =	vlt.u32 v6, v0;
	(xrf0) =	vadd.scan.msk.s32 vm1, v3  }
0x170: {  	v14 =	vshll.u32 v9, $0xE;
	v16 =	vmpcnt.ones.xlane vm2;
	vm3 =	vlt.u32 v7, v0;
	(xrf0) =	vadd.scan.msk.s32 vm0, v3  }
0x171: {  	v9 =	vsub.s32 v9, v1;
	v23 =	vmpcnt.ones.xlane vm4;
	v6 =	vmpcnt.ones.xlane vm1;
	(xrf0) =	vadd.scan.msk.s32 vm3, v3  }
0x172: {  	vm7 =	vlt.u32 v9, v0;
	v7 =	vadd.s32 v13, v16;
	v16 =	vmpcnt.ones.xlane vm0;
	(xrf0) =	vadd.scan.msk.s32 vm6, v3  }
0x173: {  	v24 =	vmpcnt.ones.xlane vm5;
	v20 =	vmpcnt.ones.xlane vm3;
	v6 =	vadd.s32 v7, v6;
	(xrf0) =	vadd.scan.msk.s32 vm7, v3  }
0x174: {  	vm9 =	vmmov vm6;
	v9 =	vadd.s32 v6, v16;
	v16 =	vmpcnt.ones.xlane vm6;
	v22, _, _ =	vpop (xrf0);
	(xrf0) =	vadd.scan.msk.s32 vm4, v3  }
0x175: {  	v21 =	vmpcnt.ones.xlane vm7;
	v20 =	vadd.s32 v9, v20;
	v13 =	vadd.s32 v22, v13;
	v22, _, _ =	vpop (xrf0);
	(xrf0) =	vadd.scan.msk.s32 vm5, v3  }
0x176: {  	vm10 =	vmmov vm3;
	vm3 =	vmmov vm7;
	v16 =	vadd.s32 v20, v16;
	v26, _, _ =	vpop (xrf0)  }
0x177: {  	v21 =	vadd.s32 v16, v21;
	v7 =	vadd.s32 v22, v7;
	v27, _, _ =	vpop (xrf0);
	v6 =	vadd.s32 v26, v6  }
0x178: {  	s0 =	simm.s32 $0x1DF90;
	v22 =	vadd.s32 v21, v23;
	v23 =	vshll.u32 v11, $0xE;
	v13 =	vadd.s32 $0xFFFFFFFF, v13;
	v26, _, _ =	vpop (xrf0)  }
0x179: {  	s2 =	simm.s32 $0x1E760;
	v30 =	vadd.s32 $0xFFFFFFFF, v7;
	v9 =	vadd.s32 v27, v9;
	v29, _, _ =	vpop (xrf0);
	v7 =	vadd.s32 v26, v20;
	v20 =	vld [tilespmem:s0+$0xFFFFFFF0]  }
0x17a: {  	v26 =	vadd.s32 $0xFFFFFFFF, v6;
	v31 =	vadd.s32 $0xFFFFFFFF, v9;
	v6, _, _ =	vpop (xrf0);
	v9 =	vadd.s32 v29, v16;
	v29 =	vld [tilespmem:s2+$0xFFFFFFF0]  }
0x17b: {  	v11 =	vor.u32 v11, v25;
	v24 =	vadd.s32 v22, v24;
	v16 =	vadd.s32 v6, v21;
	v21, _, _ =	vpop (xrf0);
	v6 =	vld [tilespmem:s0+$0x0]  }
0x17c: {  	v32 =	vadd.s32 $0xFFFFFFFF, v7;
	v33 =	vadd.s32 $0xFFFFFFFF, v16;
	v7 =	vadd.s32 v21, v22;
	v21 =	vld [tilespmem:s2+$0x0]  }
0x17d: {  	v27 =	vshll.u32 v15, $0xE;
	[tilespmem:v13+s23+$0x0] =	vst.idx.msk vm2, v11;
	v22 =	vor.u32 v10, v23;
	v23 =	vadd.s32 $0xFFFFFFFF, v7;
	v7 =	vld [tilespmem:s0+$0xFFFFFFE0]  }
0x17e: {  	v13 =	vld [tilespmem:s2+$0xFFFFFFE0];
	v10 =	vadd.s32 $0xFFFFFFFF, v9;
	v16 =	vor.u32 v8, v14;
	v14 =	vor.u32 v19, v27;
	[tilespmem:v30+s23+$0x0] =	vst.idx.msk vm1, v22  }
0x17f: {  	v19 =	vor.u32 v15, v28;
	v8 =	vshll.u32 v20, $0xE;
	[tilespmem:v26+s23+$0x0] =	vst.idx.msk vm0, v12;
	v11 =	vshll.u32 v29, $0xE  }
0x180: {  	v8 =	vor.u32 v29, v8;
	v22 =	vsub.s32 v29, v1;
	v12 =	vor.u32 v20, v11  }
0x181: {  	v15 =	vshll.u32 v6, $0xE;
	v20 =	vsub.s32 v20, v1;
	vm6 =	vlt.u32 v22, v0;
	[tilespmem:v33+s23+$0x0] =	vst.idx.msk vm4, v14  }
0x182: {  	v9 =	vld [tilespmem:s0+$0x10];
	v15 =	vor.u32 v21, v15;
	v14 =	vshll.u32 v21, $0xE;
	[tilespmem:v23+s23+$0x0] =	vst.idx.msk vm5, v19;
	v19 =	vsub.s32 v7, v1  }
0x183: {  	v11 =	vld [tilespmem:s2+$0x10];
	v25 =	vsub.s32 v21, v1;
	vm2 =	vlt.u32 v19, v0;
	v19 =	vsub.s32 v13, v1  }
0x184: {  	v23 =	vsub.s32 v6, v1;
	v21 =	vmpcnt.ones.xlane vm2;
	vm1 =	vlt.u32 v19, v0;
	(xrf0) =	vadd.scan.msk.s32 vm2, v3  }
0x185: {  	vm0 =	vlt.u32 v20, v0;
	vm7 =	vlt.u32 v23, v0;
	v26 =	vmpcnt.ones.xlane vm1;
	(xrf0) =	vadd.scan.msk.s32 vm1, v3  }
0x186: {  	v20 =	vmpcnt.ones.xlane vm0;
	v23 =	vmpcnt.ones.xlane vm7;
	v28 =	vadd.s32 v24, v21;
	(xrf0) =	vadd.scan.msk.s32 vm0, v3  }
0x187: {  	v22 =	vmpcnt.ones.xlane vm6;
	vm8 =	vlt.u32 v25, v0;
	v29 =	vadd.s32 v28, v26;
	(xrf0) =	vadd.scan.msk.s32 vm6, v3  }
0x188: {  	v19 =	vsub.s32 v9, v1;
	v27 =	vsub.s32 v11, v1;
	v21 =	vadd.s32 v29, v20;
	(xrf0) =	vadd.scan.msk.s32 vm7, v3  }
0x189: {  	vm4 =	vlt.u32 v19, v0;
	v20 =	vadd.s32 v21, v22;
	v22 =	vmpcnt.ones.xlane vm8;
	(xrf0) =	vadd.scan.msk.s32 vm8, v3  }
0x18a: {  	v25 =	vmpcnt.ones.xlane vm4;
	vm5 =	vlt.u32 v27, v0;
	v19 =	vadd.s32 v20, v23;
	v23, _, _ =	vpop (xrf0);
	(xrf0) =	vadd.scan.msk.s32 vm4, v3  }
0x18b: {  	v30 =	vmpcnt.ones.xlane vm5;
	v26 =	vadd.s32 v23, v24;
	v23 =	vadd.s32 v19, v22;
	v24, _, _ =	vpop (xrf0);
	(xrf0) =	vadd.scan.msk.s32 vm5, v3  }
0x18c: {  	[tilespmem:v31+s23+$0x0] =	vst.idx.msk vm10, v17;
	v22 =	vshll.u32 v7, $0xE;
	v27 =	vadd.s32 v24, v28;
	v25 =	vadd.s32 v23, v25;
	v28, _, _ =	vpop (xrf0)  }
0x18d: {  	s26 =	simm.s32 $0x4;
	[tilespmem:v32+s23+$0x0] =	vst.idx.msk vm9, v18;
	v24 =	vshll.u32 v13, $0xE;
	v28 =	vadd.s32 v28, v29;
	v17 =	vadd.s32 v25, v30;
	v29, _, _ =	vpop (xrf0)  }
.LBB2_17:
0x18e: {  	s26 =	sadd.s32 $0x4, s26;
	v18 =	vadd.s32 v29, v21;
	v21 =	vshll.u32 v9, $0xE;
	v29 =	vshll.u32 v11, $0xE;
	v30, _, _ =	vpop (xrf0);
	[tilespmem:v10+s23+$0x0] =	vst.idx.msk vm3, v16  }
0x18f: {  	v26 =	vadd.s32 $0xFFFFFFFF, v26;
	v27 =	vadd.s32 $0xFFFFFFFF, v27;
	s0 =	sadd.s32 $0x40, s0;
	p0 =	slt.u32 s26, $0x78;
	v10 =	vadd.s32 v30, v20;
	v16, _, _ =	vpop (xrf0)  }
0x190: {  	v28 =	vadd.s32 $0xFFFFFFFF, v28;
	s2 =	sadd.s32 $0x40, s2;
	v18 =	vadd.s32 $0xFFFFFFFF, v18;
	v20 =	vld [tilespmem:s0+$0xFFFFFFF0];
	v16 =	vadd.s32 v16, v19;
	v19, _, _ =	vpop (xrf0)  }
0x191: {  	v31 =	vadd.s32 $0xFFFFFFFF, v10;
	v30 =	vld [tilespmem:s2+$0xFFFFFFF0];
	v10 =	vadd.s32 $0xFFFFFFFF, v16;
	v16 =	vadd.s32 v19, v23;
	v19, _, _ =	vpop (xrf0)  }
0x192: {  	v13 =	vor.u32 v13, v22;
	v32 =	vmovc v12;
	v33 =	vmovc v15;
	v23 =	vld [tilespmem:s0+$0x0];
	v22 =	vadd.s32 $0xFFFFFFFF, v16;
	v19 =	vadd.s32 v19, v25  }
0x193: {  	v12 =	vor.u32 v7, v24;
	v16 =	vor.u32 v6, v14;
	v25 =	vld [tilespmem:s2+$0x0];
	v19 =	vadd.s32 $0xFFFFFFFF, v19  }
0x194: {  	vm10 =	vmmov vm6;
	v6 =	vor.u32 v11, v21;
	v21 =	vor.u32 v9, v29;
	v7 =	vld [tilespmem:s0+$0xFFFFFFE0];
	[tilespmem:v26+s23+$0x0] =	vst.idx.msk vm2, v13  }
0x195: {  	vm9 =	vmmov vm7;
	vm3 =	vmmov vm8;
	v13 =	vld [tilespmem:s2+$0xFFFFFFE0];
	v11 =	vshll.u32 v20, $0xE;
	[tilespmem:v27+s23+$0x0] =	vst.idx.msk vm1, v12  }
0x196: {  	v12 =	vshll.u32 v30, $0xE;
	v9 =	vld [tilespmem:s0+$0x10];
	[tilespmem:v28+s23+$0x0] =	vst.idx.msk vm0, v8;
	v8 =	vor.u32 v30, v11  }
0x197: {  	v12 =	vor.u32 v20, v12;
	v14 =	vshll.u32 v23, $0xE;
	v11 =	vld [tilespmem:s2+$0x10];
	[tilespmem:v22+s23+$0x0] =	vst.idx.msk vm4, v6;
	v6 =	vmov v23  }
0x198: {  	v20 =	vsub.s32 v20, v1;
	v15 =	vor.u32 v25, v14;
	v14 =	vshll.u32 v25, $0xE;
	[tilespmem:v19+s23+$0x0] =	vst.idx.msk vm5, v21  }
0x199: {  	v21 =	vsub.s32 v30, v1;
	v22 =	vsub.s32 v6, v1;
	v19 =	vsub.s32 v7, v1  }
0x19a: {  	v23 =	vsub.s32 v25, v1;
	vm2 =	vlt.u32 v19, v0;
	v19 =	vsub.s32 v13, v1  }
0x19b: {  	v24 =	vmpcnt.ones.xlane vm2;
	vm1 =	vlt.u32 v19, v0;
	v19 =	vsub.s32 v9, v1;
	(xrf0) =	vadd.scan.msk.s32 vm2, v3  }
0x19c: {  	vm0 =	vlt.u32 v20, v0;
	v25 =	vmpcnt.ones.xlane vm1;
	v26 =	vsub.s32 v11, v1;
	(xrf0) =	vadd.scan.msk.s32 vm1, v3  }
0x19d: {  	v20 =	vmpcnt.ones.xlane vm0;
	vm6 =	vlt.u32 v21, v0;
	v24 =	vadd.s32 v17, v24;
	(xrf0) =	vadd.scan.msk.s32 vm0, v3  }
0x19e: {  	vm7 =	vlt.u32 v22, v0;
	v28 =	vadd.s32 v24, v25;
	v25 =	vmpcnt.ones.xlane vm6;
	(xrf0) =	vadd.scan.msk.s32 vm6, v3  }
0x19f: {  	vm8 =	vlt.u32 v23, v0;
	v29 =	vmpcnt.ones.xlane vm7;
	v21 =	vadd.s32 v28, v20;
	(xrf0) =	vadd.scan.msk.s32 vm7, v3  }
.Ltmp16:
0x1a0: {  	v23 =	vmpcnt.ones.xlane vm8;
	vm4 =	vlt.u32 v19, v0;
	v20 =	vadd.s32 v21, v25;
	(xrf0) =	vadd.scan.msk.s32 vm8, v3;
	(pc) =	sbr.rel @p0 .LBB2_17-.Ltmp16, $4  }
0x1a1: {  	vm5 =	vlt.u32 v26, v0;
	v25 =	vmpcnt.ones.xlane vm4;
	v19 =	vadd.s32 v20, v29;
	v22, _, _ =	vpop (xrf0);
	(xrf0) =	vadd.scan.msk.s32 vm4, v3  }
0x1a2: {  	v26 =	vadd.s32 v22, v17;
	v23 =	vadd.s32 v19, v23;
	v17 =	vmpcnt.ones.xlane vm5;
	v27, _, _ =	vpop (xrf0);
	(xrf0) =	vadd.scan.msk.s32 vm5, v3  }
0x1a3: {  	v22 =	vshll.u32 v7, $0xE;
	v27 =	vadd.s32 v27, v24;
	v25 =	vadd.s32 v23, v25;
	v29, _, _ =	vpop (xrf0);
	[tilespmem:v18+s23+$0x0] =	vst.idx.msk vm10, v32  }
0x1a4: {  	v24 =	vshll.u32 v13, $0xE;
	v28 =	vadd.s32 v29, v28;
	v17 =	vadd.s32 v25, v17;
	v29, _, _ =	vpop (xrf0);
	[tilespmem:v31+s23+$0x0] =	vst.idx.msk vm9, v33  }
0x1a5: {  	_ = 	snop  }
0x1a6: {  	v26 =	vadd.s32 $0xFFFFFFFF, v26  }
0x1a7: {  	v49 =	vadd.s32 $0xFFFFFFFF, v28  }
0x1a8: {  	v18, _, _ =	vpop (xrf0);
	v21 =	vadd.s32 v29, v21;
	v27 =	vadd.s32 $0xFFFFFFFF, v27  }
0x1a9: {  	v30, _, _ =	vpop (xrf0);
	v18 =	vadd.s32 v18, v20;
	v54 =	vadd.s32 $0xFFFFFFFF, v21  }
0x1aa: {  	[tilespmem:v10+s23+$0x0] =	vst.idx.msk vm3, v16;
	v52 =	vor.u32 v13, v22;
	v48, _, _ =	vpop (xrf0);
	v55 =	vadd.s32 v30, v19;
	v18 =	vadd.s32 $0xFFFFFFFF, v18  }
0x1ab: {  	v23 =	vadd.s32 v48, v23;
	v50, _, _ =	vpop (xrf0);
	v10 =	vadd.s32 $0xFFFFFFFF, v55;
	[tilespmem:v26+s23+$0x0] =	vst.idx.msk vm2, v52  }
0x1ac: {  	v7 =	vor.u32 v7, v24;
	v23 =	vadd.s32 $0xFFFFFFFF, v23;
	v25 =	vadd.s32 v50, v25;
	[tilespmem:v49+s23+$0x0] =	vst.idx.msk vm0, v8  }
0x1ad: {  	v53 =	vadd.s32 $0xFFFFFFFF, v25;
	[tilespmem:v27+s23+$0x0] =	vst.idx.msk vm1, v7  }
0x1ae: {  	[tilespmem:v54+s23+$0x0] =	vst.idx.msk vm6, v12  }
0x1af: {  	v51 =	vshll.u32 v9, $0xE;
	v6 =	vor.u32 v6, v14;
	[tilespmem:v18+s23+$0x0] =	vst.idx.msk vm7, v15  }
0x1b0: {  	v56 =	vor.u32 v11, v51;
	v7 =	vshll.u32 v11, $0xE;
	[tilespmem:v10+s23+$0x0] =	vst.idx.msk vm8, v6  }
0x1b1: {  	v7 =	vor.u32 v9, v7;
	[tilespmem:v23+s23+$0x0] =	vst.idx.msk vm4, v56  }
0x1b2: {  	[tilespmem:v53+s23+$0x0] =	vst.idx.msk vm5, v7  }
0x1b3: {  	v6 =	vld [tilespmem:$0x1E6F0]  }
0x1b4: {  	v7 =	vld [tilespmem:$0x1EEC0];
	_ =	sdelay $0x3  }
0x1b5: {  	v57 =	vsub.s32 v6, v1  }
0x1b6: {  	v58 =	vsub.s32 v7, v1;
	vm15 =	vlt.u32 v57, v0  }
0x1b7: {  	vm1 =	vlt.u32 v58, v0;
	v59 =	vmpcnt.ones.xlane vm15  }
0x1b8: {  	v8 =	vmpcnt.ones.xlane vm1  }
0x1b9: {  	v9 =	vadd.s32 v17, v59  }
0x1ba: {  	(xrf0) =	vadd.scan.msk.s32 vm15, v3;
	v8 =	vadd.s32 v9, v8  }
0x1bb: {  	(xrf0) =	vadd.scan.msk.s32 vm1, v3;
	v8 =	vxor.u32 $0x80000000, v8  }
0x1bc: {  	(xrf0) =	vmax.scan.msk.u32 $0xffff, v8;
	_ =	sdelay $0x3  }
0x1bd: {  	v60, _, _ =	vpop (xrf0)  }
0x1be: {  	v61, _, _ =	vpop (xrf0)  }
0x1bf: {  	v62, _, _ =	vpop (xrf0)  }
0x1c0: {  	(v2sf) =	vpush v62, $0xF;
	_ =	sdelay $0xe  }
0x1c1: {  	s2 =	spop (v2sf)  }
0x1c2: {  	s0 =	sadd.s32 $0x8000000F, s2  }
0x1c3: {  	s26 =	sand.u32 $0xF, s0  }
0x1c4: {  	p1 =	slt.s32 s0, $0x1;
	p0 =	sne.s32 s26, $0x0;
	s26 =	sshra.s32 s0, $0x1F  }
0x1c5: {  	s26 =	sshrl.u32 s26, $0x1C;
	p0 =	por !p1, !p0  }
0x1c6: {  	s0 =	sadd.s32 s26, s0;
	p0 =	por !p0, !p0;
	s26 =	simm.s32 $0x1  }
0x1c7: {  	v8 =	vadd.s32 v60, v17;
	s0 =	sshra.s32 s0, $0x4;
	s26 =	simm.s32 @!p0 $0x0  }
0x1c8: {  	v8 =	vadd.s32 $0xFFFFFFFF, v8;
	v9 =	vadd.s32 v61, v9;
	s0 =	ssub.s32 s0, s26  }
0x1c9: {  	v9 =	vadd.s32 $0xFFFFFFFF, v9;
	p0 =	slt.s32 s0, $0x1  }
.Ltmp17:
0x1ca: {  	_ = 	snop;
	(pc) =	sbr.rel @p0 .LBB2_24-.Ltmp17, $4  }
0x1cb: {  	v63 =	vshll.u32 v6, $0xE  }
0x1cc: {  	v10 =	vor.u32 v7, v63;
	v7 =	vshll.u32 v7, $0xE  }
0x1cd: {  	v6 =	vor.u32 v6, v7;
	[tilespmem:v8+s23+$0x0] =	vst.idx.msk vm15, v10  }
0x1ce: {  	vm12 =	vmmov vm6;
	vm13 =	vmmov vm7;
	vm14 =	vmmov vm8;
	[tilespmem:v9+s23+$0x0] =	vst.idx.msk vm1, v6  }
.Ltmp18:
0x1cf: {  	(pc) =	sbr.rel .LBB2_20-.Ltmp18, $3  }
0x1d0: {  	_ =	sdelay $0x1  }
0x1d1: {  	s2 =	sxor.u32 $0x80000000, s2  }
0x1d2: {  	v6 =	vmov s2;
	s2 =	simm.s32 $0x0  }
.LBB2_22:
0x1d3: {  	_ =	sdelay $0x4  }
0x1d4: {  	v9 =	vld.idx.msk [tilespmem:v9+s4+$0x0], vm0;
	_ =	sdelay $0x4  }
0x1d5: {  	vm0 =	veq.f32 v9, $0.0e+00  }
0x1d6: {  	vm0 =	vmand vm1, vm0  }
0x1d7: {  	(xrf1) =	vunique.msk.u32 vm0, v8;
	_ =	sdelay $0x8  }
0x1d8: {  	(xrf0) =	vadd.scan.msk.s32 vm0, v3;
	_ =	sdelay $0x4  }
0x1d9: {  	_, v62, vm15 =	vpop (xrf1)  }
0x1da: {  	v11 =	vadd.s32 $0xFFFFFFFF, v5;
	v10, _, _ =	vpop (xrf0);
	vm1 =	vmand vm0, vm15  }
0x1db: {  	s2 =	sadd.s32 $0x1, s2;
	v10 =	vadd.s32 v10, v11  }
0x1dc: {  	p0 =	sne.s32 s2, s0;
	v10 =	vand.u32 $0xFFF, v10  }
.Ltmp19:
0x1dd: {  	_ = 	snop;
	(pc) =	sbr.rel @!p0 .LBB2_23-.Ltmp19, $4  }
0x1de: {  	_ = 	snop  }
0x1df: {  	v63 =	vmpcnt.ones.xlane vm0  }
0x1e0: {  	[tilespmem:v8+s15+$0x0] =	vst.idx.add.s32.msk vm1, v62  }
0x1e1: {  	v5 =	vadd.s32 v5, v63;
	[tilespmem:v10+s16+$0x0] =	vst.idx.msk vm0, v7  }
.LBB2_20:
0x1e2: {  	s26 =	sshll.u32 s2, $0x4  }
0x1e3: {  	v7 =	vld [tilespmem:s26+$0x1AE50];
	_ =	sdelay $0x3  }
0x1e4: {  	v8 =	vor.u32 s26, v2  }
0x1e5: {  	vm0 =	vlt.s32 v8, v6;
	v8 =	vshra.s32 v7, $0xE  }
0x1e6: {  	(xrf1) =	vunique.msk.u32 vm0, v7;
	v8 =	vsub.s32 v8, v1  }
0x1e7: {  	v9 =	vand.u32 $0x3FFF, v7;
	v8 =	vnsel vm0, $0x0, v8  }
0x1e8: {  	v9 =	vnsel vm0, $0x0, v9;
	v10 =	vmul.u32 $0x139, v8  }
0x1e9: {  	v11 =	vshrl.u32 v9, $0x5  }
0x1ea: {  	v10 =	vadd.s32 v11, v10;
	_ =	sdelay $0x4  }
0x1eb: {  	v12 =	vld.idx.msk [tilespmem:v10+s14+$0x0], vm0;
	_ =	sdelay $0x2  }
0x1ec: {  	v11 =	vand.u32 $0x1F, v9  }
0x1ed: {  	v11 =	vshll.u32 v3, v11  }
0x1ee: {  	_, v13, _ =	vpop (xrf1);
	v12 =	vand.u32 v12, v11  }
0x1ef: {  	vm1 =	veq.s32 v13, $0x1;
	vm2 =	veq.s32 v12, $0x0  }
0x1f0: {  	vm1 =	vmand vm1, vm2  }
0x1f1: {  	vm1 =	vmand vm0, vm1  }
0x1f2: {  	v12 =	vsel vm1, $0x1, v4  }
0x1f3: {  	v13 =	vor.u32 $0x80000000, v12  }
0x1f4: {  	(xrf0) =	vmax.scan.msk.u32 $0xffff, v13;
	_ =	sdelay $0x5  }
0x1f5: {  	v13, _, _ =	vpop (xrf0)  }
0x1f6: {  	(v2sf) =	vpush v13, $0xF;
	_ =	sdelay $0xe  }
0x1f7: {  	s31 =	spop (v2sf)  }
0x1f8: {  	p0 =	slt.u32 s31, $0x80000001  }
.Ltmp20:
0x1f9: {  	_ = 	snop;
	(pc) =	sbr.rel @p0 .LBB2_22-.Ltmp20, $1  }
0x1fa: {  	_ =	sdelay $0x3  }
.LBB2_21:
0x1fb: {  	vm2 =	vne.s32 v12, $0x0  }
0x1fc: {  	(xrf1) =	vunique.msk.u32 vm2, v10;
	_ =	sdelay $0xd  }
0x1fd: {  	_, v13, _ =	vpop (xrf1)  }
0x1fe: {  	vm3 =	veq.s32 v13, $0x1  }
0x1ff: {  	v12 =	vsel vm3, $0x0, v12  }
0x200: {  	v13 =	vor.u32 $0x80000000, v12  }
0x201: {  	(xrf0) =	vmax.scan.msk.u32 $0xffff, v13;
	_ =	sdelay $0x5  }
0x202: {  	v13, _, _ =	vpop (xrf0)  }
0x203: {  	(v2sf) =	vpush v13, $0xF;
	_ =	sdelay $0xe  }
0x204: {  	vm2 =	vmand vm2, vm3;
	s26 =	spop (v2sf)  }
0x205: {  	p0 =	sgt.u32 s26, $0x80000000  }
.Ltmp21:
0x206: {  	_ = 	snop;
	(pc) =	sbr.rel @p0 .LBB2_21-.Ltmp21, $2  }
0x207: {  	_ =	sdelay $0x2  }
0x208: {  	[tilespmem:v10+s14+$0x0] =	vst.idx.add.s32.msk vm2, v11  }
.Ltmp22:
0x209: {  	_ = 	snop;
	(pc) =	sbr.rel .LBB2_22-.Ltmp22, $1  }
0x20a: {  	_ =	sdelay $0x3  }
.LBB2_23:
0x20b: {  	v6 =	vxor.u32 $0x80000000, v5  }
0x20c: {  	(xrf0) =	vmax.scan.msk.u32 $0xffff, v6;
	_ =	sdelay $0x5  }
0x20d: {  	v6, _, _ =	vpop (xrf0)  }
0x20e: {  	(v2sf) =	vpush v6, $0xF;
	_ =	sdelay $0xe  }
0x20f: {  	s0 =	spop (v2sf)  }
0x210: {  	s31 =	sxor.u32 $0x80000000, s0  }
.LBB2_24:
0x211: {  	s0 =	ssub.s32 s31, s29  }
0x212: {  	p0 =	slt.s32 s0, $0x200  }
.Ltmp23:
0x213: {  	_ = 	snop;
	(pc) =	sbr.rel @p0 .LBB2_29-.Ltmp23, $1  }
0x214: {  	_ =	sdelay $0x3  }
0x215: {  	s0 =	sadd.s32 $0xFFFFFE00, s0  }
0x216: {  	p1 =	sgt.s32 s0, $0x1FF  }
.Ltmp24:
0x217: {  	_ = 	snop;
	(pc) =	sbr.rel @!p1 .LBB2_28-.Ltmp24, $2  }
0x218: {  	_ =	sdelay $0x2  }
0x219: {  	p0 =	por $0x0, $0x0  }
0x21a: {  	s0 =	sadd.s32 $0xFFFFFE00, s0  }
0x21b: {  	s2 =	sadd.s32 s29, s12;
	p1 =	sgt.s32 s0, $0x1FF  }
.Ltmp25:
0x21c: {  	s26 =	sand.u32 $0xE00, s29;
	s2 =	sshrl.u32 s2, $0x3;
	(pc) =	sbr.rel @!p1 .LBB2_28-.Ltmp25, $4  }
0x21d: {  	s26 =	sadd.s32 $0x1BE10, s26;
	s2 =	sadd.s32 s7, s2  }
0x21e: {  	[hbm4b:s2+s4] =	stream.linear.scatter [tilespmem:s26], [sflag:$0x5], $0x200, $0x38;
	[tilespmem:$0x1EF50] =	vst v63  }
0x21f: {  	_ =	swait.ge [sflag:s13], $0x200  }
0x220: {  	s29 =	sadd.s32 $0x200, s29;
	p0 =	por $0x1, $0x1;
	[sflag:s13] =	ssyncset.done $0x0  }
.LBB2_27:
0x221: {  	s0 =	sadd.s32 $0xFFFFFE00, s0  }
0x222: {  	s2 =	sadd.s32 s29, s12;
	[sflag:s13] =	ssyncadd.s32 $0xFFFFFE00;
	p1 =	sgt.s32 s0, $0x1FF  }
.Ltmp26:
0x223: {  	s26 =	sand.u32 $0xE00, s29;
	s2 =	sshrl.u32 s2, $0x3;
	(pc) =	sbr.rel @p1 .LBB2_27-.Ltmp26, $4  }
0x224: {  	s26 =	sadd.s32 $0x1BE10, s26;
	s2 =	sadd.s32 s7, s2  }
0x225: {  	[hbm4b:s2+s4] =	stream.linear.scatter [tilespmem:s26], [sflag:$0x5], $0x200, $0x38;
	[tilespmem:$0x1EF50] =	vst v63  }
0x226: {  	_ =	swait.ge [sflag:s13], $0x200  }
0x227: {  	s29 =	sadd.s32 $0x200, s29;
	[sflag:s13] =	ssyncset.done $0x0  }
.Ltmp27:
0x228: {  	_ = 	snop;
	(pc) =	sbr.rel .LBB2_28-.Ltmp27, $1  }
0x229: {  	_ =	sdelay $0x3  }
.LBB2_31:
0x22a: {  	_ =	sfence.sel $0x180000  }
0x22b: {  	[bflag:$0x0] =	sbarrier.arrive $0xFFFF  }
0x22c: {  	_ =	strace $0x90000047  }
0x22d: {  	s0 =	stileid.u32;
	[bflag:$0x2] =	sbarrier.arrive $0xFFFF  }
0x22e: {  	p0 =	sne.s32 s0, $0x0;
	s0 =	rddreg [dreg:$0x2]  }
0x22f: {  	s0 =	sadd.s32 @!p0 $0x100000, s0  }
0x230: {  	[sflag:s0] =	ssyncadd.tile.s32 @!p0 $0x1;
	_ =	shalt  }
.Lfunc_end2:
_tile_overlayer_lowered:
.L_overlay_start_2:
0x231: {  	(tag) =	ssettag $0x2  }
0x232: {  	s0 =	rddreg [dreg:$0x0];
	s2 =	stileid.u32  }
0x233: {  	s1 =	rddreg [dreg:$0x1];
	p0 =	sne.s32 s2, $0x0  }
0x234: {  	s3 =	rddreg [dreg:$0x2];
	[bflag:$0x3] =	sbarrier.arrive $0xFFFF;
	s2 =	simm.s32 @!p0 $0x1C05  }
0x235: {  	[timem:s3], [sflag:s2] =	dma.local @!p0 [hbm:s0], s1  }
0x236: {  	s0 =	simm.s32 @!p0 $0x5  }
0x237: {  	_ =	swait.ge @!p0 [sflag:s0], s1  }
0x238: {  	s1 =	ssub.s32 @!p0 $0x0, s1;
	[sflag:s0] =	ssyncset.done @!p0 $0x0  }
0x239: {  	[sflag:s0] =	ssyncadd.s32 @!p0 s1  }
0x23a: {  	[bflag:$0x3] =	sbarrier.arrive $0xFFFF  }
0x23b: {  	_ =	shalt  }

// kernel: kernel.7.cloned.1.call-start
scs
__scs_entry_jumppad:
0x0: {  	(pc) =	sbr.rel $0x88, $3  }
0x1: {  	(tag) =	ssettag $0x0;
	lr =	simm.s32 $0x1  }
0x2: {  	[smem:$0x3F9F] =	sst lr;
	_ =	strace $0xD0000000  }
0x3: {  	_ = 	snop  }
0x4: {  	_ = 	snop  }
0x5: {  	_ = 	snop  }
0x6: {  	_ = 	snop  }
0x7: {  	_ = 	snop  }
__scs_overlays_trampoline_lowered:
0x8: {  	[smem:$0x3FAE] =	sst s0  }
0x9: {  	[smem:$0x3FAF] =	sst s1  }
0xa: {  	[smem:$0x3FB0] =	sst s2  }
0xb: {  	[smem:$0x3FB1] =	sst s3  }
0xc: {  	[smem:$0x3FB2] =	sst s4  }
0xd: {  	[smem:$0x3FB3] =	sst s5  }
0xe: {  	[smem:$0x3FB4] =	sst s6  }
0xf: {  	[smem:$0x3FB5] =	sst s7  }
0x10: {  	[smem:$0x3FB6] =	sst s8  }
0x11: {  	[smem:$0x3FB7] =	sst s9;
	s0 =	simm.s32 @!p0 $0x0  }
0x12: {  	s1 =	sld [smem:$0x3F9D];
	s0 =	simm.s32 @p0 $0x1  }
0x13: {  	[smem:$0x3FB8] =	sst s0;
	s0 =	simm.s32 @!p1 $0x0  }
0x14: {  	s2 =	sld [smem:$0x3F9C];
	s0 =	simm.s32 @p1 $0x1  }
0x15: {  	[smem:$0x3FB9] =	sst s0;
	s0 =	simm.s32 @!p2 $0x0  }
0x16: {  	s3 =	sld [smem:$0x3FDB];
	s0 =	simm.s32 @p2 $0x1  }
0x17: {  	s4 =	simm.s32 $0x1BF5;
	[smem:$0x3FBB] =	sst s0  }
0x18: {  	s0 =	sld [smem:$0x3F9E];
	_ =	swait.ge [sflag:s4], $0x0  }
0x19: {  	s7 =	sld [smem:$0x3F9F]  }
0x1a: {  	s8 =	sadd.s32 $0xFFFFE003, lr  }
0x1b: {  	s9 =	sadd.s32 $0xFFFFFEF7, lr;
	s5 =	simm.s32 $0xFFFFFFFF;
	p2 =	slt.u32 s8, $0xFFFFF086  }
0x1c: {  	p1 =	slt.u32 s9, $0xF7A;
	s5 =	simm.s32 @!p2 $0x0  }
0x1d: {  	s5 =	simm.s32 @p1 $0x1;
	p0 =	seq.s32 s7, s2  }
0x1e: {  	s7 =	smul.u32 @!p0 $0xF7A, s2;
	p2 =	seq.s32 @!p0 s5, $0x0  }
0x1f: {  	s9 =	smul.u32 $0xF7A, s1;
	s8 =	simm.s32 @!p0 $0x1BF5;
	p2 =	por !p2, p0  }
0x20: {  	[sflag:s8] =	ssyncset.s32 @!p0 $0xFFFFF086;
	s6 =	sadd.s32 @!p0 s3, s7;
	s7 =	simm.s32 @!p0 $0x108  }
0x21: {  	s3 =	sadd.s32 s3, s9;
	s6 =	sadd.s32 @!p0 $0x88, s6;
	s7 =	simm.s32 @p2 $0x1082  }
0x22: {  	[simem:s7], [sflag:s8] =	dma.local @!p0 [hbm:s6], $0xF7A  }
0x23: {  	s9 =	sor.u32 $0xD0000000, s2;
	s6 =	simm.s32 $0x108;
	_ =	swait.ge @!p0 [sflag:s8], $0x0  }
0x24: {  	s3 =	sadd.s32 $0x88, s3;
	s6 =	simm.s32 @!p1 $0x1082;
	[sflag:s4] =	ssyncset.s32 $0xFFFFF086  }
0x25: {  	[simem:s6], [sflag:s4] =	dma.local [hbm:s3], $0xF7A  }
0x26: {  	[smem:$0x3F9F] =	sst s1;
	(tag) =	ssettag s2;
	_ =	strace s9  }
0x27: {  	s1 =	sld [smem:$0x3FAF]  }
0x28: {  	s2 =	sld [smem:$0x3FB0]  }
0x29: {  	s4 =	sld [smem:$0x3FB2]  }
0x2a: {  	p0 =	seq.s32 s5, $0x0;
	s5 =	sld [smem:$0x3FB3]  }
0x2b: {  	s6 =	sld [smem:$0x3FB4]  }
0x2c: {  	s7 =	sld [smem:$0x3FB5]  }
0x2d: {  	s3 =	simm.s32 $0x108;
	s8 =	sld [smem:$0x3FB6]  }
0x2e: {  	s3 =	simm.s32 @!p0 $0x1082;
	s9 =	sld [smem:$0x3FB7]  }
0x2f: {  	lr =	sadd.s32 s0, s3;
	s0 =	sld [smem:$0x3FAE]  }
0x30: {  	s3 =	sld [smem:$0x3FB1]  }
0x31: {  	[smem:$0x3FBA] =	sst s10  }
0x32: {  	s10 =	sld [smem:$0x3FB8];
	_ =	sdelay $0x3  }
0x33: {  	p0 =	seq.s32 s10, $0x1;
	s10 =	sld [smem:$0x3FBA];
	_ =	sdelay $0x3  }
0x34: {  	[smem:$0x3FBA] =	sst s10  }
0x35: {  	s10 =	sld [smem:$0x3FB9];
	_ =	sdelay $0x3  }
0x36: {  	p1 =	seq.s32 s10, $0x1;
	s10 =	sld [smem:$0x3FBA];
	_ =	sdelay $0x3  }
0x37: {  	[smem:$0x3FBA] =	sst s10  }
0x38: {  	s10 =	sld [smem:$0x3FBB]  }
0x39: {  	_ = 	snop;
	(pc) =	sbr.ind lr, $3  }
0x3a: {  	_ = 	snop  }
0x3b: {  	_ = 	snop  }
0x3c: {  	p2 =	seq.s32 s10, $0x1;
	s10 =	sld [smem:$0x3FBA]  }
0x3d: {  	_ =	shalt  }
0x3e: {  	_ =	shalt  }
0x3f: {  	_ =	shalt  }
0x40: {  	_ =	shalt  }
0x41: {  	_ =	shalt  }
0x42: {  	_ =	shalt  }
0x43: {  	_ =	shalt  }
0x44: {  	_ =	shalt  }
0x45: {  	_ =	shalt  }
0x46: {  	_ =	shalt  }
0x47: {  	_ =	shalt  }
0x48: {  	_ =	shalt  }
0x49: {  	_ =	shalt  }
0x4a: {  	_ =	shalt  }
0x4b: {  	_ =	shalt  }
0x4c: {  	_ =	shalt  }
0x4d: {  	_ =	shalt  }
0x4e: {  	_ =	shalt  }
0x4f: {  	_ =	shalt  }
0x50: {  	_ =	shalt  }
0x51: {  	_ =	shalt  }
0x52: {  	_ =	shalt  }
0x53: {  	_ =	shalt  }
0x54: {  	_ =	shalt  }
0x55: {  	_ =	shalt  }
0x56: {  	_ =	shalt  }
0x57: {  	_ =	shalt  }
0x58: {  	_ =	shalt  }
0x59: {  	_ =	shalt  }
0x5a: {  	_ =	shalt  }
0x5b: {  	_ =	shalt  }
0x5c: {  	_ =	shalt  }
0x5d: {  	_ =	shalt  }
0x5e: {  	_ =	shalt  }
0x5f: {  	_ =	shalt  }
0x60: {  	_ =	shalt  }
0x61: {  	_ =	shalt  }
0x62: {  	_ =	shalt  }
0x63: {  	_ =	shalt  }
0x64: {  	_ =	shalt  }
0x65: {  	_ =	shalt  }
0x66: {  	_ =	shalt  }
0x67: {  	_ =	shalt  }
0x68: {  	_ =	shalt  }
0x69: {  	_ =	shalt  }
0x6a: {  	_ =	shalt  }
0x6b: {  	_ =	shalt  }
0x6c: {  	_ =	shalt  }
0x6d: {  	_ =	shalt  }
0x6e: {  	_ =	shalt  }
0x6f: {  	_ =	shalt  }
0x70: {  	_ =	shalt  }
0x71: {  	_ =	shalt  }
0x72: {  	_ =	shalt  }
0x73: {  	_ =	shalt  }
0x74: {  	_ =	shalt  }
0x75: {  	_ =	shalt  }
0x76: {  	_ =	shalt  }
0x77: {  	_ =	shalt  }
0x78: {  	_ =	shalt  }
0x79: {  	_ =	shalt  }
0x7a: {  	_ =	shalt  }
0x7b: {  	_ =	shalt  }
0x7c: {  	_ =	shalt  }
0x7d: {  	_ =	shalt  }
0x7e: {  	_ =	shalt  }
0x7f: {  	_ =	shalt  }
0x80: {  	_ =	shalt  }
0x81: {  	_ =	shalt  }
0x82: {  	_ =	shalt  }
0x83: {  	_ =	shalt  }
0x84: {  	_ =	shalt  }
0x85: {  	_ =	shalt  }
0x86: {  	_ =	shalt  }
0x87: {  	_ =	shalt  }
.Lfunc_end0:
.L_simem_size_0:
called_computation.1_lowered:
.L_overlay_start_0:
0x88: {  	s2 =	sld [smem:$0x3FD9]  }
0x89: {  	s3 =	sld [smem:$0x3FFE];
	_ =	sdelay $0x1  }
0x8a: {  	s1 =	srdreg.scid  }
0x8b: {  	s0 =	sand.u32 $0x1, s1  }
0x8c: {  	s17 =	sshll.u32 s0, $0xA;
	s2 =	sadd.s32 s3, s2  }
0x8d: {  	s2 =	sadd.s32 s2, s17  }
0x8e: {  	[smem:$0x3FC6] =	sst s2  }
0x8f: {  	_ = 	snop  }
0x90: {  	s2 =	sld [smem:$0x3FC9]  }
0x91: {  	s18 =	sld [smem:$0x3FD0];
	(tm) =	ssettm $0x1  }
0x92: {  	s4 =	sld [smem:$0x3FFB];
	_ =	sdelay $0x3  }
0x93: {  	_ =	strace s4  }
0x94: {  	s4 =	sld [smem:$0x3FFC];
	_ =	sdelay $0x3  }
0x95: {  	_ =	strace s4  }
0x96: {  	s4 =	sld [smem:$0x3FFD];
	_ =	sdelay $0x3  }
0x97: {  	_ =	strace s4  }
0x98: {  	_ =	strace $0x8FFFFFFF  }
0x99: {  	s19 =	sld [smem:$0x3FDB];
	_ =	sdelay $0x1  }
0x9a: {  	s5 =	simm.s32 $_scs_section_size  }
0x9b: {  	s6 =	simm.s32 $_size__tile_overlayer_lowered;
	s7 =	simm.s32 $_tile_overlayer_lowered  }
0x9c: {  	s22 =	simm.s32 $0x1BFF;
	s21 =	sshll.u32 s7, $0x1;
	s4 =	sadd.s32 s5, s19  }
0x9d: {  	s8 =	simm.s32 $0x0;
	s20 =	sshll.u32 s6, $0x1;
	s6 =	sadd.s32 s21, s4  }
0x9e: {  	[timem:s8], [sflag:s22] =	dma.local [hbm:s6], s20  }
0x9f: {  	_ =	swait.ge [sflag:s22], s20  }
0xa0: {  	s5 =	ssub.s32 $0x0, s20;
	[sflag:s22] =	ssyncset.done $0x0  }
0xa1: {  	[sflag:s22] =	ssyncadd.s32 s5;
	_ =	sdelay $0x1  }
0xa2: {  	s23 =	simm.s32 $0x1B8B  }
0xa3: {  	_ =	swait.ge [sflag:s23], $0x1  }
0xa4: {  	[sflag:s23] =	ssyncset.done $0x0  }
0xa5: {  	s25 =	simm.s32 $0x1B8E;
	s24 =	sld [smem:$0x3FFE];
	[sflag:s23] =	ssyncadd.s32 $0xFFFFFFFF  }
0xa6: {  	s26 =	simm.s32 $execute0_lowered;
	[smem:$0x3FD2] =	sst s25  }
0xa7: {  	s6 =	sshll.u32 s26, $0x1;
	_ =	strace $0x80000049;
	[dreg:$0x1] =	wrdreg $0xFFFFFFFF  }
0xa8: {  	s28 =	simm.s32 $_size_execute0_lowered;
	s4 =	sadd.s32 s4, s6;
	[dreg:$0x0] =	wrdreg $0x0  }
0xa9: {  	s6 =	sshll.u32 s28, $0x1;
	[dreg:$0x2] =	wrdreg s4  }
0xaa: {  	[dreg:$0x3] =	wrdreg s6  }
0xab: {  	[dreg:$0x4] =	wrdreg $0xC0  }
0xac: {  	_ =	task [dreg:s8], $0x5FFFF  }
0xad: {  	[dreg:$0x1] =	wrdreg $0xFFFFFFFF  }
0xae: {  	[dreg:$0x0] =	wrdreg $0x60  }
0xaf: {  	[dreg:$0x2] =	wrdreg s2  }
0xb0: {  	[dreg:$0x3] =	wrdreg s24  }
0xb1: {  	[dreg:$0x4] =	wrdreg s18  }
0xb2: {  	[dreg:$0x5] =	wrdreg $0x152000  }
0xb3: {  	[dreg:$0x6] =	wrdreg $0x9  }
0xb4: {  	_ =	task.clear_ibuf [dreg:s8], $0x7FFFF;
	_ =	strace $0x90000049  }
0xb5: {  	s29 =	simm.s32 $0x9;
	_ =	strace $0x8000004B  }
0xb6: {  	_ =	swait.ge [sflag:s29], $0x1  }
0xb7: {  	[sflag:s29] =	ssyncadd.s32 $0xFFFFFFFF  }
0xb8: {  	_ =	strace $0x9000004B  }
0xb9: {  	_ =	sfence  }
0xba: {  	s30 =	sld [smem:$0x0];
	_ =	sdelay $0x2  }
0xbb: {  	s31 =	sshll.u32 s1, $0xD;
	s1 =	sshrl.u32 s1, $0x2  }
0xbc: {  	s3 =	sand.u32 $0x4000, s31;
	s1 =	sadd.s32 s1, s30  }
0xbd: {  	s0 =	sor.u32 s3, s0;
	s1 =	sshll.u32 s1, $0x11  }
0xbe: {  	s0 =	sor.u32 s1, s0  }
0xbf: {  	s0 =	sadd.s32 $0x8F2B, s0  }
0xc0: {  	[sflag:s0] =	ssyncadd.remote.s32 $0x1  }
0xc1: {  	_ =	sfence.sel $0xFFFF  }
0xc2: {  	[dreg:$0x0] =	wrdreg $0xFFFFFFFF;
	(pc) =	sbr.abs _section_cstart, $3  }
0xc3: {  	[dreg:$0x1] =	wrdreg $0xFFFFFFFF  }
0xc4: {  	_ =	task.clear_ibuf [dreg:s8], $0x2FFFF;
	_ =	strace $0x9FFFFFFF  }
0xc5: {  	(tm) =	ssettm $0x7FFFFFFF  }
tec
execute0_lowered:
.L_overlay_start_1:
0x0: {  	(tag) =	ssettag $0x1  }
0x1: {  	s1 =	rddreg [dreg:$0x0]  }
0x2: {  	s2 =	rddreg [dreg:$0x1]  }
0x3: {  	s0 =	rddreg [dreg:$0x2]  }
0x4: {  	s4 =	rddreg [dreg:$0x3]  }
0x5: {  	s5 =	simm.s32 $0x0;
	s3 =	srdreg.scid;
	s12 =	stileid.u32  }
0x6: {  	s23 =	simm.s32 $0x15000;
	s24 =	simm.s32 $0x800;
	s28 =	simm.s32 $0x0  }
0x7: {  	s3 =	sand.u32 $0x1, s3;
	s6 =	sshll.u32 s12, $0x1;
	s25 =	smul.u32 $0x2A000, s12  }
0x8: {  	[smem:$0x7FF] =	sst s5;
	s19 =	smul.u32 $0x150, s12;
	s11 =	sor.u32 s3, s6  }
0x9: {  	s29 =	sshll.u32 s12, $0x6;
	_ =	strace $0x8000004A;
	s8 =	smul.u32 $0x30, s11  }
0xa: {  	s6 =	sadd.s32 $0x8800, s2;
	s3 =	ssub.s32 $0x2, s3;
	s16 =	smul.u32 $0x140, s11  }
0xb: {  	s7 =	sshll.u32 s11, $0x4;
	s26 =	sshrl.u32 s3, $0x1;
	s31 =	smul.u32 $0x1400, s11  }
0xc: {  	s11 =	smul.u32 $0x4E800, s11;
	s9 =	sadd.s32 s7, s2;
	s3 =	ssub.s32 s3, s26  }
0xd: {  	s7 =	sshrl.u32 s25, $0x2;
	s26 =	simm.s32 $0xB000;
	s10 =	sadd.s32 s8, s2  }
0xe: {  	s7 =	sadd.s32 s7, s4;
	s30 =	smax.u32 s16, $0x25D0;
	s8 =	sor.u32 $0x1C01, s29  }
0xf: {  	s9 =	sadd.s32 $0x142800, s9;
	s12 =	sadd.s32 s0, s31;
	s17 =	ssub.s32 $0x26C0, s30  }
0x10: {  	v2 =	vmov s19;
	s19 =	smax.u32 s3, $0x1;
	s10 =	sadd.s32 $0x142A00, s10;
	s14 =	smin.u32 s17, $0x50  }
0x11: {  	s18 =	smin.u32 s17, $0xA0;
	s20 =	sadd.s32 s16, s17;
	s21 =	sshll.u32 s17, $0x7  }
0x12: {  	s13 =	sadd.s32 s16, s14;
	s15 =	sadd.s32 s16, s18;
	s14 =	sshll.u32 s14, $0x7  }
0x13: {  	v1 =	vlaneseq.u32;
	s18 =	sshll.u32 s18, $0x7;
	s20 =	sshll.u32 s20, $0x4;
	s13 =	sshll.u32 s13, $0x4  }
0x14: {  	vm0 =	vmmov $0xffff;
	v3 =	vor.u32 $0x10, v1;
	v0 =	vmov s16;
	s15 =	sshll.u32 s15, $0x4;
	s14 =	sadd.s32 $0xB000, s14;
	s16 =	sadd.s32 $0xB000, s18  }
0x15: {  	v4 =	vor.u32 $0x20, v1;
	v5 =	vor.u32 $0x30, v1;
	v6 =	vor.u32 $0x40, v1;
	s17 =	sadd.s32 s0, s20;
	s18 =	sadd.s32 $0xB000, s21;
	s20 =	sshrl.u32 s7, $0x3  }
0x16: {  	v7 =	vor.u32 $0x50, v1;
	v8 =	vor.u32 $0x60, v1;
	v9 =	vor.u32 $0x70, v1;
	s21 =	simm.s32 $0x1;
	s13 =	sadd.s32 s0, s13;
	s15 =	sadd.s32 s0, s15  }
.LBB2_1:
0x17: {  	s0 =	rddreg [dreg:$0x1]  }
0x18: {  	[spmem:s20], [sflag:s8] =	dma.local [hbm:s0], $0x1500  }
0x19: {  	_ =	swait.ge [sflag:s21], $0x1500  }
0x1a: {  	[sflag:s21] =	ssyncset.done $0x0  }
0x1b: {  	s30 =	simm.s32 $0x15180;
	[sflag:s21] =	ssyncadd.s32 $0xFFFFEB00  }
0x1c: {  	[tilespmem:s30], [sflag:$0x1] =	stream.linear.gather [hbm4b:s9+s5], $0x80, $0x38;
	[tilespmem:$0x1FA00] =	vst v63  }
0x1d: {  	_ =	swait.ge [sflag:s21], $0x80  }
0x1e: {  	[sflag:s21] =	ssyncset.done $0x0  }
0x1f: {  	[sflag:s21] =	ssyncadd.s32 $0xFFFFFF80  }
0x20: {  	v10 =	vld [tilespmem:$0x15180];
	_ =	sdelay $0x4  }
0x21: {  	v10 =	vxor.u32 $0x80000000, v10  }
0x22: {  	(xrf0) =	vmax.scan.msk.u32 $0xffff, v10;
	_ =	sdelay $0x5  }
0x23: {  	v10, _, _ =	vpop (xrf0)  }
0x24: {  	(v2sf) =	vpush v10, $0xF;
	_ =	sdelay $0xe  }
0x25: {  	s31 =	spop (v2sf)  }
0x26: {  	s0 =	sxor.u32 $0x80000000, s31  }
0x27: {  	p0 =	slt.s32 s0, $0x1  }
.Ltmp0:
0x28: {  	_ = 	snop;
	(pc) =	sbr.rel @p0 .LBB2_6-.Ltmp0, $4  }
0x29: {  	[tilespmem:s23], [sflag:$0x1] =	stream.linear.gather [hbm4b:s10+s5], $0x180, $0x38;
	[tilespmem:$0x1FA00] =	vst v63  }
0x2a: {  	_ =	swait.ge [sflag:s21], $0x180  }
0x2b: {  	[sflag:s21] =	ssyncset.done $0x0  }
0x2c: {  	[sflag:s21] =	ssyncadd.s32 $0xFFFFFE80  }
0x2d: {  	v10 =	vmov s0;
	s3 =	simm.s32 $0x0;
	s22 =	simm.s32 $0x0  }
.LBB2_3:
0x2e: {  	s29 =	sadd.s32 s11, s22  }
0x2f: {  	s29 =	sshrl.u32 s29, $0x3  }
0x30: {  	s29 =	sadd.s32 s6, s29  }
0x31: {  	[tilespmem:s24], [sflag:$0x1] =	stream.linear.gather [hbm4b:s29+s3], $0x800, $0x38;
	[tilespmem:$0x1FA00] =	vst v63  }
0x32: {  	_ =	swait.ge [sflag:s21], $0x800  }
0x33: {  	[sflag:s21] =	ssyncset.done $0x0  }
0x34: {  	s29 =	simm.s32 $0x0;
	[sflag:s21] =	ssyncadd.s32 $0xFFFFF800  }
0x35: {  	v11 =	vld [tilespmem:s29+$0x800];
	_ =	sdelay $0x3  }
0x36: {  	v12 =	vor.u32 s22, v1  }
0x37: {  	vm1 =	vlt.s32 v12, v10;
	v63 =	vand.u32 $0x3FFF, v11  }
0x38: {  	v12 =	vnsel vm1, $0x0, v63  }
0x39: {  	v11 =	vshra.s32 v11, $0xE  }
0x3a: {  	v11 =	vsub.s32 v11, v0  }
0x3b: {  	v11 =	vnsel vm1, $0x140, v11  }
0x3c: {  	v11 =	vadd.s32 v2, v11  }
0x3d: {  	[tilespmem:s5], [sflag:$0x1] =	stream.indirect_vreg.gather [hbm4b:s1+s5], $0x80, v12, vm0, $0xb8;
	[tilespmem:$0x1FA00] =	vst v63  }
0x3e: {  	_ =	swait.ge [sflag:s21], $0x800  }
0x3f: {  	[sflag:s21] =	ssyncset.done $0x0  }
0x40: {  	[sflag:s21] =	ssyncadd.s32 $0xFFFFF800  }
0x41: {  	[spmem:s4] =	stream.indirect_vreg.scatter.add.f32 [tilespmem:s5], [sflag:$0x1], $0x80, v11, vm0, $0xb8;
	[tilespmem:$0x1FA00] =	vst v63  }
0x42: {  	s30 =	simm.s32 $0x40;
	_ =	swait.ge [sflag:s21], $0x800  }
0x43: {  	s31 =	simm.s32 $0x80;
	s29 =	sadd.s32 $0x10, s22;
	[sflag:s21] =	ssyncset.done $0x0  }
.LBB2_4:
0x44: {  	s2 =	sshra.s32 s30, $0x2  }
0x45: {  	[sflag:s21] =	ssyncadd.s32 $0xFFFFF800;
	s30 =	smov.u32 s31;
	s25 =	sadd.s32 $0x40, s31  }
0x46: {  	p0 =	sne.s32 s31, $0x1FC0;
	v11 =	vld [tilespmem:s2+$0x800];
	_ =	sdelay $0x3  }
0x47: {  	v12 =	vor.u32 s29, v1  }
0x48: {  	vm1 =	vlt.s32 v12, v10;
	v12 =	vand.u32 $0x3FFF, v11;
	v11 =	vshra.s32 v11, $0xE  }
0x49: {  	v12 =	vnsel vm1, $0x0, v12;
	v11 =	vsub.s32 v11, v0  }
0x4a: {  	v11 =	vnsel vm1, $0x140, v11;
	_ =	sdelay $0x2  }
0x4b: {  	v11 =	vadd.s32 v2, v11  }
0x4c: {  	[tilespmem:s5], [sflag:$0x1] =	stream.indirect_vreg.gather [hbm4b:s1+s5], $0x80, v12, vm0, $0xb8;
	[tilespmem:$0x1FA00] =	vst v63  }
0x4d: {  	_ =	swait.ge [sflag:s21], $0x800  }
.Ltmp1:
0x4e: {  	[sflag:s21] =	ssyncset.done $0x0;
	(pc) =	sbr.rel @p0 .LBB2_4-.Ltmp1, $4  }
0x4f: {  	[sflag:s21] =	ssyncadd.s32 $0xFFFFF800  }
0x50: {  	[spmem:s4] =	stream.indirect_vreg.scatter.add.f32 [tilespmem:s5], [sflag:$0x1], $0x80, v11, vm0, $0xb8;
	[tilespmem:$0x1FA00] =	vst v63  }
0x51: {  	_ =	swait.ge [sflag:s21], $0x800  }
0x52: {  	s29 =	sadd.s32 $0x10, s29;
	s31 =	smov.u32 s25;
	[sflag:s21] =	ssyncset.done $0x0  }
0x53: {  	s2 =	sshra.s32 s30, $0x2;
	[sflag:s21] =	ssyncadd.s32 $0xFFFFF800  }
0x54: {  	v11 =	vld [tilespmem:s2+$0x800];
	_ =	sdelay $0x3  }
0x55: {  	v12 =	vor.u32 s29, v1  }
0x56: {  	vm1 =	vlt.s32 v12, v10;
	v63 =	vand.u32 $0x3FFF, v11  }
0x57: {  	v12 =	vnsel vm1, $0x0, v63  }
0x58: {  	v11 =	vshra.s32 v11, $0xE  }
0x59: {  	v11 =	vsub.s32 v11, v0  }
0x5a: {  	v11 =	vnsel vm1, $0x140, v11  }
0x5b: {  	v11 =	vadd.s32 v2, v11  }
0x5c: {  	[tilespmem:s5], [sflag:$0x1] =	stream.indirect_vreg.gather [hbm4b:s1+s5], $0x80, v12, vm0, $0xb8;
	[tilespmem:$0x1FA00] =	vst v63  }
0x5d: {  	s22 =	sadd.s32 $0x800, s22;
	_ =	swait.ge [sflag:s21], $0x800  }
0x5e: {  	p0 =	slt.s32 s22, s0;
	[sflag:s21] =	ssyncset.done $0x0  }
.Ltmp2:
0x5f: {  	[sflag:s21] =	ssyncadd.s32 $0xFFFFF800;
	(pc) =	sbr.rel @p0 .LBB2_3-.Ltmp2, $4  }
0x60: {  	[spmem:s4] =	stream.indirect_vreg.scatter.add.f32 [tilespmem:s5], [sflag:$0x1], $0x80, v11, vm0, $0xb8;
	[tilespmem:$0x1FA00] =	vst v63  }
0x61: {  	_ =	swait.ge [sflag:s21], $0x800  }
0x62: {  	[sflag:s21] =	ssyncset.done $0x0  }
0x63: {  	[sflag:s21] =	ssyncadd.s32 $0xFFFFF800  }
.LBB2_6:
0x64: {  	s0 =	simm.s32 $0x0  }
0x65: {  	s3 =	simm.s32 $0x1;
	s2 =	simm.s32 $0x1000;
	v10 =	vmov s0  }
0x66: {  	[tilespmem:s2], [sflag:$0x1] =	stream.linear.gather [spmem:s7], $0xA000, $0x38;
	v11 =	vmov s3;
	[tilespmem:$0x1FA00] =	vst v63  }
0x67: {  	_ =	swait.ge [sflag:s21], $0xA000  }
0x68: {  	[sflag:s21] =	ssyncset.done $0x0  }
0x69: {  	[sflag:s21] =	ssyncadd.s32 $0xFFFF6000  }
0x6a: {  	v12 =	vld.idx.msk [tilespmem:v10+s23+$0x0], $0xffff  }
0x6b: {  	v13 =	vld.idx.msk [tilespmem:v11+s23+$0x0], $0xffff;
	_ =	sdelay $0x3  }
0x6c: {  	v12 =	vcvt.s32.f32 v12  }
0x6d: {  	v13 =	vcvt.s32.f32 v13  }
0x6e: {  	(erf) = vrcp.f32 v12  }
0x6f: {  	s22 =	simm.s32 $0x2;
	(erf) = vrcp.f32 v13  }
0x70: {  	v12 =	vmov s22;
	_ =	sdelay $0x1  }
0x71: {  	s3 =	simm.s32 $0x1080  }
0x72: {  	s25 =	simm.s32 $0x3;
	v13 =	vld [tilespmem:s3+$0xFFFFFF80]  }
0x73: {  	v14 =	vmov s25;
	v29 =	vshll.u32 v10, $0x7;
	v10 =	vld [tilespmem:s3+$0x0]  }
0x74: {  	v28 =	vshll.u32 v11, $0x7;
	v11 =	vor.u32 v1, v29;
	v15 =	vld.idx.msk [tilespmem:v12+s23+$0x0], $0xffff  }
0x75: {  	v16 =	vor.u32 v1, v28  }
0x76: {  	v24 =	vpop (erf)  }
0x77: {  	v13 =	vmul.f32 v24, v13;
	v25 =	vpop (erf)  }
0x78: {  	v17 =	vld.idx.msk [tilespmem:v14+s23+$0x0], $0xffff;
	v10 =	vmul.f32 v25, v10  }
0x79: {  	[tilespmem:v11+s26+$0x0] =	vst.idx.msk $0xffff, v13;
	v11 =	vcvt.s32.f32 v15  }
0x7a: {  	v13 =	vld [tilespmem:s3+$0xFFFFFF90];
	[tilespmem:v16+s26+$0x0] =	vst.idx.msk $0xffff, v10  }
0x7b: {  	v10 =	vld [tilespmem:s3+$0x10];
	(erf) = vrcp.f32 v11  }
0x7c: {  	v15 =	vor.u32 v3, v29  }
0x7d: {  	v16 =	vor.u32 v3, v28;
	v11 =	vcvt.s32.f32 v17;
	_ =	sdelay $0x1  }
0x7e: {  	s29 =	simm.s32 $0x1180;
	(erf) = vrcp.f32 v11;
	v13 =	vmul.f32 v13, v24  }
0x7f: {  	s2 =	simm.s32 $0x4;
	v17 =	vld [tilespmem:s29+$0xFFFFFF80];
	v10 =	vmul.f32 v10, v25  }
0x80: {  	v18 =	vmov s2;
	s22 =	simm.s32 $0x5;
	v11 =	vshll.u32 v12, $0x7;
	[tilespmem:v15+s26+$0x0] =	vst.idx.msk $0xffff, v13  }
0x81: {  	v15 =	vmov s22;
	[tilespmem:v16+s26+$0x0] =	vst.idx.msk $0xffff, v10;
	v16 =	vor.u32 v1, v11  }
0x82: {  	v12 =	vld [tilespmem:s3+$0xFFFFFFA0]  }
0x83: {  	v20 =	vld [tilespmem:s29+$0x0];
	v10 =	vpop (erf)  }
0x84: {  	v21 =	vor.u32 v4, v29;
	v13 =	vshll.u32 v14, $0x7;
	v19 =	vld [tilespmem:s3+$0x20];
	v17 =	vmul.f32 v10, v17  }
0x85: {  	v14 =	vld.idx.msk [tilespmem:v18+s23+$0x0], $0xffff;
	v22 =	vor.u32 v1, v13  }
0x86: {  	v23 =	vld.idx.msk [tilespmem:v15+s23+$0x0], $0xffff;
	[tilespmem:v16+s26+$0x0] =	vst.idx.msk $0xffff, v17;
	v16 =	vor.u32 v4, v28  }
0x87: {  	v17 =	vmul.f32 v12, v24;
	v12 =	vpop (erf)  }
0x88: {  	v26 =	vld [tilespmem:s29+$0xFFFFFF90];
	v20 =	vmul.f32 v12, v20  }
0x89: {  	v19 =	vmul.f32 v19, v25;
	[tilespmem:v21+s26+$0x0] =	vst.idx.msk $0xffff, v17  }
0x8a: {  	v14 =	vcvt.s32.f32 v14;
	v17 =	vor.u32 v3, v11;
	v21 =	vld [tilespmem:s3+$0xFFFFFFB0];
	[tilespmem:v22+s26+$0x0] =	vst.idx.msk $0xffff, v20  }
0x8b: {  	v20 =	vcvt.s32.f32 v23;
	v22 =	vld [tilespmem:s29+$0x10];
	[tilespmem:v16+s26+$0x0] =	vst.idx.msk $0xffff, v19  }
0x8c: {  	(erf) = vrcp.f32 v14;
	v16 =	vor.u32 v5, v29;
	v19 =	vld [tilespmem:s3+$0x30]  }
0x8d: {  	s25 =	simm.s32 $0x6;
	v14 =	vmul.f32 v26, v10;
	(erf) = vrcp.f32 v20  }
0x8e: {  	v30 =	vmov s25;
	v20 =	vor.u32 v3, v13  }
0x8f: {  	[tilespmem:v17+s26+$0x0] =	vst.idx.msk $0xffff, v14;
	v17 =	vor.u32 v5, v28;
	v21 =	vmul.f32 v21, v24  }
0x90: {  	s30 =	simm.s32 $0x1280;
	v23 =	vld [tilespmem:s29+$0xFFFFFFA0]  }
0x91: {  	s2 =	simm.s32 $0x7;
	v27 =	vld [tilespmem:s30+$0xFFFFFF80];
	v22 =	vmul.f32 v22, v12;
	[tilespmem:v16+s26+$0x0] =	vst.idx.msk $0xffff, v21;
	v16 =	vmul.f32 v19, v25  }
0x92: {  	v26 =	vor.u32 v4, v11;
	v14 =	vshll.u32 v18, $0x7;
	v18 =	vmov s2;
	v21 =	vld [tilespmem:s30+$0x0]  }
0x93: {  	v33 =	vld.idx.msk [tilespmem:v30+s23+$0x0], $0xffff;
	v15 =	vshll.u32 v15, $0x7;
	[tilespmem:v20+s26+$0x0] =	vst.idx.msk $0xffff, v22;
	v20 =	vor.u32 v1, v14  }
0x94: {  	v31 =	vor.u32 v1, v15;
	v19 =	vld [tilespmem:s3+$0xFFFFFFC0];
	[tilespmem:v17+s26+$0x0] =	vst.idx.msk $0xffff, v16  }
0x95: {  	v23 =	vmul.f32 v23, v10;
	v32 =	vld [tilespmem:s3+$0x40];
	v16 =	vpop (erf)  }
0x96: {  	v22 =	vld [tilespmem:s29+$0x20];
	v27 =	vmul.f32 v16, v27;
	v17 =	vpop (erf)  }
0x97: {  	[tilespmem:v26+s26+$0x0] =	vst.idx.msk $0xffff, v23;
	v23 =	vld.idx.msk [tilespmem:v18+s23+$0x0], $0xffff;
	v26 =	vor.u32 v6, v28;
	v21 =	vmul.f32 v17, v21  }
0x98: {  	v34 =	vor.u32 v6, v29;
	[tilespmem:v20+s26+$0x0] =	vst.idx.msk $0xffff, v27;
	v20 =	vld [tilespmem:s29+$0xFFFFFFB0]  }
0x99: {  	v27 =	vld [tilespmem:s30+$0xFFFFFF90];
	[tilespmem:v31+s26+$0x0] =	vst.idx.msk $0xffff, v21;
	v21 =	vor.u32 v4, v13  }
0x9a: {  	v35 =	vor.u32 v5, v11;
	v32 =	vmul.f32 v32, v25  }
0x9b: {  	s31 =	simm.s32 $0x1380;
	s22 =	simm.s32 $0x8;
	v36 =	vor.u32 v3, v14;
	v19 =	vmul.f32 v19, v24;
	v31 =	vld [tilespmem:s30+$0x10]  }
0x9c: {  	v37 =	vld [tilespmem:s31+$0xFFFFFF80];
	v33 =	vcvt.s32.f32 v33;
	v48 =	vmov s22;
	v22 =	vmul.f32 v22, v12;
	[tilespmem:v26+s26+$0x0] =	vst.idx.msk $0xffff, v32  }
0x9d: {  	v38 =	vor.u32 v3, v15;
	[tilespmem:v34+s26+$0x0] =	vst.idx.msk $0xffff, v19;
	v19 =	vcvt.s32.f32 v23;
	v23 =	vld [tilespmem:s3+$0x50];
	v20 =	vmul.f32 v20, v10  }
0x9e: {  	(erf) = vrcp.f32 v33;
	v26 =	vmul.f32 v27, v16;
	[tilespmem:v21+s26+$0x0] =	vst.idx.msk $0xffff, v22;
	v21 =	vld [tilespmem:s3+$0xFFFFFFD0]  }
0x9f: {  	(erf) = vrcp.f32 v19;
	v22 =	vor.u32 v7, v28;
	[tilespmem:v35+s26+$0x0] =	vst.idx.msk $0xffff, v20;
	v20 =	vld [tilespmem:s29+$0x30]  }
0xa0: {  	v50 =	vld [tilespmem:s31+$0x0];
	v19 =	vmul.f32 v31, v17;
	[tilespmem:v36+s26+$0x0] =	vst.idx.msk $0xffff, v26;
	v26 =	vor.u32 v7, v29  }
0xa1: {  	v61 =	vor.u32 v5, v13;
	v42 =	vld.idx.msk [tilespmem:v48+s23+$0x0], $0xffff  }
0xa2: {  	s0 =	simm.s32 $0x1480;
	v62 =	vld [tilespmem:s30+$0xFFFFFFA0];
	[tilespmem:v38+s26+$0x0] =	vst.idx.msk $0xffff, v19;
	v19 =	vmul.f32 v23, v25  }
0xa3: {  	s25 =	simm.s32 $0x9;
	v27 =	vld [tilespmem:s0+$0xFFFFFF80];
	v23 =	vor.u32 v4, v14;
	v49 =	vmul.f32 v21, v24  }
0xa4: {  	v31 =	vld [tilespmem:s29+$0xFFFFFFC0];
	v21 =	vshll.u32 v30, $0x7;
	v30 =	vmov s25;
	[tilespmem:v22+s26+$0x0] =	vst.idx.msk $0xffff, v19;
	v20 =	vmul.f32 v20, v12  }
0xa5: {  	v19 =	vshll.u32 v18, $0x7;
	v22 =	vor.u32 v1, v21;
	v51 =	vld [tilespmem:s3+$0x60];
	[tilespmem:v26+s26+$0x0] =	vst.idx.msk $0xffff, v49  }
0xa6: {  	v39 =	vor.u32 v1, v19;
	[tilespmem:v61+s26+$0x0] =	vst.idx.msk $0xffff, v20;
	v52 =	vld [tilespmem:s3+$0xFFFFFFE0]  }
0xa7: {  	v40 =	vor.u32 v8, v28;
	v43 =	vor.u32 v8, v29;
	v18 =	vpop (erf);
	v33 =	vmul.f32 v62, v16;
	v41 =	vld [tilespmem:s29+$0x40]  }
0xa8: {  	v44 =	vor.u32 v6, v11;
	v54 =	vor.u32 v6, v13;
	v63 =	vld [tilespmem:s30+$0x20];
	v37 =	vmul.f32 v18, v37;
	v20 =	vpop (erf)  }
0xa9: {  	v57 =	vor.u32 v4, v15;
	[tilespmem:v23+s26+$0x0] =	vst.idx.msk $0xffff, v33;
	v53 =	vld.idx.msk [tilespmem:v30+s23+$0x0], $0xffff;
	v23 =	vmul.f32 v20, v50  }
0xaa: {  	v46 =	vor.u32 v5, v14;
	[tilespmem:v22+s26+$0x0] =	vst.idx.msk $0xffff, v37;
	v55 =	vld [tilespmem:s30+$0xFFFFFFB0];
	v22 =	vmul.f32 v51, v25  }
0xab: {  	v35 =	vor.u32 v9, v28;
	v56 =	vld [tilespmem:s31+$0xFFFFFF90];
	[tilespmem:v39+s26+$0x0] =	vst.idx.msk $0xffff, v23;
	v23 =	vmul.f32 v52, v24  }
0xac: {  	v59 =	vor.u32 v3, v21;
	[tilespmem:v40+s26+$0x0] =	vst.idx.msk $0xffff, v22;
	v45 =	vld [tilespmem:s31+$0x10];
	v58 =	vmul.f32 v41, v12  }
0xad: {  	v47 =	vor.u32 v3, v19;
	v31 =	vmul.f32 v31, v10;
	v60 =	vld [tilespmem:s3+$0x70];
	[tilespmem:v43+s26+$0x0] =	vst.idx.msk $0xffff, v23  }
0xae: {  	v62 =	vcvt.s32.f32 v42;
	v34 =	vmul.f32 v63, v17;
	v22 =	vshll.u32 v48, $0x7;
	[tilespmem:v54+s26+$0x0] =	vst.idx.msk $0xffff, v58;
	v48 =	vld [tilespmem:s3+$0xFFFFFFF0]  }
0xaf: {  	v29 =	vor.u32 v9, v29;
	[tilespmem:v44+s26+$0x0] =	vst.idx.msk $0xffff, v31;
	v33 =	vcvt.s32.f32 v53;
	v31 =	vmul.f32 v55, v16;
	v61 =	vld [tilespmem:s29+$0x50]  }
0xb0: {  	v36 =	vor.u32 v7, v13;
	v32 =	vld [tilespmem:s29+$0xFFFFFFD0];
	(erf) = vrcp.f32 v62;
	[tilespmem:v57+s26+$0x0] =	vst.idx.msk $0xffff, v34;
	v63 =	vmul.f32 v56, v18  }
0xb1: {  	v26 =	vor.u32 v4, v21;
	v38 =	vld [tilespmem:s30+$0x30];
	(erf) = vrcp.f32 v33;
	[tilespmem:v46+s26+$0x0] =	vst.idx.msk $0xffff, v31;
	v28 =	vmul.f32 v45, v20  }
0xb2: {  	v37 =	vor.u32 v5, v15;
	v33 =	vor.u32 v7, v11;
	[tilespmem:v59+s26+$0x0] =	vst.idx.msk $0xffff, v63;
	v34 =	vld [tilespmem:s30+$0xFFFFFFC0]  }
0xb3: {  	v23 =	vshll.u32 v30, $0x7;
	v30 =	vor.u32 v4, v22;
	v40 =	vmul.f32 v60, v25;
	v41 =	vld [tilespmem:s31+$0xFFFFFFA0];
	[tilespmem:v47+s26+$0x0] =	vst.idx.msk $0xffff, v28  }
0xb4: {  	s22 =	simm.s32 $0x1580;
	s3 =	simm.s32 $0xA;
	v31 =	vmul.f32 v48, v24;
	v24 =	vor.u32 v8, v13;
	v42 =	vld [tilespmem:s31+$0x20];
	v39 =	vmul.f32 v61, v12  }
.LBB2_7:
0xb5: {  	v25 =	vmov s3;
	v28 =	vld [tilespmem:s22+$0xFFFFFF80];
	s2 =	sadd.s32 $0x1, s3;
	p0 =	slt.u32 s3, $0x13E;
	s3 =	sadd.s32 $0x2, s3;
	v43 =	vor.u32 v6, v14;
	v32 =	vmul.f32 v32, v10;
	[tilespmem:v35+s26+$0x0] =	vst.idx.msk $0x7fff, v40;
	v44 =	vmovc v23  }
0xb6: {  	v45 =	vshll.u32 v25, $0x7;
	v35 =	vmov s2;
	v40 =	vld [tilespmem:s0+$0x0];
	v38 =	vmul.f32 v38, v17;
	[tilespmem:v36+s26+$0x0] =	vst.idx.msk $0xffff, v39;
	v39 =	vmovc v10;
	v10 =	vmovc v16  }
0xb7: {  	v36 =	vor.u32 v1, v22;
	v23 =	vshll.u32 v35, $0x7;
	v34 =	vmul.f32 v34, v10;
	[tilespmem:v33+s26+$0x0] =	vst.idx.msk $0xffff, v32;
	v32 =	vld [tilespmem:s29+$0x60]  }
0xb8: {  	v16 =	vmov v18;
	v33 =	vor.u32 v1, v44;
	v41 =	vmul.f32 v41, v18;
	[tilespmem:v37+s26+$0x0] =	vst.idx.msk $0xffff, v38;
	v37 =	vld [tilespmem:s29+$0xFFFFFFE0]  }
0xb9: {  	v47 =	vmov v12;
	v38 =	vor.u32 v4, v45;
	v18 =	vpop (erf);
	v42 =	vmul.f32 v42, v20;
	v46 =	vld [tilespmem:s30+$0x40];
	[tilespmem:v29+s26+$0x0] =	vst.idx.msk $0x7fff, v31  }
0xba: {  	v31 =	vor.u32 v8, v11;
	v25 =	vld.idx.msk [tilespmem:v25+s23+$0x0], $0xffff;
	v48 =	vmul.f32 v18, v27;
	v29 =	vpop (erf);
	[tilespmem:v26+s26+$0x0] =	vst.idx.msk $0xffff, v41  }
0xbb: {  	v35 =	vld.idx.msk [tilespmem:v35+s23+$0x0], $0xffff;
	v40 =	vmul.f32 v29, v40;
	[tilespmem:v43+s26+$0x0] =	vst.idx.msk $0xffff, v34;
	v34 =	vor.u32 v6, v15  }
0xbc: {  	v27 =	vmovc v28;
	v26 =	vmov v30;
	v30 =	vmov v38;
	[tilespmem:v36+s26+$0x0] =	vst.idx.msk $0xffff, v48;
	v36 =	vld [tilespmem:s31+$0xFFFFFFB0];
	v32 =	vmul.f32 v32, v47  }
0xbd: {  	v12 =	vmov v17;
	v28 =	vld [tilespmem:s0+$0xFFFFFF90];
	[tilespmem:v33+s26+$0x0] =	vst.idx.msk $0xffff, v40;
	v33 =	vor.u32 v4, v19;
	v37 =	vmul.f32 v37, v39  }
0xbe: {  	v17 =	vmov v20;
	v40 =	vor.u32 v5, v21;
	v38 =	vld [tilespmem:s0+$0x10];
	v41 =	vmul.f32 v46, v12;
	[tilespmem:v24+s26+$0x0] =	vst.idx.msk $0xffff, v32  }
0xbf: {  	v20 =	vmov v29;
	v24 =	vor.u32 v3, v22;
	[tilespmem:v31+s26+$0x0] =	vst.idx.msk $0xffff, v37;
	v43 =	vld [tilespmem:s29+$0x70]  }
0xc0: {  	v25 =	vcvt.s32.f32 v25;
	v31 =	vor.u32 v3, v44;
	[tilespmem:v34+s26+$0x0] =	vst.idx.msk $0xffff, v41;
	v46 =	vld [tilespmem:s29+$0xFFFFFFF0];
	s29 =	smov.u32 s30;
	s30 =	smov.u32 s31;
	s31 =	smov.u32 s0  }
0xc1: {  	v29 =	vor.u32 v9, v11;
	v11 =	vmovc v14;
	v14 =	vmovc v21;
	v34 =	vcvt.s32.f32 v35;
	s0 =	smov.u32 s22;
	v36 =	vmul.f32 v36, v16;
	v48 =	vld [tilespmem:s29+$0x50]  }
.Ltmp3:
0xc2: {  	v35 =	vor.u32 v9, v13;
	(erf) = vrcp.f32 v25;
	v25 =	vmul.f32 v28, v18;
	[tilespmem:v33+s26+$0x0] =	vst.idx.msk $0xffff, v42;
	v32 =	vld [tilespmem:s29+$0xFFFFFFD0];
	(pc) =	sbr.rel @p0 .LBB2_7-.Ltmp3, $4  }
0xc3: {  	(erf) = vrcp.f32 v34;
	v28 =	vmul.f32 v38, v20;
	[tilespmem:v40+s26+$0x0] =	vst.idx.msk $0xffff, v36;
	v38 =	vld [tilespmem:s30+$0x30];
	v36 =	vor.u32 v7, v15  }
0xc4: {  	v21 =	vmov v22;
	v37 =	vor.u32 v5, v19;
	v33 =	vor.u32 v7, v11;
	[tilespmem:v24+s26+$0x0] =	vst.idx.msk $0xffff, v25;
	v34 =	vld [tilespmem:s30+$0xFFFFFFC0]  }
0xc5: {  	v22 =	vmov v45;
	v40 =	vmul.f32 v43, v47;
	v41 =	vld [tilespmem:s31+$0xFFFFFFA0];
	[tilespmem:v31+s26+$0x0] =	vst.idx.msk $0xffff, v28;
	v31 =	vmul.f32 v46, v39  }
0xc6: {  	s22 =	sadd.s32 $0x100, s22;
	v13 =	vmovc v15;
	v24 =	vor.u32 v8, v15;
	v15 =	vmovc v19;
	v19 =	vmov v44;
	v42 =	vld [tilespmem:s31+$0x20];
	v39 =	vmul.f32 v48, v12  }
0xc7: {  	_ = 	snop  }
0xc8: {  	v43 =	vld [tilespmem:s0+$0x0]  }
0xc9: {  	v45 =	vor.u32 v1, v22  }
0xca: {  	v44 =	vor.u32 v1, v23  }
0xcb: {  	v25 =	vpop (erf)  }
0xcc: {  	v28 =	vpop (erf);
	v27 =	vmul.f32 v25, v27  }
0xcd: {  	v43 =	vmul.f32 v28, v43  }
0xce: {  	[tilespmem:v45+s26+$0x0] =	vst.idx.msk $0xffff, v27  }
0xcf: {  	[tilespmem:v44+s26+$0x0] =	vst.idx.msk $0xffff, v43;
	v60 =	vld [tilespmem:s0+$0xFFFFFF90]  }
0xd0: {  	v59 =	vld [tilespmem:s0+$0x10]  }
0xd1: {  	v62 =	vor.u32 v3, v22  }
0xd2: {  	v61 =	vor.u32 v3, v23;
	_ =	sdelay $0x1  }
0xd3: {  	v43 =	vmul.f32 v60, v25  }
0xd4: {  	v27 =	vmul.f32 v59, v28  }
0xd5: {  	v63 =	vor.u32 v4, v19;
	[tilespmem:v62+s26+$0x0] =	vst.idx.msk $0xffff, v43  }
0xd6: {  	[tilespmem:v61+s26+$0x0] =	vst.idx.msk $0xffff, v27;
	v49 =	vld [tilespmem:s0+$0xFFFFFFA0]  }
0xd7: {  	v48 =	vld [tilespmem:s0+$0x20]  }
0xd8: {  	v42 =	vmul.f32 v42, v20  }
0xd9: {  	v50 =	vor.u32 v4, v23;
	v41 =	vmul.f32 v41, v18  }
0xda: {  	[tilespmem:v63+s26+$0x0] =	vst.idx.msk $0xffff, v42  }
0xdb: {  	[tilespmem:v26+s26+$0x0] =	vst.idx.msk $0xffff, v41;
	v52 =	vld [tilespmem:s31+$0x30];
	v53 =	vmul.f32 v49, v25  }
0xdc: {  	v54 =	vld [tilespmem:s31+$0xFFFFFFB0];
	v51 =	vmul.f32 v48, v28  }
0xdd: {  	v55 =	vor.u32 v5, v19;
	[tilespmem:v30+s26+$0x0] =	vst.idx.msk $0xffff, v53  }
0xde: {  	v57 =	vor.u32 v5, v21;
	[tilespmem:v50+s26+$0x0] =	vst.idx.msk $0xffff, v51;
	v58 =	vld [tilespmem:s0+$0xFFFFFFB0]  }
0xdf: {  	v56 =	vld [tilespmem:s0+$0x30]  }
0xe0: {  	v26 =	vmul.f32 v52, v20;
	v60 =	vor.u32 v5, v22  }
0xe1: {  	v42 =	vmul.f32 v54, v18;
	v59 =	vor.u32 v5, v23  }
0xe2: {  	v38 =	vmul.f32 v38, v17;
	[tilespmem:v55+s26+$0x0] =	vst.idx.msk $0xffff, v26  }
0xe3: {  	[tilespmem:v57+s26+$0x0] =	vst.idx.msk $0xffff, v42;
	v63 =	vld [tilespmem:s31+$0x40];
	v45 =	vmul.f32 v58, v25  }
0xe4: {  	v46 =	vor.u32 v6, v14;
	[tilespmem:v37+s26+$0x0] =	vst.idx.msk $0xffff, v38;
	v42 =	vld [tilespmem:s31+$0xFFFFFFC0];
	v61 =	vmul.f32 v56, v28  }
0xe5: {  	v47 =	vor.u32 v6, v19;
	v38 =	vld [tilespmem:s30+$0x40];
	[tilespmem:v60+s26+$0x0] =	vst.idx.msk $0xffff, v45  }
0xe6: {  	v50 =	vor.u32 v6, v21;
	[tilespmem:v59+s26+$0x0] =	vst.idx.msk $0xffff, v61;
	v51 =	vld [tilespmem:s0+$0xFFFFFFC0]  }
0xe7: {  	[tilespmem:v35+s26+$0x0] =	vst.idx.msk $0x7fff, v40;
	v34 =	vmul.f32 v34, v16;
	v62 =	vor.u32 v6, v15;
	v48 =	vld [tilespmem:s0+$0x40]  }
0xe8: {  	[tilespmem:v29+s26+$0x0] =	vst.idx.msk $0x7fff, v31;
	v54 =	vor.u32 v6, v22;
	v53 =	vmul.f32 v63, v20  }
0xe9: {  	[tilespmem:v46+s26+$0x0] =	vst.idx.msk $0xffff, v34;
	v52 =	vor.u32 v6, v23;
	v56 =	vmul.f32 v42, v18  }
0xea: {  	v57 =	vld [tilespmem:s30+$0xFFFFFFD0];
	v49 =	vmul.f32 v38, v17;
	[tilespmem:v47+s26+$0x0] =	vst.idx.msk $0xffff, v53  }
0xeb: {  	v60 =	vld [tilespmem:s31+$0x50];
	[tilespmem:v50+s26+$0x0] =	vst.idx.msk $0xffff, v56;
	v61 =	vmul.f32 v51, v25  }
0xec: {  	[tilespmem:v62+s26+$0x0] =	vst.idx.msk $0xffff, v49;
	v62 =	vor.u32 v7, v14;
	v63 =	vld [tilespmem:s31+$0xFFFFFFD0];
	v58 =	vmul.f32 v48, v28  }
0xed: {  	v32 =	vmul.f32 v32, v10;
	v55 =	vld [tilespmem:s30+$0x50];
	v42 =	vor.u32 v7, v19;
	[tilespmem:v54+s26+$0x0] =	vst.idx.msk $0xffff, v61  }
0xee: {  	v44 =	vor.u32 v7, v21;
	[tilespmem:v52+s26+$0x0] =	vst.idx.msk $0xffff, v58;
	v45 =	vld [tilespmem:s0+$0xFFFFFFD0]  }
0xef: {  	[tilespmem:v33+s26+$0x0] =	vst.idx.msk $0xffff, v32;
	v47 =	vmul.f32 v57, v16;
	v59 =	vor.u32 v7, v15;
	v43 =	vld [tilespmem:s0+$0x50]  }
0xf0: {  	[tilespmem:v36+s26+$0x0] =	vst.idx.msk $0xffff, v39;
	v49 =	vld [tilespmem:s29+$0xFFFFFFE0];
	v50 =	vmul.f32 v60, v20;
	v51 =	vor.u32 v7, v22  }
0xf1: {  	v46 =	vld [tilespmem:s29+$0x60];
	[tilespmem:v62+s26+$0x0] =	vst.idx.msk $0xffff, v47;
	v48 =	vor.u32 v7, v23;
	v53 =	vmul.f32 v63, v18  }
0xf2: {  	v26 =	vmul.f32 v55, v17;
	v39 =	vld [tilespmem:s30+$0xFFFFFFE0];
	[tilespmem:v42+s26+$0x0] =	vst.idx.msk $0xffff, v50;
	v54 =	vor.u32 v8, v11  }
0xf3: {  	v57 =	vld [tilespmem:s31+$0x60];
	[tilespmem:v44+s26+$0x0] =	vst.idx.msk $0xffff, v53;
	v58 =	vmul.f32 v45, v25  }
0xf4: {  	v60 =	vor.u32 v8, v14;
	[tilespmem:v59+s26+$0x0] =	vst.idx.msk $0xffff, v26;
	v37 =	vld [tilespmem:s31+$0xFFFFFFE0];
	v55 =	vmul.f32 v43, v28  }
0xf5: {  	v62 =	vor.u32 v8, v19;
	v61 =	vmul.f32 v49, v10;
	v52 =	vld [tilespmem:s30+$0x60];
	[tilespmem:v51+s26+$0x0] =	vst.idx.msk $0xffff, v58  }
0xf6: {  	v41 =	vor.u32 v8, v21;
	v59 =	vmul.f32 v46, v12;
	[tilespmem:v48+s26+$0x0] =	vst.idx.msk $0xffff, v55;
	v42 =	vld [tilespmem:s0+$0xFFFFFFE0]  }
0xf7: {  	v56 =	vor.u32 v8, v15;
	v44 =	vmul.f32 v39, v16;
	[tilespmem:v54+s26+$0x0] =	vst.idx.msk $0xffff, v61;
	v63 =	vld [tilespmem:s0+$0x60]  }
0xf8: {  	v47 =	vor.u32 v8, v22;
	[tilespmem:v24+s26+$0x0] =	vst.idx.msk $0xffff, v59;
	v46 =	vmul.f32 v57, v20;
	v38 =	vld [tilespmem:s29+$0xFFFFFFF0]  }
0xf9: {  	[tilespmem:v60+s26+$0x0] =	vst.idx.msk $0xffff, v44;
	v45 =	vor.u32 v8, v23;
	v43 =	vld [tilespmem:s29+$0x70];
	v49 =	vmul.f32 v37, v18  }
0xfa: {  	v11 =	vor.u32 v9, v11;
	v36 =	vld [tilespmem:s30+$0xFFFFFFF0];
	v40 =	vmul.f32 v52, v17;
	[tilespmem:v62+s26+$0x0] =	vst.idx.msk $0xffff, v46  }
0xfb: {  	v13 =	vor.u32 v9, v13;
	v52 =	vld [tilespmem:s31+$0x70];
	[tilespmem:v41+s26+$0x0] =	vst.idx.msk $0xffff, v49;
	v53 =	vmul.f32 v42, v25  }
0xfc: {  	[tilespmem:v56+s26+$0x0] =	vst.idx.msk $0xffff, v40;
	v55 =	vor.u32 v9, v14;
	v56 =	vld [tilespmem:s31+$0xFFFFFFF0];
	v50 =	vmul.f32 v63, v28  }
0xfd: {  	v57 =	vor.u32 v9, v19;
	v48 =	vld [tilespmem:s30+$0x70];
	v10 =	vmul.f32 v38, v10;
	[tilespmem:v47+s26+$0x0] =	vst.idx.msk $0xffff, v53  }
0xfe: {  	v59 =	vor.u32 v9, v21;
	v54 =	vmul.f32 v43, v12;
	[tilespmem:v45+s26+$0x0] =	vst.idx.msk $0xffff, v50;
	v60 =	vld [tilespmem:s0+$0xFFFFFFF0]  }
0xff: {  	v51 =	vor.u32 v9, v15;
	[tilespmem:v11+s26+$0x0] =	vst.idx.msk $0x7fff, v10;
	v10 =	vmul.f32 v36, v16;
	v24 =	vld [tilespmem:s0+$0x70]  }
0x100: {  	v62 =	vor.u32 v9, v22;
	v61 =	vmul.f32 v52, v20;
	[tilespmem:v13+s26+$0x0] =	vst.idx.msk $0x7fff, v54  }
0x101: {  	v11 =	vor.u32 v9, v23;
	[tilespmem:v55+s26+$0x0] =	vst.idx.msk $0x7fff, v10;
	v10 =	vmul.f32 v56, v18  }
0x102: {  	v58 =	vmul.f32 v48, v17;
	[tilespmem:v57+s26+$0x0] =	vst.idx.msk $0x7fff, v61  }
0x103: {  	[tilespmem:v59+s26+$0x0] =	vst.idx.msk $0x7fff, v10;
	v10 =	vmul.f32 v60, v25  }
0x104: {  	[tilespmem:v51+s26+$0x0] =	vst.idx.msk $0x7fff, v58;
	v63 =	vmul.f32 v24, v28  }
0x105: {  	[tilespmem:v62+s26+$0x0] =	vst.idx.msk $0x7fff, v10  }
0x106: {  	[tilespmem:v11+s26+$0x0] =	vst.idx.msk $0x7fff, v63  }
0x107: {  	[hbm4b:s12+s5] =	stream.linear.scatter [tilespmem:s26], [sflag:$0x1], $0x2800, $0x38;
	[tilespmem:$0x1FA00] =	vst v63  }
0x108: {  	_ =	swait.ge [sflag:s21], $0x2800  }
0x109: {  	[sflag:s21] =	ssyncset.done $0x0  }
0x10a: {  	[sflag:s21] =	ssyncadd.s32 $0xFFFFD800  }
0x10b: {  	[hbm4b:s13+s5] =	stream.linear.scatter [tilespmem:s14], [sflag:$0x1], $0x2800, $0x38;
	[tilespmem:$0x1FA00] =	vst v63  }
0x10c: {  	_ =	swait.ge [sflag:s21], $0x2800  }
0x10d: {  	[sflag:s21] =	ssyncset.done $0x0  }
0x10e: {  	[sflag:s21] =	ssyncadd.s32 $0xFFFFD800  }
0x10f: {  	[hbm4b:s15+s5] =	stream.linear.scatter [tilespmem:s16], [sflag:$0x1], $0x2800, $0x38;
	[tilespmem:$0x1FA00] =	vst v63  }
0x110: {  	s28 =	sadd.s32 $0x1, s28;
	_ =	swait.ge [sflag:s21], $0x2800  }
0x111: {  	p0 =	sne.s32 s28, s19;
	[sflag:s21] =	ssyncset.done $0x0  }
.Ltmp4:
0x112: {  	[sflag:s21] =	ssyncadd.s32 $0xFFFFD800;
	(pc) =	sbr.rel @p0 .LBB2_1-.Ltmp4, $4  }
0x113: {  	[hbm4b:s17+s5] =	stream.linear.scatter [tilespmem:s18], [sflag:$0x1], $0x2800, $0x38;
	[tilespmem:$0x1FA00] =	vst v63  }
0x114: {  	_ =	swait.ge [sflag:s21], $0x2800  }
0x115: {  	[sflag:s21] =	ssyncset.done $0x0  }
0x116: {  	[sflag:s21] =	ssyncadd.s32 $0xFFFFD800  }
0x117: {  	_ =	sfence.sel $0x180000  }
0x118: {  	[bflag:$0x0] =	sbarrier.arrive $0xFFFF  }
0x119: {  	_ =	strace $0x9000004A  }
0x11a: {  	s0 =	stileid.u32;
	[bflag:$0x2] =	sbarrier.arrive $0xFFFF  }
0x11b: {  	p0 =	sne.s32 s0, $0x0;
	s0 =	rddreg [dreg:$0x4]  }
0x11c: {  	s0 =	sadd.s32 @!p0 $0x100000, s0  }
0x11d: {  	[sflag:s0] =	ssyncadd.tile.s32 @!p0 $0x1;
	_ =	shalt  }
.Lfunc_end2:
_tile_overlayer_lowered:
.L_overlay_start_2:
0x11e: {  	(tag) =	ssettag $0x2  }
0x11f: {  	s0 =	rddreg [dreg:$0x0];
	s2 =	stileid.u32  }
0x120: {  	s1 =	rddreg [dreg:$0x1];
	p0 =	sne.s32 s2, $0x0  }
0x121: {  	s3 =	rddreg [dreg:$0x2];
	[bflag:$0x3] =	sbarrier.arrive $0xFFFF;
	s2 =	simm.s32 @!p0 $0x1C01  }
0x122: {  	[timem:s3], [sflag:s2] =	dma.local @!p0 [hbm:s0], s1  }
0x123: {  	s0 =	simm.s32 @!p0 $0x1  }
0x124: {  	_ =	swait.ge @!p0 [sflag:s0], s1  }
0x125: {  	s1 =	ssub.s32 @!p0 $0x0, s1;
	[sflag:s0] =	ssyncset.done @!p0 $0x0  }
0x126: {  	[sflag:s0] =	ssyncadd.s32 @!p0 s1  }
0x127: {  	[bflag:$0x3] =	sbarrier.arrive $0xFFFF  }
0x128: {  	_ =	shalt  }

</sc_bundles>
